<compile_context>
chip_gen: v7x
topology: tpu7x:2x2x1
jax: 0.10.2.dev20260603
libtpu: 0.0.44.dev20260713+nightly
codegen_flags: <defaults>
</compile_context>

<pallas_src>
import functools

import jax
import jax.numpy as jnp
from jax import lax
from jax.experimental import pallas as pl
from jax.experimental.pallas import tpu as pltpu
from jax.experimental.pallas import tpu_sc as plsc

N = 10000
NP = 10112
D = 128
E = 320000
NC = 2
NS = 16
NW = NC * NS
EPW = E // NW
K = 128
PADE = 240
NCH = (EPW + PADE) // K
NPH = 2
NCHP = NCH // NPH
RPT = NP // NS
DEGW = 128

_mesh = plsc.VectorSubcoreMesh(
    core_axis_name="c", subcore_axis_name="s", num_cores=NC, num_subcores=NS)


@functools.partial(
    pl.kernel,
    out_type=jax.ShapeDtypeStruct((NW * NP,), jnp.float32),
    mesh=_mesh,
    scratch_types=[
        pltpu.VMEM((NCH, K), jnp.int32),
        pltpu.VMEM((NP,), jnp.float32),
    ],
    compiler_params=pltpu.CompilerParams(needs_layout_passes=False),
)
def _deg_kernel(dst_hbm, out_hbm, dst_v, hist_v):
    c = lax.axis_index("c")
    s = lax.axis_index("s")
    wid = s * NC + c
    pltpu.sync_copy(dst_hbm.at[wid], dst_v)
    zero16 = jnp.zeros((16,), jnp.float32)
    ones16 = jnp.ones((16,), jnp.float32)

    def zbody(i, carry):
        hist_v[pl.ds(i * 16, 16)] = zero16
        return carry

    lax.fori_loop(0, NP // 16, zbody, 0)

    def body(i, carry):
        j = i // (K // 16)
        l = i % (K // 16)
        idx16 = dst_v[j, pl.ds(l * 16, 16)]
        plsc.addupdate_scatter(hist_v, [idx16], ones16)
        return carry

    lax.fori_loop(0, NCH * (K // 16), body, 0)
    pltpu.sync_copy(hist_v, out_hbm.at[pl.ds(wid * NP, NP)])


@functools.partial(
    pl.kernel,
    out_type=jax.ShapeDtypeStruct((NC, NP, D), jnp.float32),
    mesh=_mesh,
    scratch_types=[
        pltpu.VMEM((NCHP, K), jnp.int32),
        pltpu.VMEM((NCHP, K), jnp.int32),
        pltpu.VMEM((K, D), jnp.float32),
        pltpu.VMEM((K, D), jnp.float32),
        pltpu.VMEM_SHARED((NP, D), jnp.float32),
        pltpu.SemaphoreType.DMA,
        pltpu.SemaphoreType.DMA,
    ],
)
def _seg_kernel(y_hbm, src_hbm, dst_hbm, out_hbm,
                src_v, dst_v, st_a, st_b, acc_sh, gs_a, gs_b):
    c = lax.axis_index("c")
    s = lax.axis_index("s")
    wid = s * NC + c
    pltpu.sync_copy(y_hbm.at[pl.ds(s * RPT, RPT)],
                    acc_sh.at[pl.ds(s * RPT, RPT)])
    plsc.subcore_barrier()

    for ph in range(NPH):
        pltpu.sync_copy(src_hbm.at[wid, pl.ds(ph * NCHP, NCHP)], src_v)
        pltpu.sync_copy(dst_hbm.at[wid, pl.ds(ph * NCHP, NCHP)], dst_v)
        pltpu.async_copy(y_hbm.at[src_v.at[0]], st_a, gs_a)

        def body(i, carry):
            j = 2 * i
            pltpu.async_copy(y_hbm.at[src_v.at[j + 1]], st_b, gs_b)
            pltpu.make_async_copy(y_hbm.at[src_v.at[0]], st_a, gs_a).wait()
            pltpu.sync_copy(st_a, acc_sh.at[dst_v.at[j]], add=True)
            jn = jnp.minimum(j + 2, NCHP - 1)
            pltpu.async_copy(y_hbm.at[src_v.at[jn]], st_a, gs_a)
            pltpu.make_async_copy(y_hbm.at[src_v.at[0]], st_b, gs_b).wait()
            pltpu.sync_copy(st_b, acc_sh.at[dst_v.at[j + 1]], add=True)
            return carry

        lax.fori_loop(0, NCHP // 2, body, 0)
        pltpu.make_async_copy(y_hbm.at[src_v.at[0]], st_a, gs_a).wait()
    plsc.subcore_barrier()
    pltpu.sync_copy(acc_sh.at[pl.ds(s * RPT, RPT)],
                    out_hbm.at[c, pl.ds(s * RPT, RPT)])


def _tca_body(x_ref, w_ref, degp_ref, y_ref, dinv_ref):
    deg = 1.0 + jnp.sum(jnp.transpose(degp_ref[...]), axis=1, keepdims=True)
    dinv = lax.rsqrt(deg)
    y_ref[...] = jnp.dot(x_ref[...], w_ref[...],
                         preferred_element_type=jnp.float32) * dinv
    dinv_ref[...] = dinv


_tca = pl.pallas_call(
    _tca_body,
    out_shape=(jax.ShapeDtypeStruct((NP, D), jnp.float32),
               jax.ShapeDtypeStruct((NP, 1), jnp.float32)),
)


def _tcb_body(y_ref, p_ref, dinv_ref, b_ref, w_ref, o_ref):
    dinv = dinv_ref[...]
    h = (p_ref[0] + p_ref[1] - y_ref[...]) * dinv + b_ref[...]
    o_ref[...] = jnp.dot(h, w_ref[...],
                         preferred_element_type=jnp.float32) * dinv


_tcb = pl.pallas_call(
    _tcb_body,
    out_shape=jax.ShapeDtypeStruct((NP, D), jnp.float32),
)


def _tcc_body(y_ref, p_ref, dinv_ref, b_ref, o_ref):
    o_ref[...] = ((p_ref[0, :N] + p_ref[1, :N] - y_ref[:N])
                  * dinv_ref[:N] + b_ref[...])


_tcc = pl.pallas_call(
    _tcc_body,
    out_shape=jax.ShapeDtypeStruct((N, D), jnp.float32),
)


def kernel(features, edge_index, W0, b0, W1, b1, W2, b2):
    dummy = (N + (jnp.arange(PADE, dtype=jnp.int32) % (NP - N)))
    dummy = jnp.broadcast_to(dummy, (NW, PADE))
    src = jnp.concatenate(
        [edge_index[0].reshape(NW, EPW), dummy], axis=1).reshape(NW, NCH, K)
    dst = jnp.concatenate(
        [edge_index[1].reshape(NW, EPW), dummy], axis=1).reshape(NW, NCH, K)
    xpad = jnp.concatenate(
        [features, jnp.zeros((NP - N, D), jnp.float32)], axis=0)

    degp = _deg_kernel(dst).reshape(NW, NP)
    y0, dinv = _tca(xpad, W0, degp)
    p0 = _seg_kernel(y0, src, dst)
    y1 = _tcb(y0, p0, dinv, b0.reshape(1, D), W1)
    p1 = _seg_kernel(y1, src, dst)
    y2 = _tcb(y1, p1, dinv, b1.reshape(1, D), W2)
    p2 = _seg_kernel(y2, src, dst)
    return _tcc(y2, p2, dinv, b2.reshape(1, D))

# --- scband reference (transcript-rebuilt; emitter-appended) ---
"""Pipeline reference for scband-gcn-4475355922529 (READ-ONLY COPY).

The authoritative reference and input builder live on the scoring server;
editing this copy changes nothing except your own understanding.
"""

import jax, jax.numpy as jnp
import numpy as np

N = 10000
E = 320000
D_IN = 128
D_H = 128


def gcn_conv(x, edge_index, W, b):
    n = x.shape[0]
    src = edge_index[0]
    dst = edge_index[1]
    # add self loops (PyG GCNConv default)
    loop = jnp.arange(n, dtype=src.dtype)
    src = jnp.concatenate([src, loop])
    dst = jnp.concatenate([dst, loop])
    # symmetric normalization D^{-1/2} A_hat D^{-1/2}
    ones = jnp.ones(src.shape[0], dtype=x.dtype)
    deg = jnp.zeros((n,), dtype=x.dtype).at[dst].add(ones)
    deg_inv_sqrt = jnp.where(deg > 0, jax.lax.rsqrt(jnp.maximum(deg, 1e-12)), 0.0)
    norm = deg_inv_sqrt[src] * deg_inv_sqrt[dst]
    xw = x @ W
    msgs = xw[src] * norm[:, None]
    out = jnp.zeros((n, W.shape[1]), dtype=x.dtype).at[dst].add(msgs)
    return out + b


def setup_inputs(seed: int = 0) -> dict:
    key = jax.random.key(seed)
    ks = jax.random.split(key, 8)
    features = jax.random.normal(ks[0], (N, D_IN), dtype=jnp.float32)
    edge_index = jax.random.randint(ks[1], (2, E), 0, N, dtype=jnp.int32)
    s0 = 1.0 / np.sqrt(D_IN)
    s1 = 1.0 / np.sqrt(D_H)
    W0 = jax.random.normal(ks[2], (D_IN, D_H), dtype=jnp.float32) * s0
    b0 = jnp.zeros((D_H,), dtype=jnp.float32)
    W1 = jax.random.normal(ks[3], (D_H, D_H), dtype=jnp.float32) * s1
    b1 = jnp.zeros((D_H,), dtype=jnp.float32)
    W2 = jax.random.normal(ks[4], (D_H, D_H), dtype=jnp.float32) * s1
    b2 = jnp.zeros((D_H,), dtype=jnp.float32)
    return {"features": features, "edge_index": edge_index, "W0": W0, "b0": b0, "W1": W1, "b1": b1, "W2": W2, "b2": b2}


def reference(features, edge_index, W0, b0, W1, b1, W2, b2):
    # n_layers=3 GCN; dropout is identity at inference; bns are unused in forward
    h = gcn_conv(features, edge_index, W0, b0)
    h = gcn_conv(h, edge_index, W1, b1)
    h = gcn_conv(h, edge_index, W2, b2)
    return h

if __name__ == "__main__":
    import jax
    _d = setup_inputs()
    print(jax.jit(kernel)(*tuple(_d.values())))

</pallas_src>

<mosaic_0001>
#map = affine_map<(d0, d1) -> (0, 0)>
#map1 = affine_map<(d0, d1) -> (0, 0, 0)>
module attributes {stable_mosaic.version = 14 : i64} {
  func.func @_seg_kernel(%arg0: i32, %arg1: i32, %arg2: memref<10112x128xf32, #tpu.memory_space<hbm>>, %arg3: memref<32x80x128xi32, #tpu.memory_space<hbm>>, %arg4: memref<32x80x128xi32, #tpu.memory_space<hbm>>, %arg5: memref<2x10112x128xf32, #tpu.memory_space<hbm>>, %arg6: memref<40x128xi32, #tpu.memory_space<vmem>>, %arg7: memref<40x128xi32, #tpu.memory_space<vmem>>, %arg8: memref<128x128xf32, #tpu.memory_space<vmem>>, %arg9: memref<128x128xf32, #tpu.memory_space<vmem>>, %arg10: memref<10112x128xf32, #tpu.memory_space<vmem_shared>>, %arg11: memref<!tpu.dma_semaphore, #tpu.memory_space<semaphore_mem>>, %arg12: memref<!tpu.dma_semaphore, #tpu.memory_space<semaphore_mem>>) attributes {dimension_semantics = [#tpu.dimension_semantics<core_parallel>, #tpu.dimension_semantics<subcore_parallel>], iteration_bounds = array<i64: 2, 16>, scalar_prefetch = 0 : i64, scratch_operands = 7 : i64, tpu.core_type = #tpu.core_type<sc_vector_subcore>, window_params = [{transform_indices = #map}, {transform_indices = #map1}, {transform_indices = #map1}, {transform_indices = #map1}]} {
    %mul3A = arith.constant 2 : i32
    %mul3A_0 = arith.muli %arg1, %mul3A : i32
    %add3A = arith.addi %mul3A_0, %arg0 : i32
    %mul3A_1 = arith.constant 632 : i32
    %mul3A_2 = arith.muli %arg1, %mul3A_1 : i32
    %mul3A_3 = arith.constant 632 : i32
    %mul3A_4 = arith.muli %arg1, %mul3A_3 : i32
    "tpu.region"() ({
      %run_scoped3A = tpu.sem_alloc : memref<!tpu.dma_semaphore, #tpu.memory_space<semaphore_mem>>
      %dma_start3A_47 = arith.constant 0 : i32
      %dma_start3A_48 = tpu.memref_slice %arg10[%mul3A_4, %dma_start3A_47] : memref<10112x128xf32, #tpu.memory_space<vmem_shared>> -> memref<632x128xf32, #tpu.memory_space<vmem_shared>>
      %dma_start3A_49 = arith.constant 0 : i32
      %dma_start3A_50 = tpu.memref_slice %arg2[%mul3A_2, %dma_start3A_49] : memref<10112x128xf32, #tpu.memory_space<hbm>> -> memref<632x128xf32, #tpu.memory_space<hbm>>
      tpu.enqueue_dma source(%dma_start3A_50 : memref<632x128xf32, #tpu.memory_space<hbm>>) target(%dma_start3A_48 : memref<632x128xf32, #tpu.memory_space<vmem_shared>>) target_semaphore(%run_scoped3A : memref<!tpu.dma_semaphore, #tpu.memory_space<semaphore_mem>>)
      %dma_wait3A_51 = arith.constant 0 : i32
      %dma_wait3A_52 = tpu.memref_slice %arg10[%mul3A_4, %dma_wait3A_51] : memref<10112x128xf32, #tpu.memory_space<vmem_shared>> -> memref<632x128xf32, #tpu.memory_space<vmem_shared>>
      %dma_wait3A_53 = arith.constant 0 : i32
      %dma_wait3A_54 = tpu.memref_slice %arg2[%mul3A_2, %dma_wait3A_53] : memref<10112x128xf32, #tpu.memory_space<hbm>> -> memref<632x128xf32, #tpu.memory_space<hbm>>
      tpu.wait_dma2 semaphore(%run_scoped3A : memref<!tpu.dma_semaphore, #tpu.memory_space<semaphore_mem>>) src(%dma_wait3A_54 : memref<632x128xf32, #tpu.memory_space<hbm>>) dst(%dma_wait3A_52 : memref<632x128xf32, #tpu.memory_space<vmem_shared>>)
      tpu.yield
    }) : () -> ()
    %barrier3A = arith.constant 0 : index
    tpu.barrier barrier_id(%barrier3A)
    "tpu.region"() ({
      %run_scoped3A = tpu.sem_alloc : memref<!tpu.dma_semaphore, #tpu.memory_space<semaphore_mem>>
      %dma_start3A_47 = arith.constant 0 : i32
      %dma_start3A_48 = arith.constant 0 : i32
      %dma_start3A_49 = tpu.memref_slice %arg3[%add3A, %dma_start3A_47, %dma_start3A_48] : memref<32x80x128xi32, #tpu.memory_space<hbm>> -> memref<1x40x128xi32, #tpu.memory_space<hbm>>
      %dma_start3A_50 = tpu.memref_squeeze %dma_start3A_49 : memref<1x40x128xi32, #tpu.memory_space<hbm>> -> memref<40x128xi32, #tpu.memory_space<hbm>>
      %dma_start3A_51 = arith.constant 0 : i32
      %dma_start3A_52 = arith.constant 0 : i32
      %dma_start3A_53 = tpu.memref_slice %arg3[%add3A, %dma_start3A_51, %dma_start3A_52] : memref<32x80x128xi32, #tpu.memory_space<hbm>> -> memref<1x40x128xi32, #tpu.memory_space<hbm>>
      %dma_start3A_54 = tpu.memref_squeeze %dma_start3A_53 : memref<1x40x128xi32, #tpu.memory_space<hbm>> -> memref<40x128xi32, #tpu.memory_space<hbm>>
      tpu.enqueue_dma source(%dma_start3A_54 : memref<40x128xi32, #tpu.memory_space<hbm>>) target(%arg6 : memref<40x128xi32, #tpu.memory_space<vmem>>) target_semaphore(%run_scoped3A : memref<!tpu.dma_semaphore, #tpu.memory_space<semaphore_mem>>)
      %dma_wait3A_55 = arith.constant 0 : i32
      %dma_wait3A_56 = arith.constant 0 : i32
      %dma_wait3A_57 = tpu.memref_slice %arg3[%add3A, %dma_wait3A_55, %dma_wait3A_56] : memref<32x80x128xi32, #tpu.memory_space<hbm>> -> memref<1x40x128xi32, #tpu.memory_space<hbm>>
      %dma_wait3A_58 = tpu.memref_squeeze %dma_wait3A_57 : memref<1x40x128xi32, #tpu.memory_space<hbm>> -> memref<40x128xi32, #tpu.memory_space<hbm>>
      %dma_wait3A_59 = arith.constant 0 : i32
      %dma_wait3A_60 = arith.constant 0 : i32
      %dma_wait3A_61 = tpu.memref_slice %arg3[%add3A, %dma_wait3A_59, %dma_wait3A_60] : memref<32x80x128xi32, #tpu.memory_space<hbm>> -> memref<1x40x128xi32, #tpu.memory_space<hbm>>
      %dma_wait3A_62 = tpu.memref_squeeze %dma_wait3A_61 : memref<1x40x128xi32, #tpu.memory_space<hbm>> -> memref<40x128xi32, #tpu.memory_space<hbm>>
      tpu.wait_dma2 semaphore(%run_scoped3A : memref<!tpu.dma_semaphore, #tpu.memory_space<semaphore_mem>>) src(%dma_wait3A_62 : memref<40x128xi32, #tpu.memory_space<hbm>>) dst(%arg6 : memref<40x128xi32, #tpu.memory_space<vmem>>)
      tpu.yield
    }) : () -> ()
    "tpu.region"() ({
      %run_scoped3A = tpu.sem_alloc : memref<!tpu.dma_semaphore, #tpu.memory_space<semaphore_mem>>
      %dma_start3A_47 = arith.constant 0 : i32
      %dma_start3A_48 = arith.constant 0 : i32
      %dma_start3A_49 = tpu.memref_slice %arg4[%add3A, %dma_start3A_47, %dma_start3A_48] : memref<32x80x128xi32, #tpu.memory_space<hbm>> -> memref<1x40x128xi32, #tpu.memory_space<hbm>>
      %dma_start3A_50 = tpu.memref_squeeze %dma_start3A_49 : memref<1x40x128xi32, #tpu.memory_space<hbm>> -> memref<40x128xi32, #tpu.memory_space<hbm>>
      %dma_start3A_51 = arith.constant 0 : i32
      %dma_start3A_52 = arith.constant 0 : i32
      %dma_start3A_53 = tpu.memref_slice %arg4[%add3A, %dma_start3A_51, %dma_start3A_52] : memref<32x80x128xi32, #tpu.memory_space<hbm>> -> memref<1x40x128xi32, #tpu.memory_space<hbm>>
      %dma_start3A_54 = tpu.memref_squeeze %dma_start3A_53 : memref<1x40x128xi32, #tpu.memory_space<hbm>> -> memref<40x128xi32, #tpu.memory_space<hbm>>
      tpu.enqueue_dma source(%dma_start3A_54 : memref<40x128xi32, #tpu.memory_space<hbm>>) target(%arg7 : memref<40x128xi32, #tpu.memory_space<vmem>>) target_semaphore(%run_scoped3A : memref<!tpu.dma_semaphore, #tpu.memory_space<semaphore_mem>>)
      %dma_wait3A_55 = arith.constant 0 : i32
      %dma_wait3A_56 = arith.constant 0 : i32
      %dma_wait3A_57 = tpu.memref_slice %arg4[%add3A, %dma_wait3A_55, %dma_wait3A_56] : memref<32x80x128xi32, #tpu.memory_space<hbm>> -> memref<1x40x128xi32, #tpu.memory_space<hbm>>
      %dma_wait3A_58 = tpu.memref_squeeze %dma_wait3A_57 : memref<1x40x128xi32, #tpu.memory_space<hbm>> -> memref<40x128xi32, #tpu.memory_space<hbm>>
      %dma_wait3A_59 = arith.constant 0 : i32
      %dma_wait3A_60 = arith.constant 0 : i32
      %dma_wait3A_61 = tpu.memref_slice %arg4[%add3A, %dma_wait3A_59, %dma_wait3A_60] : memref<32x80x128xi32, #tpu.memory_space<hbm>> -> memref<1x40x128xi32, #tpu.memory_space<hbm>>
      %dma_wait3A_62 = tpu.memref_squeeze %dma_wait3A_61 : memref<1x40x128xi32, #tpu.memory_space<hbm>> -> memref<40x128xi32, #tpu.memory_space<hbm>>
      tpu.wait_dma2 semaphore(%run_scoped3A : memref<!tpu.dma_semaphore, #tpu.memory_space<semaphore_mem>>) src(%dma_wait3A_62 : memref<40x128xi32, #tpu.memory_space<hbm>>) dst(%arg7 : memref<40x128xi32, #tpu.memory_space<vmem>>)
      tpu.yield
    }) : () -> ()
    %dma_start3A = arith.constant 0 : i32
    %dma_start3A_5 = arith.constant 0 : i32
    %dma_start3A_6 = tpu.memref_slice %arg6[%dma_start3A, %dma_start3A_5] : memref<40x128xi32, #tpu.memory_space<vmem>> -> memref<1x128xi32, #tpu.memory_space<vmem>>
    %dma_start3A_7 = tpu.memref_squeeze %dma_start3A_6 : memref<1x128xi32, #tpu.memory_space<vmem>> -> memref<128xi32, #tpu.memory_space<vmem>>
    %dma_start3A_8 = arith.constant 0 : i32
    %dma_start3A_9 = arith.constant 0 : i32
    %dma_start3A_10 = tpu.memref_slice %arg2[%dma_start3A_8, %dma_start3A_9] : memref<10112x128xf32, #tpu.memory_space<hbm>> -> memref<10112x128xf32, #tpu.memory_space<hbm>>
    tpu.enqueue_indirect_dma source(%dma_start3A_10 : memref<10112x128xf32, #tpu.memory_space<hbm>>) target(%arg8 : memref<128x128xf32, #tpu.memory_space<vmem>>) offsets(%dma_start3A_7 : memref<128xi32, #tpu.memory_space<vmem>>) semaphore(%arg11 : memref<!tpu.dma_semaphore, #tpu.memory_space<semaphore_mem>>)
    %scan3A = arith.constant 0 : i32
    %scan3A_11 = arith.constant 0 : i32
    %scan3A_12 = arith.constant 20 : i32
    %scan3A_13 = arith.addi %scan3A_11, %scan3A_12 : i32
    %scan3A_14 = arith.constant 1 : i32
    scf.for %scan3A_47 = %scan3A_11 to %scan3A_13 step %scan3A_14  : i32 {
      %mul3A_48 = arith.constant 2 : i32
      %mul3A_49 = arith.muli %mul3A_48, %scan3A_47 : i32
      %add3A_50 = arith.constant 1 : i32
      %add3A_51 = arith.addi %mul3A_49, %add3A_50 : i32
      %dma_start3A_52 = arith.constant 0 : i32
      %dma_start3A_53 = tpu.memref_slice %arg6[%add3A_51, %dma_start3A_52] : memref<40x128xi32, #tpu.memory_space<vmem>> -> memref<1x128xi32, #tpu.memory_space<vmem>>
      %dma_start3A_54 = tpu.memref_squeeze %dma_start3A_53 : memref<1x128xi32, #tpu.memory_space<vmem>> -> memref<128xi32, #tpu.memory_space<vmem>>
      %dma_start3A_55 = arith.constant 0 : i32
      %dma_start3A_56 = arith.constant 0 : i32
      %dma_start3A_57 = tpu.memref_slice %arg2[%dma_start3A_55, %dma_start3A_56] : memref<10112x128xf32, #tpu.memory_space<hbm>> -> memref<10112x128xf32, #tpu.memory_space<hbm>>
      tpu.enqueue_indirect_dma source(%dma_start3A_57 : memref<10112x128xf32, #tpu.memory_space<hbm>>) target(%arg9 : memref<128x128xf32, #tpu.memory_space<vmem>>) offsets(%dma_start3A_54 : memref<128xi32, #tpu.memory_space<vmem>>) semaphore(%arg12 : memref<!tpu.dma_semaphore, #tpu.memory_space<semaphore_mem>>)
      %dma_wait3A_58 = arith.constant 0 : i32
      %dma_wait3A_59 = arith.constant 0 : i32
      %dma_wait3A_60 = tpu.memref_slice %arg6[%dma_wait3A_58, %dma_wait3A_59] : memref<40x128xi32, #tpu.memory_space<vmem>> -> memref<1x128xi32, #tpu.memory_space<vmem>>
      %dma_wait3A_61 = tpu.memref_squeeze %dma_wait3A_60 : memref<1x128xi32, #tpu.memory_space<vmem>> -> memref<128xi32, #tpu.memory_space<vmem>>
      %dma_wait3A_62 = arith.constant 0 : i32
      %dma_wait3A_63 = arith.constant 0 : i32
      %dma_wait3A_64 = tpu.memref_slice %arg2[%dma_wait3A_62, %dma_wait3A_63] : memref<10112x128xf32, #tpu.memory_space<hbm>> -> memref<10112x128xf32, #tpu.memory_space<hbm>>
      tpu.wait_indirect_dma semaphore(%arg11 : memref<!tpu.dma_semaphore, #tpu.memory_space<semaphore_mem>>) src(%dma_wait3A_64 : memref<10112x128xf32, #tpu.memory_space<hbm>>) dst(%arg8 : memref<128x128xf32, #tpu.memory_space<vmem>>)
      "tpu.region"() ({
        %run_scoped3A = tpu.sem_alloc : memref<!tpu.dma_semaphore, #tpu.memory_space<semaphore_mem>>
        %dma_start3A_83 = arith.constant 0 : i32
        %dma_start3A_84 = tpu.memref_slice %arg7[%mul3A_49, %dma_start3A_83] : memref<40x128xi32, #tpu.memory_space<vmem>> -> memref<1x128xi32, #tpu.memory_space<vmem>>
        %dma_start3A_85 = tpu.memref_squeeze %dma_start3A_84 : memref<1x128xi32, #tpu.memory_space<vmem>> -> memref<128xi32, #tpu.memory_space<vmem>>
        %dma_start3A_86 = arith.constant 0 : i32
        %dma_start3A_87 = arith.constant 0 : i32
        %dma_start3A_88 = tpu.memref_slice %arg10[%dma_start3A_86, %dma_start3A_87] : memref<10112x128xf32, #tpu.memory_space<vmem_shared>> -> memref<10112x128xf32, #tpu.memory_space<vmem_shared>>
        tpu.enqueue_indirect_dma source(%arg8 : memref<128x128xf32, #tpu.memory_space<vmem>>) target(%dma_start3A_88 : memref<10112x128xf32, #tpu.memory_space<vmem_shared>>) offsets(%dma_start3A_85 : memref<128xi32, #tpu.memory_space<vmem>>) semaphore(%run_scoped3A : memref<!tpu.dma_semaphore, #tpu.memory_space<semaphore_mem>>) {add = true}
        %dma_wait3A_89 = arith.constant 0 : i32
        %dma_wait3A_90 = tpu.memref_slice %arg7[%mul3A_49, %dma_wait3A_89] : memref<40x128xi32, #tpu.memory_space<vmem>> -> memref<1x128xi32, #tpu.memory_space<vmem>>
        %dma_wait3A_91 = tpu.memref_squeeze %dma_wait3A_90 : memref<1x128xi32, #tpu.memory_space<vmem>> -> memref<128xi32, #tpu.memory_space<vmem>>
        %dma_wait3A_92 = arith.constant 0 : i32
        %dma_wait3A_93 = arith.constant 0 : i32
        %dma_wait3A_94 = tpu.memref_slice %arg10[%dma_wait3A_92, %dma_wait3A_93] : memref<10112x128xf32, #tpu.memory_space<vmem_shared>> -> memref<10112x128xf32, #tpu.memory_space<vmem_shared>>
        tpu.wait_indirect_dma semaphore(%run_scoped3A : memref<!tpu.dma_semaphore, #tpu.memory_space<semaphore_mem>>) src(%arg8 : memref<128x128xf32, #tpu.memory_space<vmem>>) dst(%dma_wait3A_94 : memref<10112x128xf32, #tpu.memory_space<vmem_shared>>)
        tpu.yield
      }) : () -> ()
      %add3A_65 = arith.constant 2 : i32
      %add3A_66 = arith.addi %mul3A_49, %add3A_65 : i32
      %min3A = arith.constant 39 : i32
      %min3A_67 = arith.minsi %add3A_66, %min3A : i32
      %dma_start3A_68 = arith.constant 0 : i32
      %dma_start3A_69 = tpu.memref_slice %arg6[%min3A_67, %dma_start3A_68] : memref<40x128xi32, #tpu.memory_space<vmem>> -> memref<1x128xi32, #tpu.memory_space<vmem>>
      %dma_start3A_70 = tpu.memref_squeeze %dma_start3A_69 : memref<1x128xi32, #tpu.memory_space<vmem>> -> memref<128xi32, #tpu.memory_space<vmem>>
      %dma_start3A_71 = arith.constant 0 : i32
      %dma_start3A_72 = arith.constant 0 : i32
      %dma_start3A_73 = tpu.memref_slice %arg2[%dma_start3A_71, %dma_start3A_72] : memref<10112x128xf32, #tpu.memory_space<hbm>> -> memref<10112x128xf32, #tpu.memory_space<hbm>>
      tpu.enqueue_indirect_dma source(%dma_start3A_73 : memref<10112x128xf32, #tpu.memory_space<hbm>>) target(%arg8 : memref<128x128xf32, #tpu.memory_space<vmem>>) offsets(%dma_start3A_70 : memref<128xi32, #tpu.memory_space<vmem>>) semaphore(%arg11 : memref<!tpu.dma_semaphore, #tpu.memory_space<semaphore_mem>>)
      %dma_wait3A_74 = arith.constant 0 : i32
      %dma_wait3A_75 = arith.constant 0 : i32
      %dma_wait3A_76 = tpu.memref_slice %arg6[%dma_wait3A_74, %dma_wait3A_75] : memref<40x128xi32, #tpu.memory_space<vmem>> -> memref<1x128xi32, #tpu.memory_space<vmem>>
      %dma_wait3A_77 = tpu.memref_squeeze %dma_wait3A_76 : memref<1x128xi32, #tpu.memory_space<vmem>> -> memref<128xi32, #tpu.memory_space<vmem>>
      %dma_wait3A_78 = arith.constant 0 : i32
      %dma_wait3A_79 = arith.constant 0 : i32
      %dma_wait3A_80 = tpu.memref_slice %arg2[%dma_wait3A_78, %dma_wait3A_79] : memref<10112x128xf32, #tpu.memory_space<hbm>> -> memref<10112x128xf32, #tpu.memory_space<hbm>>
      tpu.wait_indirect_dma semaphore(%arg12 : memref<!tpu.dma_semaphore, #tpu.memory_space<semaphore_mem>>) src(%dma_wait3A_80 : memref<10112x128xf32, #tpu.memory_space<hbm>>) dst(%arg9 : memref<128x128xf32, #tpu.memory_space<vmem>>)
      %add3A_81 = arith.constant 1 : i32
      %add3A_82 = arith.addi %mul3A_49, %add3A_81 : i32
      "tpu.region"() ({
        %run_scoped3A = tpu.sem_alloc : memref<!tpu.dma_semaphore, #tpu.memory_space<semaphore_mem>>
        %dma_start3A_83 = arith.constant 0 : i32
        %dma_start3A_84 = tpu.memref_slice %arg7[%add3A_82, %dma_start3A_83] : memref<40x128xi32, #tpu.memory_space<vmem>> -> memref<1x128xi32, #tpu.memory_space<vmem>>
        %dma_start3A_85 = tpu.memref_squeeze %dma_start3A_84 : memref<1x128xi32, #tpu.memory_space<vmem>> -> memref<128xi32, #tpu.memory_space<vmem>>
        %dma_start3A_86 = arith.constant 0 : i32
        %dma_start3A_87 = arith.constant 0 : i32
        %dma_start3A_88 = tpu.memref_slice %arg10[%dma_start3A_86, %dma_start3A_87] : memref<10112x128xf32, #tpu.memory_space<vmem_shared>> -> memref<10112x128xf32, #tpu.memory_space<vmem_shared>>
        tpu.enqueue_indirect_dma source(%arg9 : memref<128x128xf32, #tpu.memory_space<vmem>>) target(%dma_start3A_88 : memref<10112x128xf32, #tpu.memory_space<vmem_shared>>) offsets(%dma_start3A_85 : memref<128xi32, #tpu.memory_space<vmem>>) semaphore(%run_scoped3A : memref<!tpu.dma_semaphore, #tpu.memory_space<semaphore_mem>>) {add = true}
        %dma_wait3A_89 = arith.constant 0 : i32
        %dma_wait3A_90 = tpu.memref_slice %arg7[%add3A_82, %dma_wait3A_89] : memref<40x128xi32, #tpu.memory_space<vmem>> -> memref<1x128xi32, #tpu.memory_space<vmem>>
        %dma_wait3A_91 = tpu.memref_squeeze %dma_wait3A_90 : memref<1x128xi32, #tpu.memory_space<vmem>> -> memref<128xi32, #tpu.memory_space<vmem>>
        %dma_wait3A_92 = arith.constant 0 : i32
        %dma_wait3A_93 = arith.constant 0 : i32
        %dma_wait3A_94 = tpu.memref_slice %arg10[%dma_wait3A_92, %dma_wait3A_93] : memref<10112x128xf32, #tpu.memory_space<vmem_shared>> -> memref<10112x128xf32, #tpu.memory_space<vmem_shared>>
        tpu.wait_indirect_dma semaphore(%run_scoped3A : memref<!tpu.dma_semaphore, #tpu.memory_space<semaphore_mem>>) src(%arg9 : memref<128x128xf32, #tpu.memory_space<vmem>>) dst(%dma_wait3A_94 : memref<10112x128xf32, #tpu.memory_space<vmem_shared>>)
        tpu.yield
      }) : () -> ()
    }
    %scan3A_15 = arith.constant 20 : i32
    %dma_wait3A = arith.constant 0 : i32
    %dma_wait3A_16 = arith.constant 0 : i32
    %dma_wait3A_17 = tpu.memref_slice %arg6[%dma_wait3A, %dma_wait3A_16] : memref<40x128xi32, #tpu.memory_space<vmem>> -> memref<1x128xi32, #tpu.memory_space<vmem>>
    %dma_wait3A_18 = tpu.memref_squeeze %dma_wait3A_17 : memref<1x128xi32, #tpu.memory_space<vmem>> -> memref<128xi32, #tpu.memory_space<vmem>>
    %dma_wait3A_19 = arith.constant 0 : i32
    %dma_wait3A_20 = arith.constant 0 : i32
    %dma_wait3A_21 = tpu.memref_slice %arg2[%dma_wait3A_19, %dma_wait3A_20] : memref<10112x128xf32, #tpu.memory_space<hbm>> -> memref<10112x128xf32, #tpu.memory_space<hbm>>
    tpu.wait_indirect_dma semaphore(%arg11 : memref<!tpu.dma_semaphore, #tpu.memory_space<semaphore_mem>>) src(%dma_wait3A_21 : memref<10112x128xf32, #tpu.memory_space<hbm>>) dst(%arg8 : memref<128x128xf32, #tpu.memory_space<vmem>>)
    "tpu.region"() ({
      %run_scoped3A = tpu.sem_alloc : memref<!tpu.dma_semaphore, #tpu.memory_space<semaphore_mem>>
      %dma_start3A_47 = arith.constant 40 : i32
      %dma_start3A_48 = arith.constant 0 : i32
      %dma_start3A_49 = tpu.memref_slice %arg3[%add3A, %dma_start3A_47, %dma_start3A_48] : memref<32x80x128xi32, #tpu.memory_space<hbm>> -> memref<1x40x128xi32, #tpu.memory_space<hbm>>
      %dma_start3A_50 = tpu.memref_squeeze %dma_start3A_49 : memref<1x40x128xi32, #tpu.memory_space<hbm>> -> memref<40x128xi32, #tpu.memory_space<hbm>>
      %dma_start3A_51 = arith.constant 40 : i32
      %dma_start3A_52 = arith.constant 0 : i32
      %dma_start3A_53 = tpu.memref_slice %arg3[%add3A, %dma_start3A_51, %dma_start3A_52] : memref<32x80x128xi32, #tpu.memory_space<hbm>> -> memref<1x40x128xi32, #tpu.memory_space<hbm>>
      %dma_start3A_54 = tpu.memref_squeeze %dma_start3A_53 : memref<1x40x128xi32, #tpu.memory_space<hbm>> -> memref<40x128xi32, #tpu.memory_space<hbm>>
      tpu.enqueue_dma source(%dma_start3A_54 : memref<40x128xi32, #tpu.memory_space<hbm>>) target(%arg6 : memref<40x128xi32, #tpu.memory_space<vmem>>) target_semaphore(%run_scoped3A : memref<!tpu.dma_semaphore, #tpu.memory_space<semaphore_mem>>)
      %dma_wait3A_55 = arith.constant 40 : i32
      %dma_wait3A_56 = arith.constant 0 : i32
      %dma_wait3A_57 = tpu.memref_slice %arg3[%add3A, %dma_wait3A_55, %dma_wait3A_56] : memref<32x80x128xi32, #tpu.memory_space<hbm>> -> memref<1x40x128xi32, #tpu.memory_space<hbm>>
      %dma_wait3A_58 = tpu.memref_squeeze %dma_wait3A_57 : memref<1x40x128xi32, #tpu.memory_space<hbm>> -> memref<40x128xi32, #tpu.memory_space<hbm>>
      %dma_wait3A_59 = arith.constant 40 : i32
      %dma_wait3A_60 = arith.constant 0 : i32
      %dma_wait3A_61 = tpu.memref_slice %arg3[%add3A, %dma_wait3A_59, %dma_wait3A_60] : memref<32x80x128xi32, #tpu.memory_space<hbm>> -> memref<1x40x128xi32, #tpu.memory_space<hbm>>
      %dma_wait3A_62 = tpu.memref_squeeze %dma_wait3A_61 : memref<1x40x128xi32, #tpu.memory_space<hbm>> -> memref<40x128xi32, #tpu.memory_space<hbm>>
      tpu.wait_dma2 semaphore(%run_scoped3A : memref<!tpu.dma_semaphore, #tpu.memory_space<semaphore_mem>>) src(%dma_wait3A_62 : memref<40x128xi32, #tpu.memory_space<hbm>>) dst(%arg6 : memref<40x128xi32, #tpu.memory_space<vmem>>)
      tpu.yield
    }) : () -> ()
    "tpu.region"() ({
      %run_scoped3A = tpu.sem_alloc : memref<!tpu.dma_semaphore, #tpu.memory_space<semaphore_mem>>
      %dma_start3A_47 = arith.constant 40 : i32
      %dma_start3A_48 = arith.constant 0 : i32
      %dma_start3A_49 = tpu.memref_slice %arg4[%add3A, %dma_start3A_47, %dma_start3A_48] : memref<32x80x128xi32, #tpu.memory_space<hbm>> -> memref<1x40x128xi32, #tpu.memory_space<hbm>>
      %dma_start3A_50 = tpu.memref_squeeze %dma_start3A_49 : memref<1x40x128xi32, #tpu.memory_space<hbm>> -> memref<40x128xi32, #tpu.memory_space<hbm>>
      %dma_start3A_51 = arith.constant 40 : i32
      %dma_start3A_52 = arith.constant 0 : i32
      %dma_start3A_53 = tpu.memref_slice %arg4[%add3A, %dma_start3A_51, %dma_start3A_52] : memref<32x80x128xi32, #tpu.memory_space<hbm>> -> memref<1x40x128xi32, #tpu.memory_space<hbm>>
      %dma_start3A_54 = tpu.memref_squeeze %dma_start3A_53 : memref<1x40x128xi32, #tpu.memory_space<hbm>> -> memref<40x128xi32, #tpu.memory_space<hbm>>
      tpu.enqueue_dma source(%dma_start3A_54 : memref<40x128xi32, #tpu.memory_space<hbm>>) target(%arg7 : memref<40x128xi32, #tpu.memory_space<vmem>>) target_semaphore(%run_scoped3A : memref<!tpu.dma_semaphore, #tpu.memory_space<semaphore_mem>>)
      %dma_wait3A_55 = arith.constant 40 : i32
      %dma_wait3A_56 = arith.constant 0 : i32
      %dma_wait3A_57 = tpu.memref_slice %arg4[%add3A, %dma_wait3A_55, %dma_wait3A_56] : memref<32x80x128xi32, #tpu.memory_space<hbm>> -> memref<1x40x128xi32, #tpu.memory_space<hbm>>
      %dma_wait3A_58 = tpu.memref_squeeze %dma_wait3A_57 : memref<1x40x128xi32, #tpu.memory_space<hbm>> -> memref<40x128xi32, #tpu.memory_space<hbm>>
      %dma_wait3A_59 = arith.constant 40 : i32
      %dma_wait3A_60 = arith.constant 0 : i32
      %dma_wait3A_61 = tpu.memref_slice %arg4[%add3A, %dma_wait3A_59, %dma_wait3A_60] : memref<32x80x128xi32, #tpu.memory_space<hbm>> -> memref<1x40x128xi32, #tpu.memory_space<hbm>>
      %dma_wait3A_62 = tpu.memref_squeeze %dma_wait3A_61 : memref<1x40x128xi32, #tpu.memory_space<hbm>> -> memref<40x128xi32, #tpu.memory_space<hbm>>
      tpu.wait_dma2 semaphore(%run_scoped3A : memref<!tpu.dma_semaphore, #tpu.memory_space<semaphore_mem>>) src(%dma_wait3A_62 : memref<40x128xi32, #tpu.memory_space<hbm>>) dst(%arg7 : memref<40x128xi32, #tpu.memory_space<vmem>>)
      tpu.yield
    }) : () -> ()
    %dma_start3A_22 = arith.constant 0 : i32
    %dma_start3A_23 = arith.constant 0 : i32
    %dma_start3A_24 = tpu.memref_slice %arg6[%dma_start3A_22, %dma_start3A_23] : memref<40x128xi32, #tpu.memory_space<vmem>> -> memref<1x128xi32, #tpu.memory_space<vmem>>
    %dma_start3A_25 = tpu.memref_squeeze %dma_start3A_24 : memref<1x128xi32, #tpu.memory_space<vmem>> -> memref<128xi32, #tpu.memory_space<vmem>>
    %dma_start3A_26 = arith.constant 0 : i32
    %dma_start3A_27 = arith.constant 0 : i32
    %dma_start3A_28 = tpu.memref_slice %arg2[%dma_start3A_26, %dma_start3A_27] : memref<10112x128xf32, #tpu.memory_space<hbm>> -> memref<10112x128xf32, #tpu.memory_space<hbm>>
    tpu.enqueue_indirect_dma source(%dma_start3A_28 : memref<10112x128xf32, #tpu.memory_space<hbm>>) target(%arg8 : memref<128x128xf32, #tpu.memory_space<vmem>>) offsets(%dma_start3A_25 : memref<128xi32, #tpu.memory_space<vmem>>) semaphore(%arg11 : memref<!tpu.dma_semaphore, #tpu.memory_space<semaphore_mem>>)
    %scan3A_29 = arith.constant 0 : i32
    %scan3A_30 = arith.constant 0 : i32
    %scan3A_31 = arith.constant 20 : i32
    %scan3A_32 = arith.addi %scan3A_30, %scan3A_31 : i32
    %scan3A_33 = arith.constant 1 : i32
    scf.for %scan3A_47 = %scan3A_30 to %scan3A_32 step %scan3A_33  : i32 {
      %mul3A_48 = arith.constant 2 : i32
      %mul3A_49 = arith.muli %mul3A_48, %scan3A_47 : i32
      %add3A_50 = arith.constant 1 : i32
      %add3A_51 = arith.addi %mul3A_49, %add3A_50 : i32
      %dma_start3A_52 = arith.constant 0 : i32
      %dma_start3A_53 = tpu.memref_slice %arg6[%add3A_51, %dma_start3A_52] : memref<40x128xi32, #tpu.memory_space<vmem>> -> memref<1x128xi32, #tpu.memory_space<vmem>>
      %dma_start3A_54 = tpu.memref_squeeze %dma_start3A_53 : memref<1x128xi32, #tpu.memory_space<vmem>> -> memref<128xi32, #tpu.memory_space<vmem>>
      %dma_start3A_55 = arith.constant 0 : i32
      %dma_start3A_56 = arith.constant 0 : i32
      %dma_start3A_57 = tpu.memref_slice %arg2[%dma_start3A_55, %dma_start3A_56] : memref<10112x128xf32, #tpu.memory_space<hbm>> -> memref<10112x128xf32, #tpu.memory_space<hbm>>
      tpu.enqueue_indirect_dma source(%dma_start3A_57 : memref<10112x128xf32, #tpu.memory_space<hbm>>) target(%arg9 : memref<128x128xf32, #tpu.memory_space<vmem>>) offsets(%dma_start3A_54 : memref<128xi32, #tpu.memory_space<vmem>>) semaphore(%arg12 : memref<!tpu.dma_semaphore, #tpu.memory_space<semaphore_mem>>)
      %dma_wait3A_58 = arith.constant 0 : i32
      %dma_wait3A_59 = arith.constant 0 : i32
      %dma_wait3A_60 = tpu.memref_slice %arg6[%dma_wait3A_58, %dma_wait3A_59] : memref<40x128xi32, #tpu.memory_space<vmem>> -> memref<1x128xi32, #tpu.memory_space<vmem>>
      %dma_wait3A_61 = tpu.memref_squeeze %dma_wait3A_60 : memref<1x128xi32, #tpu.memory_space<vmem>> -> memref<128xi32, #tpu.memory_space<vmem>>
      %dma_wait3A_62 = arith.constant 0 : i32
      %dma_wait3A_63 = arith.constant 0 : i32
      %dma_wait3A_64 = tpu.memref_slice %arg2[%dma_wait3A_62, %dma_wait3A_63] : memref<10112x128xf32, #tpu.memory_space<hbm>> -> memref<10112x128xf32, #tpu.memory_space<hbm>>
      tpu.wait_indirect_dma semaphore(%arg11 : memref<!tpu.dma_semaphore, #tpu.memory_space<semaphore_mem>>) src(%dma_wait3A_64 : memref<10112x128xf32, #tpu.memory_space<hbm>>) dst(%arg8 : memref<128x128xf32, #tpu.memory_space<vmem>>)
      "tpu.region"() ({
        %run_scoped3A = tpu.sem_alloc : memref<!tpu.dma_semaphore, #tpu.memory_space<semaphore_mem>>
        %dma_start3A_83 = arith.constant 0 : i32
        %dma_start3A_84 = tpu.memref_slice %arg7[%mul3A_49, %dma_start3A_83] : memref<40x128xi32, #tpu.memory_space<vmem>> -> memref<1x128xi32, #tpu.memory_space<vmem>>
        %dma_start3A_85 = tpu.memref_squeeze %dma_start3A_84 : memref<1x128xi32, #tpu.memory_space<vmem>> -> memref<128xi32, #tpu.memory_space<vmem>>
        %dma_start3A_86 = arith.constant 0 : i32
        %dma_start3A_87 = arith.constant 0 : i32
        %dma_start3A_88 = tpu.memref_slice %arg10[%dma_start3A_86, %dma_start3A_87] : memref<10112x128xf32, #tpu.memory_space<vmem_shared>> -> memref<10112x128xf32, #tpu.memory_space<vmem_shared>>
        tpu.enqueue_indirect_dma source(%arg8 : memref<128x128xf32, #tpu.memory_space<vmem>>) target(%dma_start3A_88 : memref<10112x128xf32, #tpu.memory_space<vmem_shared>>) offsets(%dma_start3A_85 : memref<128xi32, #tpu.memory_space<vmem>>) semaphore(%run_scoped3A : memref<!tpu.dma_semaphore, #tpu.memory_space<semaphore_mem>>) {add = true}
        %dma_wait3A_89 = arith.constant 0 : i32
        %dma_wait3A_90 = tpu.memref_slice %arg7[%mul3A_49, %dma_wait3A_89] : memref<40x128xi32, #tpu.memory_space<vmem>> -> memref<1x128xi32, #tpu.memory_space<vmem>>
        %dma_wait3A_91 = tpu.memref_squeeze %dma_wait3A_90 : memref<1x128xi32, #tpu.memory_space<vmem>> -> memref<128xi32, #tpu.memory_space<vmem>>
        %dma_wait3A_92 = arith.constant 0 : i32
        %dma_wait3A_93 = arith.constant 0 : i32
        %dma_wait3A_94 = tpu.memref_slice %arg10[%dma_wait3A_92, %dma_wait3A_93] : memref<10112x128xf32, #tpu.memory_space<vmem_shared>> -> memref<10112x128xf32, #tpu.memory_space<vmem_shared>>
        tpu.wait_indirect_dma semaphore(%run_scoped3A : memref<!tpu.dma_semaphore, #tpu.memory_space<semaphore_mem>>) src(%arg8 : memref<128x128xf32, #tpu.memory_space<vmem>>) dst(%dma_wait3A_94 : memref<10112x128xf32, #tpu.memory_space<vmem_shared>>)
        tpu.yield
      }) : () -> ()
      %add3A_65 = arith.constant 2 : i32
      %add3A_66 = arith.addi %mul3A_49, %add3A_65 : i32
      %min3A = arith.constant 39 : i32
      %min3A_67 = arith.minsi %add3A_66, %min3A : i32
      %dma_start3A_68 = arith.constant 0 : i32
      %dma_start3A_69 = tpu.memref_slice %arg6[%min3A_67, %dma_start3A_68] : memref<40x128xi32, #tpu.memory_space<vmem>> -> memref<1x128xi32, #tpu.memory_space<vmem>>
      %dma_start3A_70 = tpu.memref_squeeze %dma_start3A_69 : memref<1x128xi32, #tpu.memory_space<vmem>> -> memref<128xi32, #tpu.memory_space<vmem>>
      %dma_start3A_71 = arith.constant 0 : i32
      %dma_start3A_72 = arith.constant 0 : i32
      %dma_start3A_73 = tpu.memref_slice %arg2[%dma_start3A_71, %dma_start3A_72] : memref<10112x128xf32, #tpu.memory_space<hbm>> -> memref<10112x128xf32, #tpu.memory_space<hbm>>
      tpu.enqueue_indirect_dma source(%dma_start3A_73 : memref<10112x128xf32, #tpu.memory_space<hbm>>) target(%arg8 : memref<128x128xf32, #tpu.memory_space<vmem>>) offsets(%dma_start3A_70 : memref<128xi32, #tpu.memory_space<vmem>>) semaphore(%arg11 : memref<!tpu.dma_semaphore, #tpu.memory_space<semaphore_mem>>)
      %dma_wait3A_74 = arith.constant 0 : i32
      %dma_wait3A_75 = arith.constant 0 : i32
      %dma_wait3A_76 = tpu.memref_slice %arg6[%dma_wait3A_74, %dma_wait3A_75] : memref<40x128xi32, #tpu.memory_space<vmem>> -> memref<1x128xi32, #tpu.memory_space<vmem>>
      %dma_wait3A_77 = tpu.memref_squeeze %dma_wait3A_76 : memref<1x128xi32, #tpu.memory_space<vmem>> -> memref<128xi32, #tpu.memory_space<vmem>>
      %dma_wait3A_78 = arith.constant 0 : i32
      %dma_wait3A_79 = arith.constant 0 : i32
      %dma_wait3A_80 = tpu.memref_slice %arg2[%dma_wait3A_78, %dma_wait3A_79] : memref<10112x128xf32, #tpu.memory_space<hbm>> -> memref<10112x128xf32, #tpu.memory_space<hbm>>
      tpu.wait_indirect_dma semaphore(%arg12 : memref<!tpu.dma_semaphore, #tpu.memory_space<semaphore_mem>>) src(%dma_wait3A_80 : memref<10112x128xf32, #tpu.memory_space<hbm>>) dst(%arg9 : memref<128x128xf32, #tpu.memory_space<vmem>>)
      %add3A_81 = arith.constant 1 : i32
      %add3A_82 = arith.addi %mul3A_49, %add3A_81 : i32
      "tpu.region"() ({
        %run_scoped3A = tpu.sem_alloc : memref<!tpu.dma_semaphore, #tpu.memory_space<semaphore_mem>>
        %dma_start3A_83 = arith.constant 0 : i32
        %dma_start3A_84 = tpu.memref_slice %arg7[%add3A_82, %dma_start3A_83] : memref<40x128xi32, #tpu.memory_space<vmem>> -> memref<1x128xi32, #tpu.memory_space<vmem>>
        %dma_start3A_85 = tpu.memref_squeeze %dma_start3A_84 : memref<1x128xi32, #tpu.memory_space<vmem>> -> memref<128xi32, #tpu.memory_space<vmem>>
        %dma_start3A_86 = arith.constant 0 : i32
        %dma_start3A_87 = arith.constant 0 : i32
        %dma_start3A_88 = tpu.memref_slice %arg10[%dma_start3A_86, %dma_start3A_87] : memref<10112x128xf32, #tpu.memory_space<vmem_shared>> -> memref<10112x128xf32, #tpu.memory_space<vmem_shared>>
        tpu.enqueue_indirect_dma source(%arg9 : memref<128x128xf32, #tpu.memory_space<vmem>>) target(%dma_start3A_88 : memref<10112x128xf32, #tpu.memory_space<vmem_shared>>) offsets(%dma_start3A_85 : memref<128xi32, #tpu.memory_space<vmem>>) semaphore(%run_scoped3A : memref<!tpu.dma_semaphore, #tpu.memory_space<semaphore_mem>>) {add = true}
        %dma_wait3A_89 = arith.constant 0 : i32
        %dma_wait3A_90 = tpu.memref_slice %arg7[%add3A_82, %dma_wait3A_89] : memref<40x128xi32, #tpu.memory_space<vmem>> -> memref<1x128xi32, #tpu.memory_space<vmem>>
        %dma_wait3A_91 = tpu.memref_squeeze %dma_wait3A_90 : memref<1x128xi32, #tpu.memory_space<vmem>> -> memref<128xi32, #tpu.memory_space<vmem>>
        %dma_wait3A_92 = arith.constant 0 : i32
        %dma_wait3A_93 = arith.constant 0 : i32
        %dma_wait3A_94 = tpu.memref_slice %arg10[%dma_wait3A_92, %dma_wait3A_93] : memref<10112x128xf32, #tpu.memory_space<vmem_shared>> -> memref<10112x128xf32, #tpu.memory_space<vmem_shared>>
        tpu.wait_indirect_dma semaphore(%run_scoped3A : memref<!tpu.dma_semaphore, #tpu.memory_space<semaphore_mem>>) src(%arg9 : memref<128x128xf32, #tpu.memory_space<vmem>>) dst(%dma_wait3A_94 : memref<10112x128xf32, #tpu.memory_space<vmem_shared>>)
        tpu.yield
      }) : () -> ()
    }
    %scan3A_34 = arith.constant 20 : i32
    %dma_wait3A_35 = arith.constant 0 : i32
    %dma_wait3A_36 = arith.constant 0 : i32
    %dma_wait3A_37 = tpu.memref_slice %arg6[%dma_wait3A_35, %dma_wait3A_36] : memref<40x128xi32, #tpu.memory_space<vmem>> -> memref<1x128xi32, #tpu.memory_space<vmem>>
    %dma_wait3A_38 = tpu.memref_squeeze %dma_wait3A_37 : memref<1x128xi32, #tpu.memory_space<vmem>> -> memref<128xi32, #tpu.memory_space<vmem>>
    %dma_wait3A_39 = arith.constant 0 : i32
    %dma_wait3A_40 = arith.constant 0 : i32
    %dma_wait3A_41 = tpu.memref_slice %arg2[%dma_wait3A_39, %dma_wait3A_40] : memref<10112x128xf32, #tpu.memory_space<hbm>> -> memref<10112x128xf32, #tpu.memory_space<hbm>>
    tpu.wait_indirect_dma semaphore(%arg11 : memref<!tpu.dma_semaphore, #tpu.memory_space<semaphore_mem>>) src(%dma_wait3A_41 : memref<10112x128xf32, #tpu.memory_space<hbm>>) dst(%arg8 : memref<128x128xf32, #tpu.memory_space<vmem>>)
    %barrier3A_42 = arith.constant 0 : index
    tpu.barrier barrier_id(%barrier3A_42)
    %mul3A_43 = arith.constant 632 : i32
    %mul3A_44 = arith.muli %arg1, %mul3A_43 : i32
    %mul3A_45 = arith.constant 632 : i32
    %mul3A_46 = arith.muli %arg1, %mul3A_45 : i32
    "tpu.region"() ({
      %run_scoped3A = tpu.sem_alloc : memref<!tpu.dma_semaphore, #tpu.memory_space<semaphore_mem>>
      %dma_start3A_47 = arith.constant 0 : i32
      %dma_start3A_48 = tpu.memref_slice %arg5[%arg0, %mul3A_46, %dma_start3A_47] : memref<2x10112x128xf32, #tpu.memory_space<hbm>> -> memref<1x632x128xf32, #tpu.memory_space<hbm>>
      %dma_start3A_49 = tpu.memref_squeeze %dma_start3A_48 : memref<1x632x128xf32, #tpu.memory_space<hbm>> -> memref<632x128xf32, #tpu.memory_space<hbm>>
      %dma_start3A_50 = arith.constant 0 : i32
      %dma_start3A_51 = tpu.memref_slice %arg10[%mul3A_44, %dma_start3A_50] : memref<10112x128xf32, #tpu.memory_space<vmem_shared>> -> memref<632x128xf32, #tpu.memory_space<vmem_shared>>
      tpu.enqueue_dma source(%dma_start3A_51 : memref<632x128xf32, #tpu.memory_space<vmem_shared>>) target(%dma_start3A_49 : memref<632x128xf32, #tpu.memory_space<hbm>>) target_semaphore(%run_scoped3A : memref<!tpu.dma_semaphore, #tpu.memory_space<semaphore_mem>>)
      %dma_wait3A_52 = arith.constant 0 : i32
      %dma_wait3A_53 = tpu.memref_slice %arg5[%arg0, %mul3A_46, %dma_wait3A_52] : memref<2x10112x128xf32, #tpu.memory_space<hbm>> -> memref<1x632x128xf32, #tpu.memory_space<hbm>>
      %dma_wait3A_54 = tpu.memref_squeeze %dma_wait3A_53 : memref<1x632x128xf32, #tpu.memory_space<hbm>> -> memref<632x128xf32, #tpu.memory_space<hbm>>
      %dma_wait3A_55 = arith.constant 0 : i32
      %dma_wait3A_56 = tpu.memref_slice %arg10[%mul3A_44, %dma_wait3A_55] : memref<10112x128xf32, #tpu.memory_space<vmem_shared>> -> memref<632x128xf32, #tpu.memory_space<vmem_shared>>
      tpu.wait_dma2 semaphore(%run_scoped3A : memref<!tpu.dma_semaphore, #tpu.memory_space<semaphore_mem>>) src(%dma_wait3A_56 : memref<632x128xf32, #tpu.memory_space<vmem_shared>>) dst(%dma_wait3A_54 : memref<632x128xf32, #tpu.memory_space<hbm>>)
      tpu.yield
    }) : () -> ()
    return
  }
}

#map = affine_map<(d0, d1) -> (0, 0)>
#map1 = affine_map<(d0, d1) -> (0, 0, 0)>
module attributes {stable_mosaic.version = 14 : i64} {
  func.func @_seg_kernel(%arg0: i32, %arg1: i32, %arg2: memref<10112x128xf32, #tpu.memory_space<hbm>>, %arg3: memref<32x80x128xi32, #tpu.memory_space<hbm>>, %arg4: memref<32x80x128xi32, #tpu.memory_space<hbm>>, %arg5: memref<2x10112x128xf32, #tpu.memory_space<hbm>>, %arg6: memref<40x128xi32, #tpu.memory_space<vmem>>, %arg7: memref<40x128xi32, #tpu.memory_space<vmem>>, %arg8: memref<128x128xf32, #tpu.memory_space<vmem>>, %arg9: memref<128x128xf32, #tpu.memory_space<vmem>>, %arg10: memref<10112x128xf32, #tpu.memory_space<vmem_shared>>, %arg11: memref<!tpu.dma_semaphore, #tpu.memory_space<semaphore_mem>>, %arg12: memref<!tpu.dma_semaphore, #tpu.memory_space<semaphore_mem>>) attributes {dimension_semantics = [#tpu.dimension_semantics<core_parallel>, #tpu.dimension_semantics<subcore_parallel>], iteration_bounds = array<i64: 2, 16>, scalar_prefetch = 0 : i64, scratch_operands = 7 : i64, tpu.core_type = #tpu.core_type<sc_vector_subcore>, window_params = [{transform_indices = #map}, {transform_indices = #map1}, {transform_indices = #map1}, {transform_indices = #map1}]} {
    %mul3A = arith.constant 2 : i32
    %mul3A_0 = arith.muli %arg1, %mul3A : i32
    %add3A = arith.addi %mul3A_0, %arg0 : i32
    %mul3A_1 = arith.constant 632 : i32
    %mul3A_2 = arith.muli %arg1, %mul3A_1 : i32
    %mul3A_3 = arith.constant 632 : i32
    %mul3A_4 = arith.muli %arg1, %mul3A_3 : i32
    "tpu.region"() ({
      %run_scoped3A = tpu.sem_alloc : memref<!tpu.dma_semaphore, #tpu.memory_space<semaphore_mem>>
      %dma_start3A_47 = arith.constant 0 : i32
      %dma_start3A_48 = tpu.memref_slice %arg10[%mul3A_4, %dma_start3A_47] : memref<10112x128xf32, #tpu.memory_space<vmem_shared>> -> memref<632x128xf32, #tpu.memory_space<vmem_shared>>
      %dma_start3A_49 = arith.constant 0 : i32
      %dma_start3A_50 = tpu.memref_slice %arg2[%mul3A_2, %dma_start3A_49] : memref<10112x128xf32, #tpu.memory_space<hbm>> -> memref<632x128xf32, #tpu.memory_space<hbm>>
      tpu.enqueue_dma source(%dma_start3A_50 : memref<632x128xf32, #tpu.memory_space<hbm>>) target(%dma_start3A_48 : memref<632x128xf32, #tpu.memory_space<vmem_shared>>) target_semaphore(%run_scoped3A : memref<!tpu.dma_semaphore, #tpu.memory_space<semaphore_mem>>)
      %dma_wait3A_51 = arith.constant 0 : i32
      %dma_wait3A_52 = tpu.memref_slice %arg10[%mul3A_4, %dma_wait3A_51] : memref<10112x128xf32, #tpu.memory_space<vmem_shared>> -> memref<632x128xf32, #tpu.memory_space<vmem_shared>>
      %dma_wait3A_53 = arith.constant 0 : i32
      %dma_wait3A_54 = tpu.memref_slice %arg2[%mul3A_2, %dma_wait3A_53] : memref<10112x128xf32, #tpu.memory_space<hbm>> -> memref<632x128xf32, #tpu.memory_space<hbm>>
      tpu.wait_dma2 semaphore(%run_scoped3A : memref<!tpu.dma_semaphore, #tpu.memory_space<semaphore_mem>>) src(%dma_wait3A_54 : memref<632x128xf32, #tpu.memory_space<hbm>>) dst(%dma_wait3A_52 : memref<632x128xf32, #tpu.memory_space<vmem_shared>>)
      tpu.yield
    }) : () -> ()
    %barrier3A = arith.constant 0 : index
    tpu.barrier barrier_id(%barrier3A)
    "tpu.region"() ({
      %run_scoped3A = tpu.sem_alloc : memref<!tpu.dma_semaphore, #tpu.memory_space<semaphore_mem>>
      %dma_start3A_47 = arith.constant 0 : i32
      %dma_start3A_48 = arith.constant 0 : i32
      %dma_start3A_49 = tpu.memref_slice %arg3[%add3A, %dma_start3A_47, %dma_start3A_48] : memref<32x80x128xi32, #tpu.memory_space<hbm>> -> memref<1x40x128xi32, #tpu.memory_space<hbm>>
      %dma_start3A_50 = tpu.memref_squeeze %dma_start3A_49 : memref<1x40x128xi32, #tpu.memory_space<hbm>> -> memref<40x128xi32, #tpu.memory_space<hbm>>
      %dma_start3A_51 = arith.constant 0 : i32
      %dma_start3A_52 = arith.constant 0 : i32
      %dma_start3A_53 = tpu.memref_slice %arg3[%add3A, %dma_start3A_51, %dma_start3A_52] : memref<32x80x128xi32, #tpu.memory_space<hbm>> -> memref<1x40x128xi32, #tpu.memory_space<hbm>>
      %dma_start3A_54 = tpu.memref_squeeze %dma_start3A_53 : memref<1x40x128xi32, #tpu.memory_space<hbm>> -> memref<40x128xi32, #tpu.memory_space<hbm>>
      tpu.enqueue_dma source(%dma_start3A_54 : memref<40x128xi32, #tpu.memory_space<hbm>>) target(%arg6 : memref<40x128xi32, #tpu.memory_space<vmem>>) target_semaphore(%run_scoped3A : memref<!tpu.dma_semaphore, #tpu.memory_space<semaphore_mem>>)
      %dma_wait3A_55 = arith.constant 0 : i32
      %dma_wait3A_56 = arith.constant 0 : i32
      %dma_wait3A_57 = tpu.memref_slice %arg3[%add3A, %dma_wait3A_55, %dma_wait3A_56] : memref<32x80x128xi32, #tpu.memory_space<hbm>> -> memref<1x40x128xi32, #tpu.memory_space<hbm>>
      %dma_wait3A_58 = tpu.memref_squeeze %dma_wait3A_57 : memref<1x40x128xi32, #tpu.memory_space<hbm>> -> memref<40x128xi32, #tpu.memory_space<hbm>>
      %dma_wait3A_59 = arith.constant 0 : i32
      %dma_wait3A_60 = arith.constant 0 : i32
      %dma_wait3A_61 = tpu.memref_slice %arg3[%add3A, %dma_wait3A_59, %dma_wait3A_60] : memref<32x80x128xi32, #tpu.memory_space<hbm>> -> memref<1x40x128xi32, #tpu.memory_space<hbm>>
      %dma_wait3A_62 = tpu.memref_squeeze %dma_wait3A_61 : memref<1x40x128xi32, #tpu.memory_space<hbm>> -> memref<40x128xi32, #tpu.memory_space<hbm>>
      tpu.wait_dma2 semaphore(%run_scoped3A : memref<!tpu.dma_semaphore, #tpu.memory_space<semaphore_mem>>) src(%dma_wait3A_62 : memref<40x128xi32, #tpu.memory_space<hbm>>) dst(%arg6 : memref<40x128xi32, #tpu.memory_space<vmem>>)
      tpu.yield
    }) : () -> ()
    "tpu.region"() ({
      %run_scoped3A = tpu.sem_alloc : memref<!tpu.dma_semaphore, #tpu.memory_space<semaphore_mem>>
      %dma_start3A_47 = arith.constant 0 : i32
      %dma_start3A_48 = arith.constant 0 : i32
      %dma_start3A_49 = tpu.memref_slice %arg4[%add3A, %dma_start3A_47, %dma_start3A_48] : memref<32x80x128xi32, #tpu.memory_space<hbm>> -> memref<1x40x128xi32, #tpu.memory_space<hbm>>
      %dma_start3A_50 = tpu.memref_squeeze %dma_start3A_49 : memref<1x40x128xi32, #tpu.memory_space<hbm>> -> memref<40x128xi32, #tpu.memory_space<hbm>>
      %dma_start3A_51 = arith.constant 0 : i32
      %dma_start3A_52 = arith.constant 0 : i32
      %dma_start3A_53 = tpu.memref_slice %arg4[%add3A, %dma_start3A_51, %dma_start3A_52] : memref<32x80x128xi32, #tpu.memory_space<hbm>> -> memref<1x40x128xi32, #tpu.memory_space<hbm>>
      %dma_start3A_54 = tpu.memref_squeeze %dma_start3A_53 : memref<1x40x128xi32, #tpu.memory_space<hbm>> -> memref<40x128xi32, #tpu.memory_space<hbm>>
      tpu.enqueue_dma source(%dma_start3A_54 : memref<40x128xi32, #tpu.memory_space<hbm>>) target(%arg7 : memref<40x128xi32, #tpu.memory_space<vmem>>) target_semaphore(%run_scoped3A : memref<!tpu.dma_semaphore, #tpu.memory_space<semaphore_mem>>)
      %dma_wait3A_55 = arith.constant 0 : i32
      %dma_wait3A_56 = arith.constant 0 : i32
      %dma_wait3A_57 = tpu.memref_slice %arg4[%add3A, %dma_wait3A_55, %dma_wait3A_56] : memref<32x80x128xi32, #tpu.memory_space<hbm>> -> memref<1x40x128xi32, #tpu.memory_space<hbm>>
      %dma_wait3A_58 = tpu.memref_squeeze %dma_wait3A_57 : memref<1x40x128xi32, #tpu.memory_space<hbm>> -> memref<40x128xi32, #tpu.memory_space<hbm>>
      %dma_wait3A_59 = arith.constant 0 : i32
      %dma_wait3A_60 = arith.constant 0 : i32
      %dma_wait3A_61 = tpu.memref_slice %arg4[%add3A, %dma_wait3A_59, %dma_wait3A_60] : memref<32x80x128xi32, #tpu.memory_space<hbm>> -> memref<1x40x128xi32, #tpu.memory_space<hbm>>
      %dma_wait3A_62 = tpu.memref_squeeze %dma_wait3A_61 : memref<1x40x128xi32, #tpu.memory_space<hbm>> -> memref<40x128xi32, #tpu.memory_space<hbm>>
      tpu.wait_dma2 semaphore(%run_scoped3A : memref<!tpu.dma_semaphore, #tpu.memory_space<semaphore_mem>>) src(%dma_wait3A_62 : memref<40x128xi32, #tpu.memory_space<hbm>>) dst(%arg7 : memref<40x128xi32, #tpu.memory_space<vmem>>)
      tpu.yield
    }) : () -> ()
    %dma_start3A = arith.constant 0 : i32
    %dma_start3A_5 = arith.constant 0 : i32
    %dma_start3A_6 = tpu.memref_slice %arg6[%dma_start3A, %dma_start3A_5] : memref<40x128xi32, #tpu.memory_space<vmem>> -> memref<1x128xi32, #tpu.memory_space<vmem>>
    %dma_start3A_7 = tpu.memref_squeeze %dma_start3A_6 : memref<1x128xi32, #tpu.memory_space<vmem>> -> memref<128xi32, #tpu.memory_space<vmem>>
    %dma_start3A_8 = arith.constant 0 : i32
    %dma_start3A_9 = arith.constant 0 : i32
    %dma_start3A_10 = tpu.memref_slice %arg2[%dma_start3A_8, %dma_start3A_9] : memref<10112x128xf32, #tpu.memory_space<hbm>> -> memref<10112x128xf32, #tpu.memory_space<hbm>>
    tpu.enqueue_indirect_dma source(%dma_start3A_10 : memref<10112x128xf32, #tpu.memory_space<hbm>>) target(%arg8 : memref<128x128xf32, #tpu.memory_space<vmem>>) offsets(%dma_start3A_7 : memref<128xi32, #tpu.memory_space<vmem>>) semaphore(%arg11 : memref<!tpu.dma_semaphore, #tpu.memory_space<semaphore_mem>>)
    %scan3A = arith.constant 0 : i32
    %scan3A_11 = arith.constant 0 : i32
    %scan3A_12 = arith.constant 20 : i32
    %scan3A_13 = arith.addi %scan3A_11, %scan3A_12 : i32
    %scan3A_14 = arith.constant 1 : i32
    scf.for %scan3A_47 = %scan3A_11 to %scan3A_13 step %scan3A_14  : i32 {
      %mul3A_48 = arith.constant 2 : i32
      %mul3A_49 = arith.muli %mul3A_48, %scan3A_47 : i32
      %add3A_50 = arith.constant 1 : i32
      %add3A_51 = arith.addi %mul3A_49, %add3A_50 : i32
      %dma_start3A_52 = arith.constant 0 : i32
      %dma_start3A_53 = tpu.memref_slice %arg6[%add3A_51, %dma_start3A_52] : memref<40x128xi32, #tpu.memory_space<vmem>> -> memref<1x128xi32, #tpu.memory_space<vmem>>
      %dma_start3A_54 = tpu.memref_squeeze %dma_start3A_53 : memref<1x128xi32, #tpu.memory_space<vmem>> -> memref<128xi32, #tpu.memory_space<vmem>>
      %dma_start3A_55 = arith.constant 0 : i32
      %dma_start3A_56 = arith.constant 0 : i32
      %dma_start3A_57 = tpu.memref_slice %arg2[%dma_start3A_55, %dma_start3A_56] : memref<10112x128xf32, #tpu.memory_space<hbm>> -> memref<10112x128xf32, #tpu.memory_space<hbm>>
      tpu.enqueue_indirect_dma source(%dma_start3A_57 : memref<10112x128xf32, #tpu.memory_space<hbm>>) target(%arg9 : memref<128x128xf32, #tpu.memory_space<vmem>>) offsets(%dma_start3A_54 : memref<128xi32, #tpu.memory_space<vmem>>) semaphore(%arg12 : memref<!tpu.dma_semaphore, #tpu.memory_space<semaphore_mem>>)
      %dma_wait3A_58 = arith.constant 0 : i32
      %dma_wait3A_59 = arith.constant 0 : i32
      %dma_wait3A_60 = tpu.memref_slice %arg6[%dma_wait3A_58, %dma_wait3A_59] : memref<40x128xi32, #tpu.memory_space<vmem>> -> memref<1x128xi32, #tpu.memory_space<vmem>>
      %dma_wait3A_61 = tpu.memref_squeeze %dma_wait3A_60 : memref<1x128xi32, #tpu.memory_space<vmem>> -> memref<128xi32, #tpu.memory_space<vmem>>
      %dma_wait3A_62 = arith.constant 0 : i32
      %dma_wait3A_63 = arith.constant 0 : i32
      %dma_wait3A_64 = tpu.memref_slice %arg2[%dma_wait3A_62, %dma_wait3A_63] : memref<10112x128xf32, #tpu.memory_space<hbm>> -> memref<10112x128xf32, #tpu.memory_space<hbm>>
      tpu.wait_indirect_dma semaphore(%arg11 : memref<!tpu.dma_semaphore, #tpu.memory_space<semaphore_mem>>) src(%dma_wait3A_64 : memref<10112x128xf32, #tpu.memory_space<hbm>>) dst(%arg8 : memref<128x128xf32, #tpu.memory_space<vmem>>)
      "tpu.region"() ({
        %run_scoped3A = tpu.sem_alloc : memref<!tpu.dma_semaphore, #tpu.memory_space<semaphore_mem>>
        %dma_start3A_83 = arith.constant 0 : i32
        %dma_start3A_84 = tpu.memref_slice %arg7[%mul3A_49, %dma_start3A_83] : memref<40x128xi32, #tpu.memory_space<vmem>> -> memref<1x128xi32, #tpu.memory_space<vmem>>
        %dma_start3A_85 = tpu.memref_squeeze %dma_start3A_84 : memref<1x128xi32, #tpu.memory_space<vmem>> -> memref<128xi32, #tpu.memory_space<vmem>>
        %dma_start3A_86 = arith.constant 0 : i32
        %dma_start3A_87 = arith.constant 0 : i32
        %dma_start3A_88 = tpu.memref_slice %arg10[%dma_start3A_86, %dma_start3A_87] : memref<10112x128xf32, #tpu.memory_space<vmem_shared>> -> memref<10112x128xf32, #tpu.memory_space<vmem_shared>>
        tpu.enqueue_indirect_dma source(%arg8 : memref<128x128xf32, #tpu.memory_space<vmem>>) target(%dma_start3A_88 : memref<10112x128xf32, #tpu.memory_space<vmem_shared>>) offsets(%dma_start3A_85 : memref<128xi32, #tpu.memory_space<vmem>>) semaphore(%run_scoped3A : memref<!tpu.dma_semaphore, #tpu.memory_space<semaphore_mem>>) {add = true}
        %dma_wait3A_89 = arith.constant 0 : i32
        %dma_wait3A_90 = tpu.memref_slice %arg7[%mul3A_49, %dma_wait3A_89] : memref<40x128xi32, #tpu.memory_space<vmem>> -> memref<1x128xi32, #tpu.memory_space<vmem>>
        %dma_wait3A_91 = tpu.memref_squeeze %dma_wait3A_90 : memref<1x128xi32, #tpu.memory_space<vmem>> -> memref<128xi32, #tpu.memory_space<vmem>>
        %dma_wait3A_92 = arith.constant 0 : i32
        %dma_wait3A_93 = arith.constant 0 : i32
        %dma_wait3A_94 = tpu.memref_slice %arg10[%dma_wait3A_92, %dma_wait3A_93] : memref<10112x128xf32, #tpu.memory_space<vmem_shared>> -> memref<10112x128xf32, #tpu.memory_space<vmem_shared>>
        tpu.wait_indirect_dma semaphore(%run_scoped3A : memref<!tpu.dma_semaphore, #tpu.memory_space<semaphore_mem>>) src(%arg8 : memref<128x128xf32, #tpu.memory_space<vmem>>) dst(%dma_wait3A_94 : memref<10112x128xf32, #tpu.memory_space<vmem_shared>>)
        tpu.yield
      }) : () -> ()
      %add3A_65 = arith.constant 2 : i32
      %add3A_66 = arith.addi %mul3A_49, %add3A_65 : i32
      %min3A = arith.constant 39 : i32
      %min3A_67 = arith.minsi %add3A_66, %min3A : i32
      %dma_start3A_68 = arith.constant 0 : i32
      %dma_start3A_69 = tpu.memref_slice %arg6[%min3A_67, %dma_start3A_68] : memref<40x128xi32, #tpu.memory_space<vmem>> -> memref<1x128xi32, #tpu.memory_space<vmem>>
      %dma_start3A_70 = tpu.memref_squeeze %dma_start3A_69 : memref<1x128xi32, #tpu.memory_space<vmem>> -> memref<128xi32, #tpu.memory_space<vmem>>
      %dma_start3A_71 = arith.constant 0 : i32
      %dma_start3A_72 = arith.constant 0 : i32
      %dma_start3A_73 = tpu.memref_slice %arg2[%dma_start3A_71, %dma_start3A_72] : memref<10112x128xf32, #tpu.memory_space<hbm>> -> memref<10112x128xf32, #tpu.memory_space<hbm>>
      tpu.enqueue_indirect_dma source(%dma_start3A_73 : memref<10112x128xf32, #tpu.memory_space<hbm>>) target(%arg8 : memref<128x128xf32, #tpu.memory_space<vmem>>) offsets(%dma_start3A_70 : memref<128xi32, #tpu.memory_space<vmem>>) semaphore(%arg11 : memref<!tpu.dma_semaphore, #tpu.memory_space<semaphore_mem>>)
      %dma_wait3A_74 = arith.constant 0 : i32
      %dma_wait3A_75 = arith.constant 0 : i32
      %dma_wait3A_76 = tpu.memref_slice %arg6[%dma_wait3A_74, %dma_wait3A_75] : memref<40x128xi32, #tpu.memory_space<vmem>> -> memref<1x128xi32, #tpu.memory_space<vmem>>
      %dma_wait3A_77 = tpu.memref_squeeze %dma_wait3A_76 : memref<1x128xi32, #tpu.memory_space<vmem>> -> memref<128xi32, #tpu.memory_space<vmem>>
      %dma_wait3A_78 = arith.constant 0 : i32
      %dma_wait3A_79 = arith.constant 0 : i32
      %dma_wait3A_80 = tpu.memref_slice %arg2[%dma_wait3A_78, %dma_wait3A_79] : memref<10112x128xf32, #tpu.memory_space<hbm>> -> memref<10112x128xf32, #tpu.memory_space<hbm>>
      tpu.wait_indirect_dma semaphore(%arg12 : memref<!tpu.dma_semaphore, #tpu.memory_space<semaphore_mem>>) src(%dma_wait3A_80 : memref<10112x128xf32, #tpu.memory_space<hbm>>) dst(%arg9 : memref<128x128xf32, #tpu.memory_space<vmem>>)
      %add3A_81 = arith.constant 1 : i32
      %add3A_82 = arith.addi %mul3A_49, %add3A_81 : i32
      "tpu.region"() ({
        %run_scoped3A = tpu.sem_alloc : memref<!tpu.dma_semaphore, #tpu.memory_space<semaphore_mem>>
        %dma_start3A_83 = arith.constant 0 : i32
        %dma_start3A_84 = tpu.memref_slice %arg7[%add3A_82, %dma_start3A_83] : memref<40x128xi32, #tpu.memory_space<vmem>> -> memref<1x128xi32, #tpu.memory_space<vmem>>
        %dma_start3A_85 = tpu.memref_squeeze %dma_start3A_84 : memref<1x128xi32, #tpu.memory_space<vmem>> -> memref<128xi32, #tpu.memory_space<vmem>>
        %dma_start3A_86 = arith.constant 0 : i32
        %dma_start3A_87 = arith.constant 0 : i32
        %dma_start3A_88 = tpu.memref_slice %arg10[%dma_start3A_86, %dma_start3A_87] : memref<10112x128xf32, #tpu.memory_space<vmem_shared>> -> memref<10112x128xf32, #tpu.memory_space<vmem_shared>>
        tpu.enqueue_indirect_dma source(%arg9 : memref<128x128xf32, #tpu.memory_space<vmem>>) target(%dma_start3A_88 : memref<10112x128xf32, #tpu.memory_space<vmem_shared>>) offsets(%dma_start3A_85 : memref<128xi32, #tpu.memory_space<vmem>>) semaphore(%run_scoped3A : memref<!tpu.dma_semaphore, #tpu.memory_space<semaphore_mem>>) {add = true}
        %dma_wait3A_89 = arith.constant 0 : i32
        %dma_wait3A_90 = tpu.memref_slice %arg7[%add3A_82, %dma_wait3A_89] : memref<40x128xi32, #tpu.memory_space<vmem>> -> memref<1x128xi32, #tpu.memory_space<vmem>>
        %dma_wait3A_91 = tpu.memref_squeeze %dma_wait3A_90 : memref<1x128xi32, #tpu.memory_space<vmem>> -> memref<128xi32, #tpu.memory_space<vmem>>
        %dma_wait3A_92 = arith.constant 0 : i32
        %dma_wait3A_93 = arith.constant 0 : i32
        %dma_wait3A_94 = tpu.memref_slice %arg10[%dma_wait3A_92, %dma_wait3A_93] : memref<10112x128xf32, #tpu.memory_space<vmem_shared>> -> memref<10112x128xf32, #tpu.memory_space<vmem_shared>>
        tpu.wait_indirect_dma semaphore(%run_scoped3A : memref<!tpu.dma_semaphore, #tpu.memory_space<semaphore_mem>>) src(%arg9 : memref<128x128xf32, #tpu.memory_space<vmem>>) dst(%dma_wait3A_94 : memref<10112x128xf32, #tpu.memory_space<vmem_shared>>)
        tpu.yield
      }) : () -> ()
    }
    %scan3A_15 = arith.constant 20 : i32
    %dma_wait3A = arith.constant 0 : i32
    %dma_wait3A_16 = arith.constant 0 : i32
    %dma_wait3A_17 = tpu.memref_slice %arg6[%dma_wait3A, %dma_wait3A_16] : memref<40x128xi32, #tpu.memory_space<vmem>> -> memref<1x128xi32, #tpu.memory_space<vmem>>
    %dma_wait3A_18 = tpu.memref_squeeze %dma_wait3A_17 : memref<1x128xi32, #tpu.memory_space<vmem>> -> memref<128xi32, #tpu.memory_space<vmem>>
    %dma_wait3A_19 = arith.constant 0 : i32
    %dma_wait3A_20 = arith.constant 0 : i32
    %dma_wait3A_21 = tpu.memref_slice %arg2[%dma_wait3A_19, %dma_wait3A_20] : memref<10112x128xf32, #tpu.memory_space<hbm>> -> memref<10112x128xf32, #tpu.memory_space<hbm>>
    tpu.wait_indirect_dma semaphore(%arg11 : memref<!tpu.dma_semaphore, #tpu.memory_space<semaphore_mem>>) src(%dma_wait3A_21 : memref<10112x128xf32, #tpu.memory_space<hbm>>) dst(%arg8 : memref<128x128xf32, #tpu.memory_space<vmem>>)
    "tpu.region"() ({
      %run_scoped3A = tpu.sem_alloc : memref<!tpu.dma_semaphore, #tpu.memory_space<semaphore_mem>>
      %dma_start3A_47 = arith.constant 40 : i32
      %dma_start3A_48 = arith.constant 0 : i32
      %dma_start3A_49 = tpu.memref_slice %arg3[%add3A, %dma_start3A_47, %dma_start3A_48] : memref<32x80x128xi32, #tpu.memory_space<hbm>> -> memref<1x40x128xi32, #tpu.memory_space<hbm>>
      %dma_start3A_50 = tpu.memref_squeeze %dma_start3A_49 : memref<1x40x128xi32, #tpu.memory_space<hbm>> -> memref<40x128xi32, #tpu.memory_space<hbm>>
      %dma_start3A_51 = arith.constant 40 : i32
      %dma_start3A_52 = arith.constant 0 : i32
      %dma_start3A_53 = tpu.memref_slice %arg3[%add3A, %dma_start3A_51, %dma_start3A_52] : memref<32x80x128xi32, #tpu.memory_space<hbm>> -> memref<1x40x128xi32, #tpu.memory_space<hbm>>
      %dma_start3A_54 = tpu.memref_squeeze %dma_start3A_53 : memref<1x40x128xi32, #tpu.memory_space<hbm>> -> memref<40x128xi32, #tpu.memory_space<hbm>>
      tpu.enqueue_dma source(%dma_start3A_54 : memref<40x128xi32, #tpu.memory_space<hbm>>) target(%arg6 : memref<40x128xi32, #tpu.memory_space<vmem>>) target_semaphore(%run_scoped3A : memref<!tpu.dma_semaphore, #tpu.memory_space<semaphore_mem>>)
      %dma_wait3A_55 = arith.constant 40 : i32
      %dma_wait3A_56 = arith.constant 0 : i32
      %dma_wait3A_57 = tpu.memref_slice %arg3[%add3A, %dma_wait3A_55, %dma_wait3A_56] : memref<32x80x128xi32, #tpu.memory_space<hbm>> -> memref<1x40x128xi32, #tpu.memory_space<hbm>>
      %dma_wait3A_58 = tpu.memref_squeeze %dma_wait3A_57 : memref<1x40x128xi32, #tpu.memory_space<hbm>> -> memref<40x128xi32, #tpu.memory_space<hbm>>
      %dma_wait3A_59 = arith.constant 40 : i32
      %dma_wait3A_60 = arith.constant 0 : i32
      %dma_wait3A_61 = tpu.memref_slice %arg3[%add3A, %dma_wait3A_59, %dma_wait3A_60] : memref<32x80x128xi32, #tpu.memory_space<hbm>> -> memref<1x40x128xi32, #tpu.memory_space<hbm>>
      %dma_wait3A_62 = tpu.memref_squeeze %dma_wait3A_61 : memref<1x40x128xi32, #tpu.memory_space<hbm>> -> memref<40x128xi32, #tpu.memory_space<hbm>>
      tpu.wait_dma2 semaphore(%run_scoped3A : memref<!tpu.dma_semaphore, #tpu.memory_space<semaphore_mem>>) src(%dma_wait3A_62 : memref<40x128xi32, #tpu.memory_space<hbm>>) dst(%arg6 : memref<40x128xi32, #tpu.memory_space<vmem>>)
      tpu.yield
    }) : () -> ()
    "tpu.region"() ({
      %run_scoped3A = tpu.sem_alloc : memref<!tpu.dma_semaphore, #tpu.memory_space<semaphore_mem>>
      %dma_start3A_47 = arith.constant 40 : i32
      %dma_start3A_48 = arith.constant 0 : i32
      %dma_start3A_49 = tpu.memref_slice %arg4[%add3A, %dma_start3A_47, %dma_start3A_48] : memref<32x80x128xi32, #tpu.memory_space<hbm>> -> memref<1x40x128xi32, #tpu.memory_space<hbm>>
      %dma_start3A_50 = tpu.memref_squeeze %dma_start3A_49 : memref<1x40x128xi32, #tpu.memory_space<hbm>> -> memref<40x128xi32, #tpu.memory_space<hbm>>
      %dma_start3A_51 = arith.constant 40 : i32
      %dma_start3A_52 = arith.constant 0 : i32
      %dma_start3A_53 = tpu.memref_slice %arg4[%add3A, %dma_start3A_51, %dma_start3A_52] : memref<32x80x128xi32, #tpu.memory_space<hbm>> -> memref<1x40x128xi32, #tpu.memory_space<hbm>>
      %dma_start3A_54 = tpu.memref_squeeze %dma_start3A_53 : memref<1x40x128xi32, #tpu.memory_space<hbm>> -> memref<40x128xi32, #tpu.memory_space<hbm>>
      tpu.enqueue_dma source(%dma_start3A_54 : memref<40x128xi32, #tpu.memory_space<hbm>>) target(%arg7 : memref<40x128xi32, #tpu.memory_space<vmem>>) target_semaphore(%run_scoped3A : memref<!tpu.dma_semaphore, #tpu.memory_space<semaphore_mem>>)
      %dma_wait3A_55 = arith.constant 40 : i32
      %dma_wait3A_56 = arith.constant 0 : i32
      %dma_wait3A_57 = tpu.memref_slice %arg4[%add3A, %dma_wait3A_55, %dma_wait3A_56] : memref<32x80x128xi32, #tpu.memory_space<hbm>> -> memref<1x40x128xi32, #tpu.memory_space<hbm>>
      %dma_wait3A_58 = tpu.memref_squeeze %dma_wait3A_57 : memref<1x40x128xi32, #tpu.memory_space<hbm>> -> memref<40x128xi32, #tpu.memory_space<hbm>>
      %dma_wait3A_59 = arith.constant 40 : i32
      %dma_wait3A_60 = arith.constant 0 : i32
      %dma_wait3A_61 = tpu.memref_slice %arg4[%add3A, %dma_wait3A_59, %dma_wait3A_60] : memref<32x80x128xi32, #tpu.memory_space<hbm>> -> memref<1x40x128xi32, #tpu.memory_space<hbm>>
      %dma_wait3A_62 = tpu.memref_squeeze %dma_wait3A_61 : memref<1x40x128xi32, #tpu.memory_space<hbm>> -> memref<40x128xi32, #tpu.memory_space<hbm>>
      tpu.wait_dma2 semaphore(%run_scoped3A : memref<!tpu.dma_semaphore, #tpu.memory_space<semaphore_mem>>) src(%dma_wait3A_62 : memref<40x128xi32, #tpu.memory_space<hbm>>) dst(%arg7 : memref<40x128xi32, #tpu.memory_space<vmem>>)
      tpu.yield
    }) : () -> ()
    %dma_start3A_22 = arith.constant 0 : i32
    %dma_start3A_23 = arith.constant 0 : i32
    %dma_start3A_24 = tpu.memref_slice %arg6[%dma_start3A_22, %dma_start3A_23] : memref<40x128xi32, #tpu.memory_space<vmem>> -> memref<1x128xi32, #tpu.memory_space<vmem>>
    %dma_start3A_25 = tpu.memref_squeeze %dma_start3A_24 : memref<1x128xi32, #tpu.memory_space<vmem>> -> memref<128xi32, #tpu.memory_space<vmem>>
    %dma_start3A_26 = arith.constant 0 : i32
    %dma_start3A_27 = arith.constant 0 : i32
    %dma_start3A_28 = tpu.memref_slice %arg2[%dma_start3A_26, %dma_start3A_27] : memref<10112x128xf32, #tpu.memory_space<hbm>> -> memref<10112x128xf32, #tpu.memory_space<hbm>>
    tpu.enqueue_indirect_dma source(%dma_start3A_28 : memref<10112x128xf32, #tpu.memory_space<hbm>>) target(%arg8 : memref<128x128xf32, #tpu.memory_space<vmem>>) offsets(%dma_start3A_25 : memref<128xi32, #tpu.memory_space<vmem>>) semaphore(%arg11 : memref<!tpu.dma_semaphore, #tpu.memory_space<semaphore_mem>>)
    %scan3A_29 = arith.constant 0 : i32
    %scan3A_30 = arith.constant 0 : i32
    %scan3A_31 = arith.constant 20 : i32
    %scan3A_32 = arith.addi %scan3A_30, %scan3A_31 : i32
    %scan3A_33 = arith.constant 1 : i32
    scf.for %scan3A_47 = %scan3A_30 to %scan3A_32 step %scan3A_33  : i32 {
      %mul3A_48 = arith.constant 2 : i32
      %mul3A_49 = arith.muli %mul3A_48, %scan3A_47 : i32
      %add3A_50 = arith.constant 1 : i32
      %add3A_51 = arith.addi %mul3A_49, %add3A_50 : i32
      %dma_start3A_52 = arith.constant 0 : i32
      %dma_start3A_53 = tpu.memref_slice %arg6[%add3A_51, %dma_start3A_52] : memref<40x128xi32, #tpu.memory_space<vmem>> -> memref<1x128xi32, #tpu.memory_space<vmem>>
      %dma_start3A_54 = tpu.memref_squeeze %dma_start3A_53 : memref<1x128xi32, #tpu.memory_space<vmem>> -> memref<128xi32, #tpu.memory_space<vmem>>
      %dma_start3A_55 = arith.constant 0 : i32
      %dma_start3A_56 = arith.constant 0 : i32
      %dma_start3A_57 = tpu.memref_slice %arg2[%dma_start3A_55, %dma_start3A_56] : memref<10112x128xf32, #tpu.memory_space<hbm>> -> memref<10112x128xf32, #tpu.memory_space<hbm>>
      tpu.enqueue_indirect_dma source(%dma_start3A_57 : memref<10112x128xf32, #tpu.memory_space<hbm>>) target(%arg9 : memref<128x128xf32, #tpu.memory_space<vmem>>) offsets(%dma_start3A_54 : memref<128xi32, #tpu.memory_space<vmem>>) semaphore(%arg12 : memref<!tpu.dma_semaphore, #tpu.memory_space<semaphore_mem>>)
      %dma_wait3A_58 = arith.constant 0 : i32
      %dma_wait3A_59 = arith.constant 0 : i32
      %dma_wait3A_60 = tpu.memref_slice %arg6[%dma_wait3A_58, %dma_wait3A_59] : memref<40x128xi32, #tpu.memory_space<vmem>> -> memref<1x128xi32, #tpu.memory_space<vmem>>
      %dma_wait3A_61 = tpu.memref_squeeze %dma_wait3A_60 : memref<1x128xi32, #tpu.memory_space<vmem>> -> memref<128xi32, #tpu.memory_space<vmem>>
      %dma_wait3A_62 = arith.constant 0 : i32
      %dma_wait3A_63 = arith.constant 0 : i32
      %dma_wait3A_64 = tpu.memref_slice %arg2[%dma_wait3A_62, %dma_wait3A_63] : memref<10112x128xf32, #tpu.memory_space<hbm>> -> memref<10112x128xf32, #tpu.memory_space<hbm>>
      tpu.wait_indirect_dma semaphore(%arg11 : memref<!tpu.dma_semaphore, #tpu.memory_space<semaphore_mem>>) src(%dma_wait3A_64 : memref<10112x128xf32, #tpu.memory_space<hbm>>) dst(%arg8 : memref<128x128xf32, #tpu.memory_space<vmem>>)
      "tpu.region"() ({
        %run_scoped3A = tpu.sem_alloc : memref<!tpu.dma_semaphore, #tpu.memory_space<semaphore_mem>>
        %dma_start3A_83 = arith.constant 0 : i32
        %dma_start3A_84 = tpu.memref_slice %arg7[%mul3A_49, %dma_start3A_83] : memref<40x128xi32, #tpu.memory_space<vmem>> -> memref<1x128xi32, #tpu.memory_space<vmem>>
        %dma_start3A_85 = tpu.memref_squeeze %dma_start3A_84 : memref<1x128xi32, #tpu.memory_space<vmem>> -> memref<128xi32, #tpu.memory_space<vmem>>
        %dma_start3A_86 = arith.constant 0 : i32
        %dma_start3A_87 = arith.constant 0 : i32
        %dma_start3A_88 = tpu.memref_slice %arg10[%dma_start3A_86, %dma_start3A_87] : memref<10112x128xf32, #tpu.memory_space<vmem_shared>> -> memref<10112x128xf32, #tpu.memory_space<vmem_shared>>
        tpu.enqueue_indirect_dma source(%arg8 : memref<128x128xf32, #tpu.memory_space<vmem>>) target(%dma_start3A_88 : memref<10112x128xf32, #tpu.memory_space<vmem_shared>>) offsets(%dma_start3A_85 : memref<128xi32, #tpu.memory_space<vmem>>) semaphore(%run_scoped3A : memref<!tpu.dma_semaphore, #tpu.memory_space<semaphore_mem>>) {add = true}
        %dma_wait3A_89 = arith.constant 0 : i32
        %dma_wait3A_90 = tpu.memref_slice %arg7[%mul3A_49, %dma_wait3A_89] : memref<40x128xi32, #tpu.memory_space<vmem>> -> memref<1x128xi32, #tpu.memory_space<vmem>>
        %dma_wait3A_91 = tpu.memref_squeeze %dma_wait3A_90 : memref<1x128xi32, #tpu.memory_space<vmem>> -> memref<128xi32, #tpu.memory_space<vmem>>
        %dma_wait3A_92 = arith.constant 0 : i32
        %dma_wait3A_93 = arith.constant 0 : i32
        %dma_wait3A_94 = tpu.memref_slice %arg10[%dma_wait3A_92, %dma_wait3A_93] : memref<10112x128xf32, #tpu.memory_space<vmem_shared>> -> memref<10112x128xf32, #tpu.memory_space<vmem_shared>>
        tpu.wait_indirect_dma semaphore(%run_scoped3A : memref<!tpu.dma_semaphore, #tpu.memory_space<semaphore_mem>>) src(%arg8 : memref<128x128xf32, #tpu.memory_space<vmem>>) dst(%dma_wait3A_94 : memref<10112x128xf32, #tpu.memory_space<vmem_shared>>)
        tpu.yield
      }) : () -> ()
      %add3A_65 = arith.constant 2 : i32
      %add3A_66 = arith.addi %mul3A_49, %add3A_65 : i32
      %min3A = arith.constant 39 : i32
      %min3A_67 = arith.minsi %add3A_66, %min3A : i32
      %dma_start3A_68 = arith.constant 0 : i32
      %dma_start3A_69 = tpu.memref_slice %arg6[%min3A_67, %dma_start3A_68] : memref<40x128xi32, #tpu.memory_space<vmem>> -> memref<1x128xi32, #tpu.memory_space<vmem>>
      %dma_start3A_70 = tpu.memref_squeeze %dma_start3A_69 : memref<1x128xi32, #tpu.memory_space<vmem>> -> memref<128xi32, #tpu.memory_space<vmem>>
      %dma_start3A_71 = arith.constant 0 : i32
      %dma_start3A_72 = arith.constant 0 : i32
      %dma_start3A_73 = tpu.memref_slice %arg2[%dma_start3A_71, %dma_start3A_72] : memref<10112x128xf32, #tpu.memory_space<hbm>> -> memref<10112x128xf32, #tpu.memory_space<hbm>>
      tpu.enqueue_indirect_dma source(%dma_start3A_73 : memref<10112x128xf32, #tpu.memory_space<hbm>>) target(%arg8 : memref<128x128xf32, #tpu.memory_space<vmem>>) offsets(%dma_start3A_70 : memref<128xi32, #tpu.memory_space<vmem>>) semaphore(%arg11 : memref<!tpu.dma_semaphore, #tpu.memory_space<semaphore_mem>>)
      %dma_wait3A_74 = arith.constant 0 : i32
      %dma_wait3A_75 = arith.constant 0 : i32
      %dma_wait3A_76 = tpu.memref_slice %arg6[%dma_wait3A_74, %dma_wait3A_75] : memref<40x128xi32, #tpu.memory_space<vmem>> -> memref<1x128xi32, #tpu.memory_space<vmem>>
      %dma_wait3A_77 = tpu.memref_squeeze %dma_wait3A_76 : memref<1x128xi32, #tpu.memory_space<vmem>> -> memref<128xi32, #tpu.memory_space<vmem>>
      %dma_wait3A_78 = arith.constant 0 : i32
      %dma_wait3A_79 = arith.constant 0 : i32
      %dma_wait3A_80 = tpu.memref_slice %arg2[%dma_wait3A_78, %dma_wait3A_79] : memref<10112x128xf32, #tpu.memory_space<hbm>> -> memref<10112x128xf32, #tpu.memory_space<hbm>>
      tpu.wait_indirect_dma semaphore(%arg12 : memref<!tpu.dma_semaphore, #tpu.memory_space<semaphore_mem>>) src(%dma_wait3A_80 : memref<10112x128xf32, #tpu.memory_space<hbm>>) dst(%arg9 : memref<128x128xf32, #tpu.memory_space<vmem>>)
      %add3A_81 = arith.constant 1 : i32
      %add3A_82 = arith.addi %mul3A_49, %add3A_81 : i32
      "tpu.region"() ({
        %run_scoped3A = tpu.sem_alloc : memref<!tpu.dma_semaphore, #tpu.memory_space<semaphore_mem>>
        %dma_start3A_83 = arith.constant 0 : i32
        %dma_start3A_84 = tpu.memref_slice %arg7[%add3A_82, %dma_start3A_83] : memref<40x128xi32, #tpu.memory_space<vmem>> -> memref<1x128xi32, #tpu.memory_space<vmem>>
        %dma_start3A_85 = tpu.memref_squeeze %dma_start3A_84 : memref<1x128xi32, #tpu.memory_space<vmem>> -> memref<128xi32, #tpu.memory_space<vmem>>
        %dma_start3A_86 = arith.constant 0 : i32
        %dma_start3A_87 = arith.constant 0 : i32
        %dma_start3A_88 = tpu.memref_slice %arg10[%dma_start3A_86, %dma_start3A_87] : memref<10112x128xf32, #tpu.memory_space<vmem_shared>> -> memref<10112x128xf32, #tpu.memory_space<vmem_shared>>
        tpu.enqueue_indirect_dma source(%arg9 : memref<128x128xf32, #tpu.memory_space<vmem>>) target(%dma_start3A_88 : memref<10112x128xf32, #tpu.memory_space<vmem_shared>>) offsets(%dma_start3A_85 : memref<128xi32, #tpu.memory_space<vmem>>) semaphore(%run_scoped3A : memref<!tpu.dma_semaphore, #tpu.memory_space<semaphore_mem>>) {add = true}
        %dma_wait3A_89 = arith.constant 0 : i32
        %dma_wait3A_90 = tpu.memref_slice %arg7[%add3A_82, %dma_wait3A_89] : memref<40x128xi32, #tpu.memory_space<vmem>> -> memref<1x128xi32, #tpu.memory_space<vmem>>
        %dma_wait3A_91 = tpu.memref_squeeze %dma_wait3A_90 : memref<1x128xi32, #tpu.memory_space<vmem>> -> memref<128xi32, #tpu.memory_space<vmem>>
        %dma_wait3A_92 = arith.constant 0 : i32
        %dma_wait3A_93 = arith.constant 0 : i32
        %dma_wait3A_94 = tpu.memref_slice %arg10[%dma_wait3A_92, %dma_wait3A_93] : memref<10112x128xf32, #tpu.memory_space<vmem_shared>> -> memref<10112x128xf32, #tpu.memory_space<vmem_shared>>
        tpu.wait_indirect_dma semaphore(%run_scoped3A : memref<!tpu.dma_semaphore, #tpu.memory_space<semaphore_mem>>) src(%arg9 : memref<128x128xf32, #tpu.memory_space<vmem>>) dst(%dma_wait3A_94 : memref<10112x128xf32, #tpu.memory_space<vmem_shared>>)
        tpu.yield
      }) : () -> ()
    }
    %scan3A_34 = arith.constant 20 : i32
    %dma_wait3A_35 = arith.constant 0 : i32
    %dma_wait3A_36 = arith.constant 0 : i32
    %dma_wait3A_37 = tpu.memref_slice %arg6[%dma_wait3A_35, %dma_wait3A_36] : memref<40x128xi32, #tpu.memory_space<vmem>> -> memref<1x128xi32, #tpu.memory_space<vmem>>
    %dma_wait3A_38 = tpu.memref_squeeze %dma_wait3A_37 : memref<1x128xi32, #tpu.memory_space<vmem>> -> memref<128xi32, #tpu.memory_space<vmem>>
    %dma_wait3A_39 = arith.constant 0 : i32
    %dma_wait3A_40 = arith.constant 0 : i32
    %dma_wait3A_41 = tpu.memref_slice %arg2[%dma_wait3A_39, %dma_wait3A_40] : memref<10112x128xf32, #tpu.memory_space<hbm>> -> memref<10112x128xf32, #tpu.memory_space<hbm>>
    tpu.wait_indirect_dma semaphore(%arg11 : memref<!tpu.dma_semaphore, #tpu.memory_space<semaphore_mem>>) src(%dma_wait3A_41 : memref<10112x128xf32, #tpu.memory_space<hbm>>) dst(%arg8 : memref<128x128xf32, #tpu.memory_space<vmem>>)
    %barrier3A_42 = arith.constant 0 : index
    tpu.barrier barrier_id(%barrier3A_42)
    %mul3A_43 = arith.constant 632 : i32
    %mul3A_44 = arith.muli %arg1, %mul3A_43 : i32
    %mul3A_45 = arith.constant 632 : i32
    %mul3A_46 = arith.muli %arg1, %mul3A_45 : i32
    "tpu.region"() ({
      %run_scoped3A = tpu.sem_alloc : memref<!tpu.dma_semaphore, #tpu.memory_space<semaphore_mem>>
      %dma_start3A_47 = arith.constant 0 : i32
      %dma_start3A_48 = tpu.memref_slice %arg5[%arg0, %mul3A_46, %dma_start3A_47] : memref<2x10112x128xf32, #tpu.memory_space<hbm>> -> memref<1x632x128xf32, #tpu.memory_space<hbm>>
      %dma_start3A_49 = tpu.memref_squeeze %dma_start3A_48 : memref<1x632x128xf32, #tpu.memory_space<hbm>> -> memref<632x128xf32, #tpu.memory_space<hbm>>
      %dma_start3A_50 = arith.constant 0 : i32
      %dma_start3A_51 = tpu.memref_slice %arg10[%mul3A_44, %dma_start3A_50] : memref<10112x128xf32, #tpu.memory_space<vmem_shared>> -> memref<632x128xf32, #tpu.memory_space<vmem_shared>>
      tpu.enqueue_dma source(%dma_start3A_51 : memref<632x128xf32, #tpu.memory_space<vmem_shared>>) target(%dma_start3A_49 : memref<632x128xf32, #tpu.memory_space<hbm>>) target_semaphore(%run_scoped3A : memref<!tpu.dma_semaphore, #tpu.memory_space<semaphore_mem>>)
      %dma_wait3A_52 = arith.constant 0 : i32
      %dma_wait3A_53 = tpu.memref_slice %arg5[%arg0, %mul3A_46, %dma_wait3A_52] : memref<2x10112x128xf32, #tpu.memory_space<hbm>> -> memref<1x632x128xf32, #tpu.memory_space<hbm>>
      %dma_wait3A_54 = tpu.memref_squeeze %dma_wait3A_53 : memref<1x632x128xf32, #tpu.memory_space<hbm>> -> memref<632x128xf32, #tpu.memory_space<hbm>>
      %dma_wait3A_55 = arith.constant 0 : i32
      %dma_wait3A_56 = tpu.memref_slice %arg10[%mul3A_44, %dma_wait3A_55] : memref<10112x128xf32, #tpu.memory_space<vmem_shared>> -> memref<632x128xf32, #tpu.memory_space<vmem_shared>>
      tpu.wait_dma2 semaphore(%run_scoped3A : memref<!tpu.dma_semaphore, #tpu.memory_space<semaphore_mem>>) src(%dma_wait3A_56 : memref<632x128xf32, #tpu.memory_space<vmem_shared>>) dst(%dma_wait3A_54 : memref<632x128xf32, #tpu.memory_space<hbm>>)
      tpu.yield
    }) : () -> ()
    return
  }
}

#map = affine_map<(d0, d1) -> (0, 0, 0)>
#map1 = affine_map<(d0, d1) -> (0)>
module attributes {stable_mosaic.version = 14 : i64} {
  func.func @_deg_kernel(%arg0: i32, %arg1: i32, %arg2: memref<32x80x128xi32, #tpu.memory_space<hbm>>, %arg3: memref<323584xf32, #tpu.memory_space<hbm>>, %arg4: memref<80x128xi32, #tpu.memory_space<vmem>>, %arg5: memref<10112xf32, #tpu.memory_space<vmem>>) attributes {dimension_semantics = [#tpu.dimension_semantics<core_parallel>, #tpu.dimension_semantics<subcore_parallel>], iteration_bounds = array<i64: 2, 16>, scalar_prefetch = 0 : i64, scratch_operands = 2 : i64, tpu.core_type = #tpu.core_type<sc_vector_subcore>, window_params = [{transform_indices = #map}, {transform_indices = #map1}]} {
    %mul3A = arith.constant 2 : i32
    %mul3A_0 = arith.muli %arg1, %mul3A : i32
    %add3A = arith.addi %mul3A_0, %arg0 : i32
    "tpu.region"() ({
      %run_scoped3A = tpu.sem_alloc : memref<!tpu.dma_semaphore, #tpu.memory_space<semaphore_mem>>
      %dma_start3A = arith.constant 0 : i32
      %dma_start3A_17 = arith.constant 0 : i32
      %dma_start3A_18 = tpu.memref_slice %arg2[%add3A, %dma_start3A, %dma_start3A_17] : memref<32x80x128xi32, #tpu.memory_space<hbm>> -> memref<1x80x128xi32, #tpu.memory_space<hbm>>
      %dma_start3A_19 = tpu.memref_squeeze %dma_start3A_18 : memref<1x80x128xi32, #tpu.memory_space<hbm>> -> memref<80x128xi32, #tpu.memory_space<hbm>>
      %dma_start3A_20 = arith.constant 0 : i32
      %dma_start3A_21 = arith.constant 0 : i32
      %dma_start3A_22 = tpu.memref_slice %arg2[%add3A, %dma_start3A_20, %dma_start3A_21] : memref<32x80x128xi32, #tpu.memory_space<hbm>> -> memref<1x80x128xi32, #tpu.memory_space<hbm>>
      %dma_start3A_23 = tpu.memref_squeeze %dma_start3A_22 : memref<1x80x128xi32, #tpu.memory_space<hbm>> -> memref<80x128xi32, #tpu.memory_space<hbm>>
      tpu.enqueue_dma source(%dma_start3A_23 : memref<80x128xi32, #tpu.memory_space<hbm>>) target(%arg4 : memref<80x128xi32, #tpu.memory_space<vmem>>) target_semaphore(%run_scoped3A : memref<!tpu.dma_semaphore, #tpu.memory_space<semaphore_mem>>)
      %dma_wait3A = arith.constant 0 : i32
      %dma_wait3A_24 = arith.constant 0 : i32
      %dma_wait3A_25 = tpu.memref_slice %arg2[%add3A, %dma_wait3A, %dma_wait3A_24] : memref<32x80x128xi32, #tpu.memory_space<hbm>> -> memref<1x80x128xi32, #tpu.memory_space<hbm>>
      %dma_wait3A_26 = tpu.memref_squeeze %dma_wait3A_25 : memref<1x80x128xi32, #tpu.memory_space<hbm>> -> memref<80x128xi32, #tpu.memory_space<hbm>>
      %dma_wait3A_27 = arith.constant 0 : i32
      %dma_wait3A_28 = arith.constant 0 : i32
      %dma_wait3A_29 = tpu.memref_slice %arg2[%add3A, %dma_wait3A_27, %dma_wait3A_28] : memref<32x80x128xi32, #tpu.memory_space<hbm>> -> memref<1x80x128xi32, #tpu.memory_space<hbm>>
      %dma_wait3A_30 = tpu.memref_squeeze %dma_wait3A_29 : memref<1x80x128xi32, #tpu.memory_space<hbm>> -> memref<80x128xi32, #tpu.memory_space<hbm>>
      tpu.wait_dma2 semaphore(%run_scoped3A : memref<!tpu.dma_semaphore, #tpu.memory_space<semaphore_mem>>) src(%dma_wait3A_30 : memref<80x128xi32, #tpu.memory_space<hbm>>) dst(%arg4 : memref<80x128xi32, #tpu.memory_space<vmem>>)
      tpu.yield
    }) : () -> ()
    %broadcast_in_dim3A = arith.constant 0.000000e+00 : f32
    %broadcast_in_dim3A_1 = vector.broadcast %broadcast_in_dim3A : f32 to vector<16xf32>
    %broadcast_in_dim3A_2 = arith.constant 1.000000e+00 : f32
    %broadcast_in_dim3A_3 = vector.broadcast %broadcast_in_dim3A_2 : f32 to vector<16xf32>
    %scan3A = arith.constant 0 : i32
    %scan3A_4 = arith.constant 0 : i32
    %scan3A_5 = arith.constant 632 : i32
    %scan3A_6 = arith.addi %scan3A_4, %scan3A_5 : i32
    %scan3A_7 = arith.constant 1 : i32
    scf.for %scan3A_17 = %scan3A_4 to %scan3A_6 step %scan3A_7  : i32 {
      %mul3A_18 = arith.constant 16 : i32
      %mul3A_19 = arith.muli %scan3A_17, %mul3A_18 : i32
      %swap3A = arith.index_cast %mul3A_19 : i32 to index
      %swap3A_20 = tpu.vector_load %arg5[%swap3A] {strides = array<i32>} : memref<10112xf32, #tpu.memory_space<vmem>>, vector<16xf32>,
      tpu.vector_store %arg5[%swap3A], %broadcast_in_dim3A_1 {strides = array<i32>} : memref<10112xf32, #tpu.memory_space<vmem>>, vector<16xf32>,
    }
    %scan3A_8 = arith.constant 632 : i32
    %scan3A_9 = arith.constant 0 : i32
    %scan3A_10 = arith.constant 0 : i32
    %scan3A_11 = arith.constant 640 : i32
    %scan3A_12 = arith.addi %scan3A_10, %scan3A_11 : i32
    %scan3A_13 = arith.constant 1 : i32
    scf.for %scan3A_17 = %scan3A_10 to %scan3A_12 step %scan3A_13  : i32 {
      %jit3A = arith.constant 8 : i32
      %div3A = arith.divsi %scan3A_17, %jit3A : i32
      %sign3A = arith.constant 0 : i32
      %sign3A_18 = arith.cmpi sgt, %scan3A_17, %sign3A : i32
      %sign3A_19 = arith.extui %sign3A_18 : i1 to i32
      %sign3A_20 = arith.constant 0 : i32
      %sign3A_21 = arith.cmpi slt, %scan3A_17, %sign3A_20 : i32
      %sign3A_22 = arith.extui %sign3A_21 : i1 to i32
      %sign3A_23 = arith.subi %sign3A_19, %sign3A_22 : i32
      %sign3A_24 = arith.constant 0 : i32
      %sign3A_25 = arith.cmpi sgt, %jit3A, %sign3A_24 : i32
      %sign3A_26 = arith.extui %sign3A_25 : i1 to i32
      %sign3A_27 = arith.constant 0 : i32
      %sign3A_28 = arith.cmpi slt, %jit3A, %sign3A_27 : i32
      %sign3A_29 = arith.extui %sign3A_28 : i1 to i32
      %sign3A_30 = arith.subi %sign3A_26, %sign3A_29 : i32
      %ne3A = arith.cmpi ne, %sign3A_23, %sign3A_30 : i32
      %rem3A = arith.remsi %scan3A_17, %jit3A : i32
      %ne3A_31 = arith.constant 0 : i32
      %ne3A_32 = arith.cmpi ne, %rem3A, %ne3A_31 : i32
      %and3A = arith.andi %ne3A, %ne3A_32 : i1
      %sub3A = arith.constant 1 : i32
      %sub3A_33 = arith.subi %div3A, %sub3A : i32
      %select_n3A = arith.select %and3A, %sub3A_33, %div3A : i32
      %jit3A_34 = arith.constant 8 : i32
      %eq3A = arith.constant 0 : i32
      %eq3A_35 = arith.cmpi eq, %jit3A_34, %eq3A : i32
      %jit3A_36 = arith.constant 1 : i32
      %select_n3A_37 = arith.select %eq3A_35, %jit3A_36, %jit3A_34 : i32
      %rem3A_38 = arith.remsi %scan3A_17, %select_n3A_37 : i32
      %ne3A_39 = arith.constant 0 : i32
      %ne3A_40 = arith.cmpi ne, %rem3A_38, %ne3A_39 : i32
      %lt3A = arith.constant 0 : i32
      %lt3A_41 = arith.cmpi slt, %rem3A_38, %lt3A : i32
      %lt3A_42 = arith.constant 0 : i32
      %lt3A_43 = arith.cmpi slt, %select_n3A_37, %lt3A_42 : i32
      %ne3A_44 = arith.xori %lt3A_41, %lt3A_43 : i1
      %and3A_45 = arith.andi %ne3A_44, %ne3A_40 : i1
      %add3A_46 = arith.addi %rem3A_38, %select_n3A_37 : i32
      %select_n3A_47 = arith.select %and3A_45, %add3A_46, %rem3A_38 : i32
      %mul3A_48 = arith.constant 16 : i32
      %mul3A_49 = arith.muli %select_n3A_47, %mul3A_48 : i32
      %get3A = arith.index_cast %select_n3A : i32 to index
      %get3A_50 = arith.index_cast %mul3A_49 : i32 to index
      %get3A_51 = tpu.vector_load %arg4[%get3A, %get3A_50] {strides = array<i32>} : memref<80x128xi32, #tpu.memory_space<vmem>>, vector<16xi32>,
      tpu.vector_store_idx %arg5[%get3A_51], %broadcast_in_dim3A_3 {add = true} : memref<10112xf32, #tpu.memory_space<vmem>>[vector<16xi32>], vector<16xf32>,
    }
    %scan3A_14 = arith.constant 640 : i32
    %mul3A_15 = arith.constant 10112 : i32
    %mul3A_16 = arith.muli %add3A, %mul3A_15 : i32
    "tpu.region"() ({
      %run_scoped3A = tpu.sem_alloc : memref<!tpu.dma_semaphore, #tpu.memory_space<semaphore_mem>>
      %dma_start3A = tpu.memref_slice %arg3[%mul3A_16] : memref<323584xf32, #tpu.memory_space<hbm>> -> memref<10112xf32, #tpu.memory_space<hbm>>
      %dma_start3A_17 = tpu.memref_slice %arg3[%mul3A_16] : memref<323584xf32, #tpu.memory_space<hbm>> -> memref<10112xf32, #tpu.memory_space<hbm>>
      tpu.enqueue_dma source(%arg5 : memref<10112xf32, #tpu.memory_space<vmem>>) target(%dma_start3A_17 : memref<10112xf32, #tpu.memory_space<hbm>>) target_semaphore(%run_scoped3A : memref<!tpu.dma_semaphore, #tpu.memory_space<semaphore_mem>>)
      %dma_wait3A = tpu.memref_slice %arg3[%mul3A_16] : memref<323584xf32, #tpu.memory_space<hbm>> -> memref<10112xf32, #tpu.memory_space<hbm>>
      %dma_wait3A_18 = tpu.memref_slice %arg3[%mul3A_16] : memref<323584xf32, #tpu.memory_space<hbm>> -> memref<10112xf32, #tpu.memory_space<hbm>>
      tpu.wait_dma2 semaphore(%run_scoped3A : memref<!tpu.dma_semaphore, #tpu.memory_space<semaphore_mem>>) src(%arg5 : memref<10112xf32, #tpu.memory_space<vmem>>) dst(%dma_wait3A_18 : memref<10112xf32, #tpu.memory_space<hbm>>)
      tpu.yield
    }) : () -> ()
    return
  }
}

#map = affine_map<(d0, d1) -> (0, 0)>
#map1 = affine_map<(d0, d1) -> (0, 0, 0)>
module attributes {stable_mosaic.version = 14 : i64} {
  func.func @_seg_kernel(%arg0: i32, %arg1: i32, %arg2: memref<10112x128xf32, #tpu.memory_space<hbm>>, %arg3: memref<32x80x128xi32, #tpu.memory_space<hbm>>, %arg4: memref<32x80x128xi32, #tpu.memory_space<hbm>>, %arg5: memref<2x10112x128xf32, #tpu.memory_space<hbm>>, %arg6: memref<40x128xi32, #tpu.memory_space<vmem>>, %arg7: memref<40x128xi32, #tpu.memory_space<vmem>>, %arg8: memref<128x128xf32, #tpu.memory_space<vmem>>, %arg9: memref<128x128xf32, #tpu.memory_space<vmem>>, %arg10: memref<10112x128xf32, #tpu.memory_space<vmem_shared>>, %arg11: memref<!tpu.dma_semaphore, #tpu.memory_space<semaphore_mem>>, %arg12: memref<!tpu.dma_semaphore, #tpu.memory_space<semaphore_mem>>) attributes {dimension_semantics = [#tpu.dimension_semantics<core_parallel>, #tpu.dimension_semantics<subcore_parallel>], iteration_bounds = array<i64: 2, 16>, scalar_prefetch = 0 : i64, scratch_operands = 7 : i64, tpu.core_type = #tpu.core_type<sc_vector_subcore>, window_params = [{transform_indices = #map}, {transform_indices = #map1}, {transform_indices = #map1}, {transform_indices = #map1}]} {
    %mul3A = arith.constant 2 : i32
    %mul3A_0 = arith.muli %arg1, %mul3A : i32
    %add3A = arith.addi %mul3A_0, %arg0 : i32
    %mul3A_1 = arith.constant 632 : i32
    %mul3A_2 = arith.muli %arg1, %mul3A_1 : i32
    %mul3A_3 = arith.constant 632 : i32
    %mul3A_4 = arith.muli %arg1, %mul3A_3 : i32
    "tpu.region"() ({
      %run_scoped3A = tpu.sem_alloc : memref<!tpu.dma_semaphore, #tpu.memory_space<semaphore_mem>>
      %dma_start3A_47 = arith.constant 0 : i32
      %dma_start3A_48 = tpu.memref_slice %arg10[%mul3A_4, %dma_start3A_47] : memref<10112x128xf32, #tpu.memory_space<vmem_shared>> -> memref<632x128xf32, #tpu.memory_space<vmem_shared>>
      %dma_start3A_49 = arith.constant 0 : i32
      %dma_start3A_50 = tpu.memref_slice %arg2[%mul3A_2, %dma_start3A_49] : memref<10112x128xf32, #tpu.memory_space<hbm>> -> memref<632x128xf32, #tpu.memory_space<hbm>>
      tpu.enqueue_dma source(%dma_start3A_50 : memref<632x128xf32, #tpu.memory_space<hbm>>) target(%dma_start3A_48 : memref<632x128xf32, #tpu.memory_space<vmem_shared>>) target_semaphore(%run_scoped3A : memref<!tpu.dma_semaphore, #tpu.memory_space<semaphore_mem>>)
      %dma_wait3A_51 = arith.constant 0 : i32
      %dma_wait3A_52 = tpu.memref_slice %arg10[%mul3A_4, %dma_wait3A_51] : memref<10112x128xf32, #tpu.memory_space<vmem_shared>> -> memref<632x128xf32, #tpu.memory_space<vmem_shared>>
      %dma_wait3A_53 = arith.constant 0 : i32
      %dma_wait3A_54 = tpu.memref_slice %arg2[%mul3A_2, %dma_wait3A_53] : memref<10112x128xf32, #tpu.memory_space<hbm>> -> memref<632x128xf32, #tpu.memory_space<hbm>>
      tpu.wait_dma2 semaphore(%run_scoped3A : memref<!tpu.dma_semaphore, #tpu.memory_space<semaphore_mem>>) src(%dma_wait3A_54 : memref<632x128xf32, #tpu.memory_space<hbm>>) dst(%dma_wait3A_52 : memref<632x128xf32, #tpu.memory_space<vmem_shared>>)
      tpu.yield
    }) : () -> ()
    %barrier3A = arith.constant 0 : index
    tpu.barrier barrier_id(%barrier3A)
    "tpu.region"() ({
      %run_scoped3A = tpu.sem_alloc : memref<!tpu.dma_semaphore, #tpu.memory_space<semaphore_mem>>
      %dma_start3A_47 = arith.constant 0 : i32
      %dma_start3A_48 = arith.constant 0 : i32
      %dma_start3A_49 = tpu.memref_slice %arg3[%add3A, %dma_start3A_47, %dma_start3A_48] : memref<32x80x128xi32, #tpu.memory_space<hbm>> -> memref<1x40x128xi32, #tpu.memory_space<hbm>>
      %dma_start3A_50 = tpu.memref_squeeze %dma_start3A_49 : memref<1x40x128xi32, #tpu.memory_space<hbm>> -> memref<40x128xi32, #tpu.memory_space<hbm>>
      %dma_start3A_51 = arith.constant 0 : i32
      %dma_start3A_52 = arith.constant 0 : i32
      %dma_start3A_53 = tpu.memref_slice %arg3[%add3A, %dma_start3A_51, %dma_start3A_52] : memref<32x80x128xi32, #tpu.memory_space<hbm>> -> memref<1x40x128xi32, #tpu.memory_space<hbm>>
      %dma_start3A_54 = tpu.memref_squeeze %dma_start3A_53 : memref<1x40x128xi32, #tpu.memory_space<hbm>> -> memref<40x128xi32, #tpu.memory_space<hbm>>
      tpu.enqueue_dma source(%dma_start3A_54 : memref<40x128xi32, #tpu.memory_space<hbm>>) target(%arg6 : memref<40x128xi32, #tpu.memory_space<vmem>>) target_semaphore(%run_scoped3A : memref<!tpu.dma_semaphore, #tpu.memory_space<semaphore_mem>>)
      %dma_wait3A_55 = arith.constant 0 : i32
      %dma_wait3A_56 = arith.constant 0 : i32
      %dma_wait3A_57 = tpu.memref_slice %arg3[%add3A, %dma_wait3A_55, %dma_wait3A_56] : memref<32x80x128xi32, #tpu.memory_space<hbm>> -> memref<1x40x128xi32, #tpu.memory_space<hbm>>
      %dma_wait3A_58 = tpu.memref_squeeze %dma_wait3A_57 : memref<1x40x128xi32, #tpu.memory_space<hbm>> -> memref<40x128xi32, #tpu.memory_space<hbm>>
      %dma_wait3A_59 = arith.constant 0 : i32
      %dma_wait3A_60 = arith.constant 0 : i32
      %dma_wait3A_61 = tpu.memref_slice %arg3[%add3A, %dma_wait3A_59, %dma_wait3A_60] : memref<32x80x128xi32, #tpu.memory_space<hbm>> -> memref<1x40x128xi32, #tpu.memory_space<hbm>>
      %dma_wait3A_62 = tpu.memref_squeeze %dma_wait3A_61 : memref<1x40x128xi32, #tpu.memory_space<hbm>> -> memref<40x128xi32, #tpu.memory_space<hbm>>
      tpu.wait_dma2 semaphore(%run_scoped3A : memref<!tpu.dma_semaphore, #tpu.memory_space<semaphore_mem>>) src(%dma_wait3A_62 : memref<40x128xi32, #tpu.memory_space<hbm>>) dst(%arg6 : memref<40x128xi32, #tpu.memory_space<vmem>>)
      tpu.yield
    }) : () -> ()
    "tpu.region"() ({
      %run_scoped3A = tpu.sem_alloc : memref<!tpu.dma_semaphore, #tpu.memory_space<semaphore_mem>>
      %dma_start3A_47 = arith.constant 0 : i32
      %dma_start3A_48 = arith.constant 0 : i32
      %dma_start3A_49 = tpu.memref_slice %arg4[%add3A, %dma_start3A_47, %dma_start3A_48] : memref<32x80x128xi32, #tpu.memory_space<hbm>> -> memref<1x40x128xi32, #tpu.memory_space<hbm>>
      %dma_start3A_50 = tpu.memref_squeeze %dma_start3A_49 : memref<1x40x128xi32, #tpu.memory_space<hbm>> -> memref<40x128xi32, #tpu.memory_space<hbm>>
      %dma_start3A_51 = arith.constant 0 : i32
      %dma_start3A_52 = arith.constant 0 : i32
      %dma_start3A_53 = tpu.memref_slice %arg4[%add3A, %dma_start3A_51, %dma_start3A_52] : memref<32x80x128xi32, #tpu.memory_space<hbm>> -> memref<1x40x128xi32, #tpu.memory_space<hbm>>
      %dma_start3A_54 = tpu.memref_squeeze %dma_start3A_53 : memref<1x40x128xi32, #tpu.memory_space<hbm>> -> memref<40x128xi32, #tpu.memory_space<hbm>>
      tpu.enqueue_dma source(%dma_start3A_54 : memref<40x128xi32, #tpu.memory_space<hbm>>) target(%arg7 : memref<40x128xi32, #tpu.memory_space<vmem>>) target_semaphore(%run_scoped3A : memref<!tpu.dma_semaphore, #tpu.memory_space<semaphore_mem>>)
      %dma_wait3A_55 = arith.constant 0 : i32
      %dma_wait3A_56 = arith.constant 0 : i32
      %dma_wait3A_57 = tpu.memref_slice %arg4[%add3A, %dma_wait3A_55, %dma_wait3A_56] : memref<32x80x128xi32, #tpu.memory_space<hbm>> -> memref<1x40x128xi32, #tpu.memory_space<hbm>>
      %dma_wait3A_58 = tpu.memref_squeeze %dma_wait3A_57 : memref<1x40x128xi32, #tpu.memory_space<hbm>> -> memref<40x128xi32, #tpu.memory_space<hbm>>
      %dma_wait3A_59 = arith.constant 0 : i32
      %dma_wait3A_60 = arith.constant 0 : i32
      %dma_wait3A_61 = tpu.memref_slice %arg4[%add3A, %dma_wait3A_59, %dma_wait3A_60] : memref<32x80x128xi32, #tpu.memory_space<hbm>> -> memref<1x40x128xi32, #tpu.memory_space<hbm>>
      %dma_wait3A_62 = tpu.memref_squeeze %dma_wait3A_61 : memref<1x40x128xi32, #tpu.memory_space<hbm>> -> memref<40x128xi32, #tpu.memory_space<hbm>>
      tpu.wait_dma2 semaphore(%run_scoped3A : memref<!tpu.dma_semaphore, #tpu.memory_space<semaphore_mem>>) src(%dma_wait3A_62 : memref<40x128xi32, #tpu.memory_space<hbm>>) dst(%arg7 : memref<40x128xi32, #tpu.memory_space<vmem>>)
      tpu.yield
    }) : () -> ()
    %dma_start3A = arith.constant 0 : i32
    %dma_start3A_5 = arith.constant 0 : i32
    %dma_start3A_6 = tpu.memref_slice %arg6[%dma_start3A, %dma_start3A_5] : memref<40x128xi32, #tpu.memory_space<vmem>> -> memref<1x128xi32, #tpu.memory_space<vmem>>
    %dma_start3A_7 = tpu.memref_squeeze %dma_start3A_6 : memref<1x128xi32, #tpu.memory_space<vmem>> -> memref<128xi32, #tpu.memory_space<vmem>>
    %dma_start3A_8 = arith.constant 0 : i32
    %dma_start3A_9 = arith.constant 0 : i32
    %dma_start3A_10 = tpu.memref_slice %arg2[%dma_start3A_8, %dma_start3A_9] : memref<10112x128xf32, #tpu.memory_space<hbm>> -> memref<10112x128xf32, #tpu.memory_space<hbm>>
    tpu.enqueue_indirect_dma source(%dma_start3A_10 : memref<10112x128xf32, #tpu.memory_space<hbm>>) target(%arg8 : memref<128x128xf32, #tpu.memory_space<vmem>>) offsets(%dma_start3A_7 : memref<128xi32, #tpu.memory_space<vmem>>) semaphore(%arg11 : memref<!tpu.dma_semaphore, #tpu.memory_space<semaphore_mem>>)
    %scan3A = arith.constant 0 : i32
    %scan3A_11 = arith.constant 0 : i32
    %scan3A_12 = arith.constant 20 : i32
    %scan3A_13 = arith.addi %scan3A_11, %scan3A_12 : i32
    %scan3A_14 = arith.constant 1 : i32
    scf.for %scan3A_47 = %scan3A_11 to %scan3A_13 step %scan3A_14  : i32 {
      %mul3A_48 = arith.constant 2 : i32
      %mul3A_49 = arith.muli %mul3A_48, %scan3A_47 : i32
      %add3A_50 = arith.constant 1 : i32
      %add3A_51 = arith.addi %mul3A_49, %add3A_50 : i32
      %dma_start3A_52 = arith.constant 0 : i32
      %dma_start3A_53 = tpu.memref_slice %arg6[%add3A_51, %dma_start3A_52] : memref<40x128xi32, #tpu.memory_space<vmem>> -> memref<1x128xi32, #tpu.memory_space<vmem>>
      %dma_start3A_54 = tpu.memref_squeeze %dma_start3A_53 : memref<1x128xi32, #tpu.memory_space<vmem>> -> memref<128xi32, #tpu.memory_space<vmem>>
      %dma_start3A_55 = arith.constant 0 : i32
      %dma_start3A_56 = arith.constant 0 : i32
      %dma_start3A_57 = tpu.memref_slice %arg2[%dma_start3A_55, %dma_start3A_56] : memref<10112x128xf32, #tpu.memory_space<hbm>> -> memref<10112x128xf32, #tpu.memory_space<hbm>>
      tpu.enqueue_indirect_dma source(%dma_start3A_57 : memref<10112x128xf32, #tpu.memory_space<hbm>>) target(%arg9 : memref<128x128xf32, #tpu.memory_space<vmem>>) offsets(%dma_start3A_54 : memref<128xi32, #tpu.memory_space<vmem>>) semaphore(%arg12 : memref<!tpu.dma_semaphore, #tpu.memory_space<semaphore_mem>>)
      %dma_wait3A_58 = arith.constant 0 : i32
      %dma_wait3A_59 = arith.constant 0 : i32
      %dma_wait3A_60 = tpu.memref_slice %arg6[%dma_wait3A_58, %dma_wait3A_59] : memref<40x128xi32, #tpu.memory_space<vmem>> -> memref<1x128xi32, #tpu.memory_space<vmem>>
      %dma_wait3A_61 = tpu.memref_squeeze %dma_wait3A_60 : memref<1x128xi32, #tpu.memory_space<vmem>> -> memref<128xi32, #tpu.memory_space<vmem>>
      %dma_wait3A_62 = arith.constant 0 : i32
      %dma_wait3A_63 = arith.constant 0 : i32
      %dma_wait3A_64 = tpu.memref_slice %arg2[%dma_wait3A_62, %dma_wait3A_63] : memref<10112x128xf32, #tpu.memory_space<hbm>> -> memref<10112x128xf32, #tpu.memory_space<hbm>>
      tpu.wait_indirect_dma semaphore(%arg11 : memref<!tpu.dma_semaphore, #tpu.memory_space<semaphore_mem>>) src(%dma_wait3A_64 : memref<10112x128xf32, #tpu.memory_space<hbm>>) dst(%arg8 : memref<128x128xf32, #tpu.memory_space<vmem>>)
      "tpu.region"() ({
        %run_scoped3A = tpu.sem_alloc : memref<!tpu.dma_semaphore, #tpu.memory_space<semaphore_mem>>
        %dma_start3A_83 = arith.constant 0 : i32
        %dma_start3A_84 = tpu.memref_slice %arg7[%mul3A_49, %dma_start3A_83] : memref<40x128xi32, #tpu.memory_space<vmem>> -> memref<1x128xi32, #tpu.memory_space<vmem>>
        %dma_start3A_85 = tpu.memref_squeeze %dma_start3A_84 : memref<1x128xi32, #tpu.memory_space<vmem>> -> memref<128xi32, #tpu.memory_space<vmem>>
        %dma_start3A_86 = arith.constant 0 : i32
        %dma_start3A_87 = arith.constant 0 : i32
        %dma_start3A_88 = tpu.memref_slice %arg10[%dma_start3A_86, %dma_start3A_87] : memref<10112x128xf32, #tpu.memory_space<vmem_shared>> -> memref<10112x128xf32, #tpu.memory_space<vmem_shared>>
        tpu.enqueue_indirect_dma source(%arg8 : memref<128x128xf32, #tpu.memory_space<vmem>>) target(%dma_start3A_88 : memref<10112x128xf32, #tpu.memory_space<vmem_shared>>) offsets(%dma_start3A_85 : memref<128xi32, #tpu.memory_space<vmem>>) semaphore(%run_scoped3A : memref<!tpu.dma_semaphore, #tpu.memory_space<semaphore_mem>>) {add = true}
        %dma_wait3A_89 = arith.constant 0 : i32
        %dma_wait3A_90 = tpu.memref_slice %arg7[%mul3A_49, %dma_wait3A_89] : memref<40x128xi32, #tpu.memory_space<vmem>> -> memref<1x128xi32, #tpu.memory_space<vmem>>
        %dma_wait3A_91 = tpu.memref_squeeze %dma_wait3A_90 : memref<1x128xi32, #tpu.memory_space<vmem>> -> memref<128xi32, #tpu.memory_space<vmem>>
        %dma_wait3A_92 = arith.constant 0 : i32
        %dma_wait3A_93 = arith.constant 0 : i32
        %dma_wait3A_94 = tpu.memref_slice %arg10[%dma_wait3A_92, %dma_wait3A_93] : memref<10112x128xf32, #tpu.memory_space<vmem_shared>> -> memref<10112x128xf32, #tpu.memory_space<vmem_shared>>
        tpu.wait_indirect_dma semaphore(%run_scoped3A : memref<!tpu.dma_semaphore, #tpu.memory_space<semaphore_mem>>) src(%arg8 : memref<128x128xf32, #tpu.memory_space<vmem>>) dst(%dma_wait3A_94 : memref<10112x128xf32, #tpu.memory_space<vmem_shared>>)
        tpu.yield
      }) : () -> ()
      %add3A_65 = arith.constant 2 : i32
      %add3A_66 = arith.addi %mul3A_49, %add3A_65 : i32
      %min3A = arith.constant 39 : i32
      %min3A_67 = arith.minsi %add3A_66, %min3A : i32
      %dma_start3A_68 = arith.constant 0 : i32
      %dma_start3A_69 = tpu.memref_slice %arg6[%min3A_67, %dma_start3A_68] : memref<40x128xi32, #tpu.memory_space<vmem>> -> memref<1x128xi32, #tpu.memory_space<vmem>>
      %dma_start3A_70 = tpu.memref_squeeze %dma_start3A_69 : memref<1x128xi32, #tpu.memory_space<vmem>> -> memref<128xi32, #tpu.memory_space<vmem>>
      %dma_start3A_71 = arith.constant 0 : i32
      %dma_start3A_72 = arith.constant 0 : i32
      %dma_start3A_73 = tpu.memref_slice %arg2[%dma_start3A_71, %dma_start3A_72] : memref<10112x128xf32, #tpu.memory_space<hbm>> -> memref<10112x128xf32, #tpu.memory_space<hbm>>
      tpu.enqueue_indirect_dma source(%dma_start3A_73 : memref<10112x128xf32, #tpu.memory_space<hbm>>) target(%arg8 : memref<128x128xf32, #tpu.memory_space<vmem>>) offsets(%dma_start3A_70 : memref<128xi32, #tpu.memory_space<vmem>>) semaphore(%arg11 : memref<!tpu.dma_semaphore, #tpu.memory_space<semaphore_mem>>)
      %dma_wait3A_74 = arith.constant 0 : i32
      %dma_wait3A_75 = arith.constant 0 : i32
      %dma_wait3A_76 = tpu.memref_slice %arg6[%dma_wait3A_74, %dma_wait3A_75] : memref<40x128xi32, #tpu.memory_space<vmem>> -> memref<1x128xi32, #tpu.memory_space<vmem>>
      %dma_wait3A_77 = tpu.memref_squeeze %dma_wait3A_76 : memref<1x128xi32, #tpu.memory_space<vmem>> -> memref<128xi32, #tpu.memory_space<vmem>>
      %dma_wait3A_78 = arith.constant 0 : i32
      %dma_wait3A_79 = arith.constant 0 : i32
      %dma_wait3A_80 = tpu.memref_slice %arg2[%dma_wait3A_78, %dma_wait3A_79] : memref<10112x128xf32, #tpu.memory_space<hbm>> -> memref<10112x128xf32, #tpu.memory_space<hbm>>
      tpu.wait_indirect_dma semaphore(%arg12 : memref<!tpu.dma_semaphore, #tpu.memory_space<semaphore_mem>>) src(%dma_wait3A_80 : memref<10112x128xf32, #tpu.memory_space<hbm>>) dst(%arg9 : memref<128x128xf32, #tpu.memory_space<vmem>>)
      %add3A_81 = arith.constant 1 : i32
      %add3A_82 = arith.addi %mul3A_49, %add3A_81 : i32
      "tpu.region"() ({
        %run_scoped3A = tpu.sem_alloc : memref<!tpu.dma_semaphore, #tpu.memory_space<semaphore_mem>>
        %dma_start3A_83 = arith.constant 0 : i32
        %dma_start3A_84 = tpu.memref_slice %arg7[%add3A_82, %dma_start3A_83] : memref<40x128xi32, #tpu.memory_space<vmem>> -> memref<1x128xi32, #tpu.memory_space<vmem>>
        %dma_start3A_85 = tpu.memref_squeeze %dma_start3A_84 : memref<1x128xi32, #tpu.memory_space<vmem>> -> memref<128xi32, #tpu.memory_space<vmem>>
        %dma_start3A_86 = arith.constant 0 : i32
        %dma_start3A_87 = arith.constant 0 : i32
        %dma_start3A_88 = tpu.memref_slice %arg10[%dma_start3A_86, %dma_start3A_87] : memref<10112x128xf32, #tpu.memory_space<vmem_shared>> -> memref<10112x128xf32, #tpu.memory_space<vmem_shared>>
        tpu.enqueue_indirect_dma source(%arg9 : memref<128x128xf32, #tpu.memory_space<vmem>>) target(%dma_start3A_88 : memref<10112x128xf32, #tpu.memory_space<vmem_shared>>) offsets(%dma_start3A_85 : memref<128xi32, #tpu.memory_space<vmem>>) semaphore(%run_scoped3A : memref<!tpu.dma_semaphore, #tpu.memory_space<semaphore_mem>>) {add = true}
        %dma_wait3A_89 = arith.constant 0 : i32
        %dma_wait3A_90 = tpu.memref_slice %arg7[%add3A_82, %dma_wait3A_89] : memref<40x128xi32, #tpu.memory_space<vmem>> -> memref<1x128xi32, #tpu.memory_space<vmem>>
        %dma_wait3A_91 = tpu.memref_squeeze %dma_wait3A_90 : memref<1x128xi32, #tpu.memory_space<vmem>> -> memref<128xi32, #tpu.memory_space<vmem>>
        %dma_wait3A_92 = arith.constant 0 : i32
        %dma_wait3A_93 = arith.constant 0 : i32
        %dma_wait3A_94 = tpu.memref_slice %arg10[%dma_wait3A_92, %dma_wait3A_93] : memref<10112x128xf32, #tpu.memory_space<vmem_shared>> -> memref<10112x128xf32, #tpu.memory_space<vmem_shared>>
        tpu.wait_indirect_dma semaphore(%run_scoped3A : memref<!tpu.dma_semaphore, #tpu.memory_space<semaphore_mem>>) src(%arg9 : memref<128x128xf32, #tpu.memory_space<vmem>>) dst(%dma_wait3A_94 : memref<10112x128xf32, #tpu.memory_space<vmem_shared>>)
        tpu.yield
      }) : () -> ()
    }
    %scan3A_15 = arith.constant 20 : i32
    %dma_wait3A = arith.constant 0 : i32
    %dma_wait3A_16 = arith.constant 0 : i32
    %dma_wait3A_17 = tpu.memref_slice %arg6[%dma_wait3A, %dma_wait3A_16] : memref<40x128xi32, #tpu.memory_space<vmem>> -> memref<1x128xi32, #tpu.memory_space<vmem>>
    %dma_wait3A_18 = tpu.memref_squeeze %dma_wait3A_17 : memref<1x128xi32, #tpu.memory_space<vmem>> -> memref<128xi32, #tpu.memory_space<vmem>>
    %dma_wait3A_19 = arith.constant 0 : i32
    %dma_wait3A_20 = arith.constant 0 : i32
    %dma_wait3A_21 = tpu.memref_slice %arg2[%dma_wait3A_19, %dma_wait3A_20] : memref<10112x128xf32, #tpu.memory_space<hbm>> -> memref<10112x128xf32, #tpu.memory_space<hbm>>
    tpu.wait_indirect_dma semaphore(%arg11 : memref<!tpu.dma_semaphore, #tpu.memory_space<semaphore_mem>>) src(%dma_wait3A_21 : memref<10112x128xf32, #tpu.memory_space<hbm>>) dst(%arg8 : memref<128x128xf32, #tpu.memory_space<vmem>>)
    "tpu.region"() ({
      %run_scoped3A = tpu.sem_alloc : memref<!tpu.dma_semaphore, #tpu.memory_space<semaphore_mem>>
      %dma_start3A_47 = arith.constant 40 : i32
      %dma_start3A_48 = arith.constant 0 : i32
      %dma_start3A_49 = tpu.memref_slice %arg3[%add3A, %dma_start3A_47, %dma_start3A_48] : memref<32x80x128xi32, #tpu.memory_space<hbm>> -> memref<1x40x128xi32, #tpu.memory_space<hbm>>
      %dma_start3A_50 = tpu.memref_squeeze %dma_start3A_49 : memref<1x40x128xi32, #tpu.memory_space<hbm>> -> memref<40x128xi32, #tpu.memory_space<hbm>>
      %dma_start3A_51 = arith.constant 40 : i32
      %dma_start3A_52 = arith.constant 0 : i32
      %dma_start3A_53 = tpu.memref_slice %arg3[%add3A, %dma_start3A_51, %dma_start3A_52] : memref<32x80x128xi32, #tpu.memory_space<hbm>> -> memref<1x40x128xi32, #tpu.memory_space<hbm>>
      %dma_start3A_54 = tpu.memref_squeeze %dma_start3A_53 : memref<1x40x128xi32, #tpu.memory_space<hbm>> -> memref<40x128xi32, #tpu.memory_space<hbm>>
      tpu.enqueue_dma source(%dma_start3A_54 : memref<40x128xi32, #tpu.memory_space<hbm>>) target(%arg6 : memref<40x128xi32, #tpu.memory_space<vmem>>) target_semaphore(%run_scoped3A : memref<!tpu.dma_semaphore, #tpu.memory_space<semaphore_mem>>)
      %dma_wait3A_55 = arith.constant 40 : i32
      %dma_wait3A_56 = arith.constant 0 : i32
      %dma_wait3A_57 = tpu.memref_slice %arg3[%add3A, %dma_wait3A_55, %dma_wait3A_56] : memref<32x80x128xi32, #tpu.memory_space<hbm>> -> memref<1x40x128xi32, #tpu.memory_space<hbm>>
      %dma_wait3A_58 = tpu.memref_squeeze %dma_wait3A_57 : memref<1x40x128xi32, #tpu.memory_space<hbm>> -> memref<40x128xi32, #tpu.memory_space<hbm>>
      %dma_wait3A_59 = arith.constant 40 : i32
      %dma_wait3A_60 = arith.constant 0 : i32
      %dma_wait3A_61 = tpu.memref_slice %arg3[%add3A, %dma_wait3A_59, %dma_wait3A_60] : memref<32x80x128xi32, #tpu.memory_space<hbm>> -> memref<1x40x128xi32, #tpu.memory_space<hbm>>
      %dma_wait3A_62 = tpu.memref_squeeze %dma_wait3A_61 : memref<1x40x128xi32, #tpu.memory_space<hbm>> -> memref<40x128xi32, #tpu.memory_space<hbm>>
      tpu.wait_dma2 semaphore(%run_scoped3A : memref<!tpu.dma_semaphore, #tpu.memory_space<semaphore_mem>>) src(%dma_wait3A_62 : memref<40x128xi32, #tpu.memory_space<hbm>>) dst(%arg6 : memref<40x128xi32, #tpu.memory_space<vmem>>)
      tpu.yield
    }) : () -> ()
    "tpu.region"() ({
      %run_scoped3A = tpu.sem_alloc : memref<!tpu.dma_semaphore, #tpu.memory_space<semaphore_mem>>
      %dma_start3A_47 = arith.constant 40 : i32
      %dma_start3A_48 = arith.constant 0 : i32
      %dma_start3A_49 = tpu.memref_slice %arg4[%add3A, %dma_start3A_47, %dma_start3A_48] : memref<32x80x128xi32, #tpu.memory_space<hbm>> -> memref<1x40x128xi32, #tpu.memory_space<hbm>>
      %dma_start3A_50 = tpu.memref_squeeze %dma_start3A_49 : memref<1x40x128xi32, #tpu.memory_space<hbm>> -> memref<40x128xi32, #tpu.memory_space<hbm>>
      %dma_start3A_51 = arith.constant 40 : i32
      %dma_start3A_52 = arith.constant 0 : i32
      %dma_start3A_53 = tpu.memref_slice %arg4[%add3A, %dma_start3A_51, %dma_start3A_52] : memref<32x80x128xi32, #tpu.memory_space<hbm>> -> memref<1x40x128xi32, #tpu.memory_space<hbm>>
      %dma_start3A_54 = tpu.memref_squeeze %dma_start3A_53 : memref<1x40x128xi32, #tpu.memory_space<hbm>> -> memref<40x128xi32, #tpu.memory_space<hbm>>
      tpu.enqueue_dma source(%dma_start3A_54 : memref<40x128xi32, #tpu.memory_space<hbm>>) target(%arg7 : memref<40x128xi32, #tpu.memory_space<vmem>>) target_semaphore(%run_scoped3A : memref<!tpu.dma_semaphore, #tpu.memory_space<semaphore_mem>>)
      %dma_wait3A_55 = arith.constant 40 : i32
      %dma_wait3A_56 = arith.constant 0 : i32
      %dma_wait3A_57 = tpu.memref_slice %arg4[%add3A, %dma_wait3A_55, %dma_wait3A_56] : memref<32x80x128xi32, #tpu.memory_space<hbm>> -> memref<1x40x128xi32, #tpu.memory_space<hbm>>
      %dma_wait3A_58 = tpu.memref_squeeze %dma_wait3A_57 : memref<1x40x128xi32, #tpu.memory_space<hbm>> -> memref<40x128xi32, #tpu.memory_space<hbm>>
      %dma_wait3A_59 = arith.constant 40 : i32
      %dma_wait3A_60 = arith.constant 0 : i32
      %dma_wait3A_61 = tpu.memref_slice %arg4[%add3A, %dma_wait3A_59, %dma_wait3A_60] : memref<32x80x128xi32, #tpu.memory_space<hbm>> -> memref<1x40x128xi32, #tpu.memory_space<hbm>>
      %dma_wait3A_62 = tpu.memref_squeeze %dma_wait3A_61 : memref<1x40x128xi32, #tpu.memory_space<hbm>> -> memref<40x128xi32, #tpu.memory_space<hbm>>
      tpu.wait_dma2 semaphore(%run_scoped3A : memref<!tpu.dma_semaphore, #tpu.memory_space<semaphore_mem>>) src(%dma_wait3A_62 : memref<40x128xi32, #tpu.memory_space<hbm>>) dst(%arg7 : memref<40x128xi32, #tpu.memory_space<vmem>>)
      tpu.yield
    }) : () -> ()
    %dma_start3A_22 = arith.constant 0 : i32
    %dma_start3A_23 = arith.constant 0 : i32
    %dma_start3A_24 = tpu.memref_slice %arg6[%dma_start3A_22, %dma_start3A_23] : memref<40x128xi32, #tpu.memory_space<vmem>> -> memref<1x128xi32, #tpu.memory_space<vmem>>
    %dma_start3A_25 = tpu.memref_squeeze %dma_start3A_24 : memref<1x128xi32, #tpu.memory_space<vmem>> -> memref<128xi32, #tpu.memory_space<vmem>>
    %dma_start3A_26 = arith.constant 0 : i32
    %dma_start3A_27 = arith.constant 0 : i32
    %dma_start3A_28 = tpu.memref_slice %arg2[%dma_start3A_26, %dma_start3A_27] : memref<10112x128xf32, #tpu.memory_space<hbm>> -> memref<10112x128xf32, #tpu.memory_space<hbm>>
    tpu.enqueue_indirect_dma source(%dma_start3A_28 : memref<10112x128xf32, #tpu.memory_space<hbm>>) target(%arg8 : memref<128x128xf32, #tpu.memory_space<vmem>>) offsets(%dma_start3A_25 : memref<128xi32, #tpu.memory_space<vmem>>) semaphore(%arg11 : memref<!tpu.dma_semaphore, #tpu.memory_space<semaphore_mem>>)
    %scan3A_29 = arith.constant 0 : i32
    %scan3A_30 = arith.constant 0 : i32
    %scan3A_31 = arith.constant 20 : i32
    %scan3A_32 = arith.addi %scan3A_30, %scan3A_31 : i32
    %scan3A_33 = arith.constant 1 : i32
    scf.for %scan3A_47 = %scan3A_30 to %scan3A_32 step %scan3A_33  : i32 {
      %mul3A_48 = arith.constant 2 : i32
      %mul3A_49 = arith.muli %mul3A_48, %scan3A_47 : i32
      %add3A_50 = arith.constant 1 : i32
      %add3A_51 = arith.addi %mul3A_49, %add3A_50 : i32
      %dma_start3A_52 = arith.constant 0 : i32
      %dma_start3A_53 = tpu.memref_slice %arg6[%add3A_51, %dma_start3A_52] : memref<40x128xi32, #tpu.memory_space<vmem>> -> memref<1x128xi32, #tpu.memory_space<vmem>>
      %dma_start3A_54 = tpu.memref_squeeze %dma_start3A_53 : memref<1x128xi32, #tpu.memory_space<vmem>> -> memref<128xi32, #tpu.memory_space<vmem>>
      %dma_start3A_55 = arith.constant 0 : i32
      %dma_start3A_56 = arith.constant 0 : i32
      %dma_start3A_57 = tpu.memref_slice %arg2[%dma_start3A_55, %dma_start3A_56] : memref<10112x128xf32, #tpu.memory_space<hbm>> -> memref<10112x128xf32, #tpu.memory_space<hbm>>
      tpu.enqueue_indirect_dma source(%dma_start3A_57 : memref<10112x128xf32, #tpu.memory_space<hbm>>) target(%arg9 : memref<128x128xf32, #tpu.memory_space<vmem>>) offsets(%dma_start3A_54 : memref<128xi32, #tpu.memory_space<vmem>>) semaphore(%arg12 : memref<!tpu.dma_semaphore, #tpu.memory_space<semaphore_mem>>)
      %dma_wait3A_58 = arith.constant 0 : i32
      %dma_wait3A_59 = arith.constant 0 : i32
      %dma_wait3A_60 = tpu.memref_slice %arg6[%dma_wait3A_58, %dma_wait3A_59] : memref<40x128xi32, #tpu.memory_space<vmem>> -> memref<1x128xi32, #tpu.memory_space<vmem>>
      %dma_wait3A_61 = tpu.memref_squeeze %dma_wait3A_60 : memref<1x128xi32, #tpu.memory_space<vmem>> -> memref<128xi32, #tpu.memory_space<vmem>>
      %dma_wait3A_62 = arith.constant 0 : i32
      %dma_wait3A_63 = arith.constant 0 : i32
      %dma_wait3A_64 = tpu.memref_slice %arg2[%dma_wait3A_62, %dma_wait3A_63] : memref<10112x128xf32, #tpu.memory_space<hbm>> -> memref<10112x128xf32, #tpu.memory_space<hbm>>
      tpu.wait_indirect_dma semaphore(%arg11 : memref<!tpu.dma_semaphore, #tpu.memory_space<semaphore_mem>>) src(%dma_wait3A_64 : memref<10112x128xf32, #tpu.memory_space<hbm>>) dst(%arg8 : memref<128x128xf32, #tpu.memory_space<vmem>>)
      "tpu.region"() ({
        %run_scoped3A = tpu.sem_alloc : memref<!tpu.dma_semaphore, #tpu.memory_space<semaphore_mem>>
        %dma_start3A_83 = arith.constant 0 : i32
        %dma_start3A_84 = tpu.memref_slice %arg7[%mul3A_49, %dma_start3A_83] : memref<40x128xi32, #tpu.memory_space<vmem>> -> memref<1x128xi32, #tpu.memory_space<vmem>>
        %dma_start3A_85 = tpu.memref_squeeze %dma_start3A_84 : memref<1x128xi32, #tpu.memory_space<vmem>> -> memref<128xi32, #tpu.memory_space<vmem>>
        %dma_start3A_86 = arith.constant 0 : i32
        %dma_start3A_87 = arith.constant 0 : i32
        %dma_start3A_88 = tpu.memref_slice %arg10[%dma_start3A_86, %dma_start3A_87] : memref<10112x128xf32, #tpu.memory_space<vmem_shared>> -> memref<10112x128xf32, #tpu.memory_space<vmem_shared>>
        tpu.enqueue_indirect_dma source(%arg8 : memref<128x128xf32, #tpu.memory_space<vmem>>) target(%dma_start3A_88 : memref<10112x128xf32, #tpu.memory_space<vmem_shared>>) offsets(%dma_start3A_85 : memref<128xi32, #tpu.memory_space<vmem>>) semaphore(%run_scoped3A : memref<!tpu.dma_semaphore, #tpu.memory_space<semaphore_mem>>) {add = true}
        %dma_wait3A_89 = arith.constant 0 : i32
        %dma_wait3A_90 = tpu.memref_slice %arg7[%mul3A_49, %dma_wait3A_89] : memref<40x128xi32, #tpu.memory_space<vmem>> -> memref<1x128xi32, #tpu.memory_space<vmem>>
        %dma_wait3A_91 = tpu.memref_squeeze %dma_wait3A_90 : memref<1x128xi32, #tpu.memory_space<vmem>> -> memref<128xi32, #tpu.memory_space<vmem>>
        %dma_wait3A_92 = arith.constant 0 : i32
        %dma_wait3A_93 = arith.constant 0 : i32
        %dma_wait3A_94 = tpu.memref_slice %arg10[%dma_wait3A_92, %dma_wait3A_93] : memref<10112x128xf32, #tpu.memory_space<vmem_shared>> -> memref<10112x128xf32, #tpu.memory_space<vmem_shared>>
        tpu.wait_indirect_dma semaphore(%run_scoped3A : memref<!tpu.dma_semaphore, #tpu.memory_space<semaphore_mem>>) src(%arg8 : memref<128x128xf32, #tpu.memory_space<vmem>>) dst(%dma_wait3A_94 : memref<10112x128xf32, #tpu.memory_space<vmem_shared>>)
        tpu.yield
      }) : () -> ()
      %add3A_65 = arith.constant 2 : i32
      %add3A_66 = arith.addi %mul3A_49, %add3A_65 : i32
      %min3A = arith.constant 39 : i32
      %min3A_67 = arith.minsi %add3A_66, %min3A : i32
      %dma_start3A_68 = arith.constant 0 : i32
      %dma_start3A_69 = tpu.memref_slice %arg6[%min3A_67, %dma_start3A_68] : memref<40x128xi32, #tpu.memory_space<vmem>> -> memref<1x128xi32, #tpu.memory_space<vmem>>
      %dma_start3A_70 = tpu.memref_squeeze %dma_start3A_69 : memref<1x128xi32, #tpu.memory_space<vmem>> -> memref<128xi32, #tpu.memory_space<vmem>>
      %dma_start3A_71 = arith.constant 0 : i32
      %dma_start3A_72 = arith.constant 0 : i32
      %dma_start3A_73 = tpu.memref_slice %arg2[%dma_start3A_71, %dma_start3A_72] : memref<10112x128xf32, #tpu.memory_space<hbm>> -> memref<10112x128xf32, #tpu.memory_space<hbm>>
      tpu.enqueue_indirect_dma source(%dma_start3A_73 : memref<10112x128xf32, #tpu.memory_space<hbm>>) target(%arg8 : memref<128x128xf32, #tpu.memory_space<vmem>>) offsets(%dma_start3A_70 : memref<128xi32, #tpu.memory_space<vmem>>) semaphore(%arg11 : memref<!tpu.dma_semaphore, #tpu.memory_space<semaphore_mem>>)
      %dma_wait3A_74 = arith.constant 0 : i32
      %dma_wait3A_75 = arith.constant 0 : i32
      %dma_wait3A_76 = tpu.memref_slice %arg6[%dma_wait3A_74, %dma_wait3A_75] : memref<40x128xi32, #tpu.memory_space<vmem>> -> memref<1x128xi32, #tpu.memory_space<vmem>>
      %dma_wait3A_77 = tpu.memref_squeeze %dma_wait3A_76 : memref<1x128xi32, #tpu.memory_space<vmem>> -> memref<128xi32, #tpu.memory_space<vmem>>
      %dma_wait3A_78 = arith.constant 0 : i32
      %dma_wait3A_79 = arith.constant 0 : i32
      %dma_wait3A_80 = tpu.memref_slice %arg2[%dma_wait3A_78, %dma_wait3A_79] : memref<10112x128xf32, #tpu.memory_space<hbm>> -> memref<10112x128xf32, #tpu.memory_space<hbm>>
      tpu.wait_indirect_dma semaphore(%arg12 : memref<!tpu.dma_semaphore, #tpu.memory_space<semaphore_mem>>) src(%dma_wait3A_80 : memref<10112x128xf32, #tpu.memory_space<hbm>>) dst(%arg9 : memref<128x128xf32, #tpu.memory_space<vmem>>)
      %add3A_81 = arith.constant 1 : i32
      %add3A_82 = arith.addi %mul3A_49, %add3A_81 : i32
      "tpu.region"() ({
        %run_scoped3A = tpu.sem_alloc : memref<!tpu.dma_semaphore, #tpu.memory_space<semaphore_mem>>
        %dma_start3A_83 = arith.constant 0 : i32
        %dma_start3A_84 = tpu.memref_slice %arg7[%add3A_82, %dma_start3A_83] : memref<40x128xi32, #tpu.memory_space<vmem>> -> memref<1x128xi32, #tpu.memory_space<vmem>>
        %dma_start3A_85 = tpu.memref_squeeze %dma_start3A_84 : memref<1x128xi32, #tpu.memory_space<vmem>> -> memref<128xi32, #tpu.memory_space<vmem>>
        %dma_start3A_86 = arith.constant 0 : i32
        %dma_start3A_87 = arith.constant 0 : i32
        %dma_start3A_88 = tpu.memref_slice %arg10[%dma_start3A_86, %dma_start3A_87] : memref<10112x128xf32, #tpu.memory_space<vmem_shared>> -> memref<10112x128xf32, #tpu.memory_space<vmem_shared>>
        tpu.enqueue_indirect_dma source(%arg9 : memref<128x128xf32, #tpu.memory_space<vmem>>) target(%dma_start3A_88 : memref<10112x128xf32, #tpu.memory_space<vmem_shared>>) offsets(%dma_start3A_85 : memref<128xi32, #tpu.memory_space<vmem>>) semaphore(%run_scoped3A : memref<!tpu.dma_semaphore, #tpu.memory_space<semaphore_mem>>) {add = true}
        %dma_wait3A_89 = arith.constant 0 : i32
        %dma_wait3A_90 = tpu.memref_slice %arg7[%add3A_82, %dma_wait3A_89] : memref<40x128xi32, #tpu.memory_space<vmem>> -> memref<1x128xi32, #tpu.memory_space<vmem>>
        %dma_wait3A_91 = tpu.memref_squeeze %dma_wait3A_90 : memref<1x128xi32, #tpu.memory_space<vmem>> -> memref<128xi32, #tpu.memory_space<vmem>>
        %dma_wait3A_92 = arith.constant 0 : i32
        %dma_wait3A_93 = arith.constant 0 : i32
        %dma_wait3A_94 = tpu.memref_slice %arg10[%dma_wait3A_92, %dma_wait3A_93] : memref<10112x128xf32, #tpu.memory_space<vmem_shared>> -> memref<10112x128xf32, #tpu.memory_space<vmem_shared>>
        tpu.wait_indirect_dma semaphore(%run_scoped3A : memref<!tpu.dma_semaphore, #tpu.memory_space<semaphore_mem>>) src(%arg9 : memref<128x128xf32, #tpu.memory_space<vmem>>) dst(%dma_wait3A_94 : memref<10112x128xf32, #tpu.memory_space<vmem_shared>>)
        tpu.yield
      }) : () -> ()
    }
    %scan3A_34 = arith.constant 20 : i32
    %dma_wait3A_35 = arith.constant 0 : i32
    %dma_wait3A_36 = arith.constant 0 : i32
    %dma_wait3A_37 = tpu.memref_slice %arg6[%dma_wait3A_35, %dma_wait3A_36] : memref<40x128xi32, #tpu.memory_space<vmem>> -> memref<1x128xi32, #tpu.memory_space<vmem>>
    %dma_wait3A_38 = tpu.memref_squeeze %dma_wait3A_37 : memref<1x128xi32, #tpu.memory_space<vmem>> -> memref<128xi32, #tpu.memory_space<vmem>>
    %dma_wait3A_39 = arith.constant 0 : i32
    %dma_wait3A_40 = arith.constant 0 : i32
    %dma_wait3A_41 = tpu.memref_slice %arg2[%dma_wait3A_39, %dma_wait3A_40] : memref<10112x128xf32, #tpu.memory_space<hbm>> -> memref<10112x128xf32, #tpu.memory_space<hbm>>
    tpu.wait_indirect_dma semaphore(%arg11 : memref<!tpu.dma_semaphore, #tpu.memory_space<semaphore_mem>>) src(%dma_wait3A_41 : memref<10112x128xf32, #tpu.memory_space<hbm>>) dst(%arg8 : memref<128x128xf32, #tpu.memory_space<vmem>>)
    %barrier3A_42 = arith.constant 0 : index
    tpu.barrier barrier_id(%barrier3A_42)
    %mul3A_43 = arith.constant 632 : i32
    %mul3A_44 = arith.muli %arg1, %mul3A_43 : i32
    %mul3A_45 = arith.constant 632 : i32
    %mul3A_46 = arith.muli %arg1, %mul3A_45 : i32
    "tpu.region"() ({
      %run_scoped3A = tpu.sem_alloc : memref<!tpu.dma_semaphore, #tpu.memory_space<semaphore_mem>>
      %dma_start3A_47 = arith.constant 0 : i32
      %dma_start3A_48 = tpu.memref_slice %arg5[%arg0, %mul3A_46, %dma_start3A_47] : memref<2x10112x128xf32, #tpu.memory_space<hbm>> -> memref<1x632x128xf32, #tpu.memory_space<hbm>>
      %dma_start3A_49 = tpu.memref_squeeze %dma_start3A_48 : memref<1x632x128xf32, #tpu.memory_space<hbm>> -> memref<632x128xf32, #tpu.memory_space<hbm>>
      %dma_start3A_50 = arith.constant 0 : i32
      %dma_start3A_51 = tpu.memref_slice %arg10[%mul3A_44, %dma_start3A_50] : memref<10112x128xf32, #tpu.memory_space<vmem_shared>> -> memref<632x128xf32, #tpu.memory_space<vmem_shared>>
      tpu.enqueue_dma source(%dma_start3A_51 : memref<632x128xf32, #tpu.memory_space<vmem_shared>>) target(%dma_start3A_49 : memref<632x128xf32, #tpu.memory_space<hbm>>) target_semaphore(%run_scoped3A : memref<!tpu.dma_semaphore, #tpu.memory_space<semaphore_mem>>)
      %dma_wait3A_52 = arith.constant 0 : i32
      %dma_wait3A_53 = tpu.memref_slice %arg5[%arg0, %mul3A_46, %dma_wait3A_52] : memref<2x10112x128xf32, #tpu.memory_space<hbm>> -> memref<1x632x128xf32, #tpu.memory_space<hbm>>
      %dma_wait3A_54 = tpu.memref_squeeze %dma_wait3A_53 : memref<1x632x128xf32, #tpu.memory_space<hbm>> -> memref<632x128xf32, #tpu.memory_space<hbm>>
      %dma_wait3A_55 = arith.constant 0 : i32
      %dma_wait3A_56 = tpu.memref_slice %arg10[%mul3A_44, %dma_wait3A_55] : memref<10112x128xf32, #tpu.memory_space<vmem_shared>> -> memref<632x128xf32, #tpu.memory_space<vmem_shared>>
      tpu.wait_dma2 semaphore(%run_scoped3A : memref<!tpu.dma_semaphore, #tpu.memory_space<semaphore_mem>>) src(%dma_wait3A_56 : memref<632x128xf32, #tpu.memory_space<vmem_shared>>) dst(%dma_wait3A_54 : memref<632x128xf32, #tpu.memory_space<hbm>>)
      tpu.yield
    }) : () -> ()
    return
  }
}

module attributes {stable_mosaic.version = 14 : i64} {
  func.func @_tcb_body(%arg0: memref<10112x128xf32, #tpu.memory_space<vmem>>, %arg1: memref<2x10112x128xf32, #tpu.memory_space<vmem>>, %arg2: memref<10112x1xf32, #tpu.memory_space<vmem>>, %arg3: memref<1x128xf32, #tpu.memory_space<vmem>>, %arg4: memref<128x128xf32, #tpu.memory_space<vmem>>, %arg5: memref<10112x128xf32, #tpu.memory_space<vmem>>) attributes {dimension_semantics = [], scalar_prefetch = 0 : i64, scratch_operands = 0 : i64, tpu.core_type = #tpu.core_type<tc>} {
    %get3A = arith.constant 0 : index
    %get3A_0 = arith.constant 0 : index
    %get3A_1 = vector.load %arg2[%get3A, %get3A_0] : memref<10112x1xf32, #tpu.memory_space<vmem>>, vector<10112x1xf32>
    %get3A_2 = arith.constant 0 : index
    %get3A_3 = arith.constant 0 : index
    %get3A_4 = arith.constant 0 : index
    %get3A_5 = vector.load %arg1[%get3A_2, %get3A_3, %get3A_4] : memref<2x10112x128xf32, #tpu.memory_space<vmem>>, vector<1x10112x128xf32>
    %get3A_6 = vector.shape_cast %get3A_5 : vector<1x10112x128xf32> to vector<10112x128xf32>
    %get3A_7 = arith.constant 1 : index
    %get3A_8 = arith.constant 0 : index
    %get3A_9 = arith.constant 0 : index
    %get3A_10 = vector.load %arg1[%get3A_7, %get3A_8, %get3A_9] : memref<2x10112x128xf32, #tpu.memory_space<vmem>>, vector<1x10112x128xf32>
    %get3A_11 = vector.shape_cast %get3A_10 : vector<1x10112x128xf32> to vector<10112x128xf32>
    %add3A = arith.addf %get3A_6, %get3A_11 : vector<10112x128xf32>
    %get3A_12 = arith.constant 0 : index
    %get3A_13 = arith.constant 0 : index
    %get3A_14 = vector.load %arg0[%get3A_12, %get3A_13] : memref<10112x128xf32, #tpu.memory_space<vmem>>, vector<10112x128xf32>
    %sub3A = arith.subf %add3A, %get3A_14 : vector<10112x128xf32>
    %mul3A = vector.broadcast %get3A_1 : vector<10112x1xf32> to vector<10112x128xf32>
    %mul3A_15 = arith.mulf %sub3A, %mul3A : vector<10112x128xf32>
    %get3A_16 = arith.constant 0 : index
    %get3A_17 = arith.constant 0 : index
    %get3A_18 = vector.load %arg3[%get3A_16, %get3A_17] : memref<1x128xf32, #tpu.memory_space<vmem>>, vector<1x128xf32>
    %add3A_19 = vector.broadcast %get3A_18 : vector<1x128xf32> to vector<10112x128xf32>
    %add3A_20 = arith.addf %mul3A_15, %add3A_19 : vector<10112x128xf32>
    %get3A_21 = arith.constant 0 : index
    %get3A_22 = arith.constant 0 : index
    %get3A_23 = vector.load %arg4[%get3A_21, %get3A_22] : memref<128x128xf32, #tpu.memory_space<vmem>>, vector<128x128xf32>
    %dot_general3A = arith.constant dense<0.000000e+00> : vector<10112x128xf32>
    %dot_general3A_24 = tpu.matmul %add3A_20, %get3A_23, %dot_general3A {dimension_numbers = #tpu.dot_dimension_numbers<[1], [0], [0], [1], [0, 0, 1, 1], [], []>, transpose_lhs_hint = false} : vector<10112x128xf32>, vector<128x128xf32>, vector<10112x128xf32> -> vector<10112x128xf32>
    %mul3A_25 = vector.broadcast %get3A_1 : vector<10112x1xf32> to vector<10112x128xf32>
    %mul3A_26 = arith.mulf %dot_general3A_24, %mul3A_25 : vector<10112x128xf32>
    %swap3A = arith.constant 0 : index
    %swap3A_27 = arith.constant 0 : index
    %swap3A_28 = vector.load %arg5[%swap3A, %swap3A_27] : memref<10112x128xf32, #tpu.memory_space<vmem>>, vector<10112x128xf32>
    tpu.vector_store %arg5[%swap3A, %swap3A_27], %mul3A_26 {strides = array<i32>} : memref<10112x128xf32, #tpu.memory_space<vmem>>, vector<10112x128xf32>,
    return
  }
}

module attributes {stable_mosaic.version = 14 : i64} {
  func.func @_tca_body(%arg0: memref<10112x128xf32, #tpu.memory_space<vmem>>, %arg1: memref<128x128xf32, #tpu.memory_space<vmem>>, %arg2: memref<32x10112xf32, #tpu.memory_space<vmem>>, %arg3: memref<10112x128xf32, #tpu.memory_space<vmem>>, %arg4: memref<10112x1xf32, #tpu.memory_space<vmem>>) attributes {dimension_semantics = [], scalar_prefetch = 0 : i64, scratch_operands = 0 : i64, tpu.core_type = #tpu.core_type<tc>} {
    %get3A = arith.constant 0 : index
    %get3A_0 = arith.constant 0 : index
    %get3A_1 = vector.load %arg2[%get3A, %get3A_0] : memref<32x10112xf32, #tpu.memory_space<vmem>>, vector<32x10112xf32>
    %transpose3A = tpu.transpose %get3A_1, [1, 0] : vector<32x10112xf32> -> vector<10112x32xf32>
    %reduce_sum3A = arith.constant dense<0.000000e+00> : vector<10112xf32>
    %reduce_sum3A_2 = vector.multi_reduction <add>, %transpose3A, %reduce_sum3A [1] : vector<10112x32xf32> to vector<10112xf32>
    %broadcast_in_dim3A = vector.shape_cast %reduce_sum3A_2 : vector<10112xf32> to vector<10112x1xf32>
    %add3A = arith.constant 1.000000e+00 : f32
    %add3A_3 = vector.broadcast %add3A : f32 to vector<10112x1xf32>
    %add3A_4 = arith.addf %add3A_3, %broadcast_in_dim3A : vector<10112x1xf32>
    %rsqrt3A = math.rsqrt %add3A_4 : vector<10112x1xf32>
    %get3A_5 = arith.constant 0 : index
    %get3A_6 = arith.constant 0 : index
    %get3A_7 = vector.load %arg0[%get3A_5, %get3A_6] : memref<10112x128xf32, #tpu.memory_space<vmem>>, vector<10112x128xf32>
    %get3A_8 = arith.constant 0 : index
    %get3A_9 = arith.constant 0 : index
    %get3A_10 = vector.load %arg1[%get3A_8, %get3A_9] : memref<128x128xf32, #tpu.memory_space<vmem>>, vector<128x128xf32>
    %dot_general3A = arith.constant dense<0.000000e+00> : vector<10112x128xf32>
    %dot_general3A_11 = tpu.matmul %get3A_7, %get3A_10, %dot_general3A {dimension_numbers = #tpu.dot_dimension_numbers<[1], [0], [0], [1], [0, 0, 1, 1], [], []>, transpose_lhs_hint = false} : vector<10112x128xf32>, vector<128x128xf32>, vector<10112x128xf32> -> vector<10112x128xf32>
    %mul3A = vector.broadcast %rsqrt3A : vector<10112x1xf32> to vector<10112x128xf32>
    %mul3A_12 = arith.mulf %dot_general3A_11, %mul3A : vector<10112x128xf32>
    %swap3A = arith.constant 0 : index
    %swap3A_13 = arith.constant 0 : index
    %swap3A_14 = vector.load %arg3[%swap3A, %swap3A_13] : memref<10112x128xf32, #tpu.memory_space<vmem>>, vector<10112x128xf32>
    tpu.vector_store %arg3[%swap3A, %swap3A_13], %mul3A_12 {strides = array<i32>} : memref<10112x128xf32, #tpu.memory_space<vmem>>, vector<10112x128xf32>,
    %swap3A_15 = arith.constant 0 : index
    %swap3A_16 = arith.constant 0 : index
    %swap3A_17 = vector.load %arg4[%swap3A_15, %swap3A_16] : memref<10112x1xf32, #tpu.memory_space<vmem>>, vector<10112x1xf32>
    tpu.vector_store %arg4[%swap3A_15, %swap3A_16], %rsqrt3A {strides = array<i32>} : memref<10112x1xf32, #tpu.memory_space<vmem>>, vector<10112x1xf32>,
    return
  }
}

module attributes {stable_mosaic.version = 14 : i64} {
  func.func @_tcc_body(%arg0: memref<10112x128xf32, #tpu.memory_space<vmem>>, %arg1: memref<2x10112x128xf32, #tpu.memory_space<vmem>>, %arg2: memref<10112x1xf32, #tpu.memory_space<vmem>>, %arg3: memref<1x128xf32, #tpu.memory_space<vmem>>, %arg4: memref<10000x128xf32, #tpu.memory_space<vmem>>) attributes {dimension_semantics = [], scalar_prefetch = 0 : i64, scratch_operands = 0 : i64, tpu.core_type = #tpu.core_type<tc>} {
    %get3A = arith.constant 0 : index
    %get3A_0 = arith.constant 0 : index
    %get3A_1 = arith.constant 0 : index
    %get3A_2 = vector.load %arg1[%get3A, %get3A_0, %get3A_1] : memref<2x10112x128xf32, #tpu.memory_space<vmem>>, vector<1x10000x128xf32>
    %get3A_3 = vector.shape_cast %get3A_2 : vector<1x10000x128xf32> to vector<10000x128xf32>
    %get3A_4 = arith.constant 1 : index
    %get3A_5 = arith.constant 0 : index
    %get3A_6 = arith.constant 0 : index
    %get3A_7 = vector.load %arg1[%get3A_4, %get3A_5, %get3A_6] : memref<2x10112x128xf32, #tpu.memory_space<vmem>>, vector<1x10000x128xf32>
    %get3A_8 = vector.shape_cast %get3A_7 : vector<1x10000x128xf32> to vector<10000x128xf32>
    %add3A = arith.addf %get3A_3, %get3A_8 : vector<10000x128xf32>
    %get3A_9 = arith.constant 0 : index
    %get3A_10 = arith.constant 0 : index
    %get3A_11 = vector.load %arg0[%get3A_9, %get3A_10] : memref<10112x128xf32, #tpu.memory_space<vmem>>, vector<10000x128xf32>
    %sub3A = arith.subf %add3A, %get3A_11 : vector<10000x128xf32>
    %get3A_12 = arith.constant 0 : index
    %get3A_13 = arith.constant 0 : index
    %get3A_14 = vector.load %arg2[%get3A_12, %get3A_13] : memref<10112x1xf32, #tpu.memory_space<vmem>>, vector<10000x1xf32>
    %mul3A = vector.broadcast %get3A_14 : vector<10000x1xf32> to vector<10000x128xf32>
    %mul3A_15 = arith.mulf %sub3A, %mul3A : vector<10000x128xf32>
    %get3A_16 = arith.constant 0 : index
    %get3A_17 = arith.constant 0 : index
    %get3A_18 = vector.load %arg3[%get3A_16, %get3A_17] : memref<1x128xf32, #tpu.memory_space<vmem>>, vector<1x128xf32>
    %add3A_19 = vector.broadcast %get3A_18 : vector<1x128xf32> to vector<10000x128xf32>
    %add3A_20 = arith.addf %mul3A_15, %add3A_19 : vector<10000x128xf32>
    %swap3A = arith.constant 0 : index
    %swap3A_21 = arith.constant 0 : index
    %swap3A_22 = vector.load %arg4[%swap3A, %swap3A_21] : memref<10000x128xf32, #tpu.memory_space<vmem>>, vector<10000x128xf32>
    tpu.vector_store %arg4[%swap3A, %swap3A_21], %add3A_20 {strides = array<i32>} : memref<10000x128xf32, #tpu.memory_space<vmem>>, vector<10000x128xf32>,
    return
  }
}

</mosaic_0001>

<sc_bundles>
// kernel: kernel.10.cloned.1.call-start
scs
__scs_entry_jumppad:
0x0: {  	(pc) =	sbr.rel $0x88, $3  }
0x1: {  	(tag) =	ssettag $0x0;
	lr =	simm.s32 $0x1  }
0x2: {  	[smem:$0x3F99] =	sst lr;
	_ =	strace $0xD0000000  }
0x3: {  	_ = 	snop  }
0x4: {  	_ = 	snop  }
0x5: {  	_ = 	snop  }
0x6: {  	_ = 	snop  }
0x7: {  	_ = 	snop  }
__scs_overlays_trampoline_lowered:
0x8: {  	[smem:$0x3FA8] =	sst s0  }
0x9: {  	[smem:$0x3FA9] =	sst s1  }
0xa: {  	[smem:$0x3FAA] =	sst s2  }
0xb: {  	[smem:$0x3FAB] =	sst s3  }
0xc: {  	[smem:$0x3FAC] =	sst s4  }
0xd: {  	[smem:$0x3FAD] =	sst s5  }
0xe: {  	[smem:$0x3FAE] =	sst s6  }
0xf: {  	[smem:$0x3FAF] =	sst s7  }
0x10: {  	[smem:$0x3FB0] =	sst s8  }
0x11: {  	[smem:$0x3FB1] =	sst s9;
	s0 =	simm.s32 @!p0 $0x0  }
0x12: {  	s1 =	sld [smem:$0x3F97];
	s0 =	simm.s32 @p0 $0x1  }
0x13: {  	[smem:$0x3FB2] =	sst s0;
	s0 =	simm.s32 @!p1 $0x0  }
0x14: {  	s2 =	sld [smem:$0x3F96];
	s0 =	simm.s32 @p1 $0x1  }
0x15: {  	[smem:$0x3FB3] =	sst s0;
	s0 =	simm.s32 @!p2 $0x0  }
0x16: {  	s3 =	sld [smem:$0x3FDB];
	s0 =	simm.s32 @p2 $0x1  }
0x17: {  	s4 =	simm.s32 $0x1BF5;
	[smem:$0x3FB5] =	sst s0  }
0x18: {  	s0 =	sld [smem:$0x3F98];
	_ =	swait.ge [sflag:s4], $0x0  }
0x19: {  	s7 =	sld [smem:$0x3F99]  }
0x1a: {  	s8 =	sadd.s32 $0xFFFFE003, lr  }
0x1b: {  	s9 =	sadd.s32 $0xFFFFFEF7, lr;
	s5 =	simm.s32 $0xFFFFFFFF;
	p2 =	slt.u32 s8, $0xFFFFF086  }
0x1c: {  	p1 =	slt.u32 s9, $0xF7A;
	s5 =	simm.s32 @!p2 $0x0  }
0x1d: {  	s5 =	simm.s32 @p1 $0x1;
	p0 =	seq.s32 s7, s2  }
0x1e: {  	s7 =	smul.u32 @!p0 $0xF7A, s2;
	p2 =	seq.s32 @!p0 s5, $0x0  }
0x1f: {  	s9 =	smul.u32 $0xF7A, s1;
	s8 =	simm.s32 @!p0 $0x1BF5;
	p2 =	por !p2, p0  }
0x20: {  	[sflag:s8] =	ssyncset.s32 @!p0 $0xFFFFF086;
	s6 =	sadd.s32 @!p0 s3, s7;
	s7 =	simm.s32 @!p0 $0x108  }
0x21: {  	s3 =	sadd.s32 s3, s9;
	s6 =	sadd.s32 @!p0 $0x88, s6;
	s7 =	simm.s32 @p2 $0x1082  }
0x22: {  	[simem:s7], [sflag:s8] =	dma.local @!p0 [hbm:s6], $0xF7A  }
0x23: {  	s9 =	sor.u32 $0xD0000000, s2;
	s6 =	simm.s32 $0x108;
	_ =	swait.ge @!p0 [sflag:s8], $0x0  }
0x24: {  	s3 =	sadd.s32 $0x88, s3;
	s6 =	simm.s32 @!p1 $0x1082;
	[sflag:s4] =	ssyncset.s32 $0xFFFFF086  }
0x25: {  	[simem:s6], [sflag:s4] =	dma.local [hbm:s3], $0xF7A  }
0x26: {  	[smem:$0x3F99] =	sst s1;
	(tag) =	ssettag s2;
	_ =	strace s9  }
0x27: {  	s1 =	sld [smem:$0x3FA9]  }
0x28: {  	s2 =	sld [smem:$0x3FAA]  }
0x29: {  	s4 =	sld [smem:$0x3FAC]  }
0x2a: {  	p0 =	seq.s32 s5, $0x0;
	s5 =	sld [smem:$0x3FAD]  }
0x2b: {  	s6 =	sld [smem:$0x3FAE]  }
0x2c: {  	s7 =	sld [smem:$0x3FAF]  }
0x2d: {  	s3 =	simm.s32 $0x108;
	s8 =	sld [smem:$0x3FB0]  }
0x2e: {  	s3 =	simm.s32 @!p0 $0x1082;
	s9 =	sld [smem:$0x3FB1]  }
0x2f: {  	lr =	sadd.s32 s0, s3;
	s0 =	sld [smem:$0x3FA8]  }
0x30: {  	s3 =	sld [smem:$0x3FAB]  }
0x31: {  	[smem:$0x3FB4] =	sst s10  }
0x32: {  	s10 =	sld [smem:$0x3FB2];
	_ =	sdelay $0x3  }
0x33: {  	p0 =	seq.s32 s10, $0x1;
	s10 =	sld [smem:$0x3FB4];
	_ =	sdelay $0x3  }
0x34: {  	[smem:$0x3FB4] =	sst s10  }
0x35: {  	s10 =	sld [smem:$0x3FB3];
	_ =	sdelay $0x3  }
0x36: {  	p1 =	seq.s32 s10, $0x1;
	s10 =	sld [smem:$0x3FB4];
	_ =	sdelay $0x3  }
0x37: {  	[smem:$0x3FB4] =	sst s10  }
0x38: {  	s10 =	sld [smem:$0x3FB5]  }
0x39: {  	_ = 	snop;
	(pc) =	sbr.ind lr, $3  }
0x3a: {  	_ = 	snop  }
0x3b: {  	_ = 	snop  }
0x3c: {  	p2 =	seq.s32 s10, $0x1;
	s10 =	sld [smem:$0x3FB4]  }
0x3d: {  	_ =	shalt  }
0x3e: {  	_ =	shalt  }
0x3f: {  	_ =	shalt  }
0x40: {  	_ =	shalt  }
0x41: {  	_ =	shalt  }
0x42: {  	_ =	shalt  }
0x43: {  	_ =	shalt  }
0x44: {  	_ =	shalt  }
0x45: {  	_ =	shalt  }
0x46: {  	_ =	shalt  }
0x47: {  	_ =	shalt  }
0x48: {  	_ =	shalt  }
0x49: {  	_ =	shalt  }
0x4a: {  	_ =	shalt  }
0x4b: {  	_ =	shalt  }
0x4c: {  	_ =	shalt  }
0x4d: {  	_ =	shalt  }
0x4e: {  	_ =	shalt  }
0x4f: {  	_ =	shalt  }
0x50: {  	_ =	shalt  }
0x51: {  	_ =	shalt  }
0x52: {  	_ =	shalt  }
0x53: {  	_ =	shalt  }
0x54: {  	_ =	shalt  }
0x55: {  	_ =	shalt  }
0x56: {  	_ =	shalt  }
0x57: {  	_ =	shalt  }
0x58: {  	_ =	shalt  }
0x59: {  	_ =	shalt  }
0x5a: {  	_ =	shalt  }
0x5b: {  	_ =	shalt  }
0x5c: {  	_ =	shalt  }
0x5d: {  	_ =	shalt  }
0x5e: {  	_ =	shalt  }
0x5f: {  	_ =	shalt  }
0x60: {  	_ =	shalt  }
0x61: {  	_ =	shalt  }
0x62: {  	_ =	shalt  }
0x63: {  	_ =	shalt  }
0x64: {  	_ =	shalt  }
0x65: {  	_ =	shalt  }
0x66: {  	_ =	shalt  }
0x67: {  	_ =	shalt  }
0x68: {  	_ =	shalt  }
0x69: {  	_ =	shalt  }
0x6a: {  	_ =	shalt  }
0x6b: {  	_ =	shalt  }
0x6c: {  	_ =	shalt  }
0x6d: {  	_ =	shalt  }
0x6e: {  	_ =	shalt  }
0x6f: {  	_ =	shalt  }
0x70: {  	_ =	shalt  }
0x71: {  	_ =	shalt  }
0x72: {  	_ =	shalt  }
0x73: {  	_ =	shalt  }
0x74: {  	_ =	shalt  }
0x75: {  	_ =	shalt  }
0x76: {  	_ =	shalt  }
0x77: {  	_ =	shalt  }
0x78: {  	_ =	shalt  }
0x79: {  	_ =	shalt  }
0x7a: {  	_ =	shalt  }
0x7b: {  	_ =	shalt  }
0x7c: {  	_ =	shalt  }
0x7d: {  	_ =	shalt  }
0x7e: {  	_ =	shalt  }
0x7f: {  	_ =	shalt  }
0x80: {  	_ =	shalt  }
0x81: {  	_ =	shalt  }
0x82: {  	_ =	shalt  }
0x83: {  	_ =	shalt  }
0x84: {  	_ =	shalt  }
0x85: {  	_ =	shalt  }
0x86: {  	_ =	shalt  }
0x87: {  	_ =	shalt  }
.Lfunc_end0:
.L_simem_size_0:
called_computation_lowered:
.L_overlay_start_0:
0x88: {  	s2 =	sld [smem:$0x3FD9]  }
0x89: {  	s3 =	sld [smem:$0x3FFE];
	_ =	sdelay $0x1  }
0x8a: {  	s1 =	srdreg.scid  }
0x8b: {  	s0 =	sand.u32 $0x1, s1  }
0x8c: {  	s17 =	sshll.u32 s0, $0xA;
	s2 =	sadd.s32 s3, s2  }
0x8d: {  	s2 =	sadd.s32 s2, s17  }
0x8e: {  	[smem:$0x3FC0] =	sst s2  }
0x8f: {  	_ = 	snop  }
0x90: {  	s2 =	sld [smem:$0x3FD0];
	(tm) =	ssettm $0x1  }
0x91: {  	s18 =	sld [smem:$0x3FFB];
	_ =	sdelay $0x3  }
0x92: {  	_ =	strace s18  }
0x93: {  	s3 =	sld [smem:$0x3FFC];
	_ =	sdelay $0x3  }
0x94: {  	_ =	strace s3  }
0x95: {  	s3 =	sld [smem:$0x3FFD];
	_ =	sdelay $0x3  }
0x96: {  	_ =	strace s3  }
0x97: {  	_ =	strace $0x8FFFFFFF  }
0x98: {  	s19 =	sld [smem:$0x3FDB];
	_ =	sdelay $0x1  }
0x99: {  	s4 =	simm.s32 $_scs_section_size  }
0x9a: {  	s5 =	simm.s32 $_size__tile_overlayer_lowered;
	s6 =	simm.s32 $_tile_overlayer_lowered  }
0x9b: {  	s22 =	simm.s32 $0x1BFF;
	s21 =	sshll.u32 s6, $0x1;
	s3 =	sadd.s32 s4, s19  }
0x9c: {  	s7 =	simm.s32 $0x0;
	s20 =	sshll.u32 s5, $0x1;
	s5 =	sadd.s32 s21, s3  }
0x9d: {  	[timem:s7], [sflag:s22] =	dma.local [hbm:s5], s20  }
0x9e: {  	_ =	swait.ge [sflag:s22], s20  }
0x9f: {  	s4 =	ssub.s32 $0x0, s20;
	[sflag:s22] =	ssyncset.done $0x0  }
0xa0: {  	[sflag:s22] =	ssyncadd.s32 s4;
	_ =	sdelay $0x1  }
0xa1: {  	s23 =	simm.s32 $0x1B8B  }
0xa2: {  	_ =	swait.ge [sflag:s23], $0x1  }
0xa3: {  	[sflag:s23] =	ssyncset.done $0x0  }
0xa4: {  	s25 =	simm.s32 $0x1B8E;
	s24 =	sld [smem:$0x3FFE];
	[sflag:s23] =	ssyncadd.s32 $0xFFFFFFFF  }
0xa5: {  	s26 =	simm.s32 $execute0_lowered;
	[smem:$0x3FD2] =	sst s25  }
0xa6: {  	s5 =	sshll.u32 s26, $0x1;
	_ =	strace $0x80000046;
	[dreg:$0x1] =	wrdreg $0xFFFFFFFF  }
0xa7: {  	s28 =	simm.s32 $_size_execute0_lowered;
	s3 =	sadd.s32 s3, s5;
	[dreg:$0x0] =	wrdreg $0x0  }
0xa8: {  	s5 =	sshll.u32 s28, $0x1;
	[dreg:$0x2] =	wrdreg s3  }
0xa9: {  	[dreg:$0x3] =	wrdreg s5  }
0xaa: {  	[dreg:$0x4] =	wrdreg $0xC0  }
0xab: {  	_ =	task [dreg:s7], $0x5FFFF  }
0xac: {  	[dreg:$0x1] =	wrdreg $0xFFFFFFFF  }
0xad: {  	[dreg:$0x0] =	wrdreg $0x60  }
0xae: {  	[dreg:$0x2] =	wrdreg s2  }
0xaf: {  	[dreg:$0x3] =	wrdreg s24  }
0xb0: {  	[dreg:$0x4] =	wrdreg $0x9  }
0xb1: {  	_ =	task.clear_ibuf [dreg:s7], $0x5FFFF;
	_ =	strace $0x90000046  }
0xb2: {  	s29 =	simm.s32 $0x9;
	_ =	strace $0x80000048  }
0xb3: {  	_ =	swait.ge [sflag:s29], $0x1  }
0xb4: {  	[sflag:s29] =	ssyncadd.s32 $0xFFFFFFFF  }
0xb5: {  	_ =	strace $0x90000048  }
0xb6: {  	_ =	sfence  }
0xb7: {  	s30 =	sld [smem:$0x0];
	_ =	sdelay $0x2  }
0xb8: {  	s31 =	sshll.u32 s1, $0xD;
	s1 =	sshrl.u32 s1, $0x2  }
0xb9: {  	s3 =	sand.u32 $0x4000, s31;
	s1 =	sadd.s32 s1, s30  }
0xba: {  	s0 =	sor.u32 s3, s0;
	s1 =	sshll.u32 s1, $0x11  }
0xbb: {  	s0 =	sor.u32 s1, s0  }
0xbc: {  	s0 =	sadd.s32 $0x8F2B, s0  }
0xbd: {  	[sflag:s0] =	ssyncadd.remote.s32 $0x1  }
0xbe: {  	_ =	sfence.sel $0xFFFF  }
0xbf: {  	[dreg:$0x0] =	wrdreg $0xFFFFFFFF;
	(pc) =	sbr.abs _section_cstart, $3  }
0xc0: {  	[dreg:$0x1] =	wrdreg $0xFFFFFFFF  }
0xc1: {  	_ =	task.clear_ibuf [dreg:s7], $0x2FFFF;
	_ =	strace $0x9FFFFFFF  }
0xc2: {  	(tm) =	ssettm $0x7FFFFFFF  }
0xc3: {  	_ =	shalt  }
tec
execute0_lowered:
.L_overlay_start_1:
0x0: {  	(tag) =	ssettag $0x1  }
0x1: {  	s3 =	rddreg [dreg:$0x0]  }
0x2: {  	s1 =	srdreg.scid;
	s0 =	stileid.u32  }
0x3: {  	s4 =	rddreg [dreg:$0x1];
	s5 =	sand.u32 $0x1, s1;
	s2 =	sshll.u32 s0, $0x1  }
0x4: {  	s1 =	rddreg [dreg:$0x2];
	s6 =	sor.u32 s5, s2  }
0x5: {  	s2 =	simm.s32 $0x0;
	s5 =	ssub.s32 $0x2, s5;
	s7 =	smul.u32 $0x4F0, s6  }
0x6: {  	[smem:$0x7FF] =	sst s2;
	s8 =	sshrl.u32 s5, $0x1;
	s6 =	smul.u32 $0x500, s6  }
0x7: {  	_ =	strace $0x80000047;
	s5 =	ssub.s32 s5, s8;
	s8 =	simm.s32 $0x0  }
0x8: {  	s4 =	sadd.s32 s7, s4;
	s3 =	sadd.s32 s3, s6;
	s5 =	smax.u32 s5, $0x1  }
0x9: {  	v0 =	vimm.f32 $0.0e+00;
	v1 =	vimm.f32 $1.000000000e+00;
	s6 =	simm.s32 $0x1;
	s7 =	simm.s32 $0x2800;
	s4 =	sadd.s32 $0x3400, s4  }
.LBB2_1:
0xa: {  	[tilespmem:s2], [sflag:$0x1] =	stream.linear.gather [hbm4b:s3+s2], $0x2800, $0x38;
	[tilespmem:$0x4F80] =	vst v63  }
0xb: {  	_ =	swait.ge [sflag:s6], $0x2800  }
0xc: {  	[sflag:s6] =	ssyncset.done $0x0  }
0xd: {  	s9 =	simm.s32 $0x0;
	[sflag:s6] =	ssyncadd.s32 $0xFFFFD800  }
.LBB2_2:
0xe: {  	p0 =	sne.s32 s9, $0x9DC0  }
.Ltmp0:
0xf: {  	_ = 	snop;
	(pc) =	sbr.rel @p0 .LBB2_2-.Ltmp0, $3  }
0x10: {  	_ =	sdelay $0x1  }
0x11: {  	s10 =	sshra.s32 s9, $0x2  }
0x12: {  	s9 =	sadd.s32 $0x40, s9;
	[tilespmem:s10+$0x2800] =	vst v0  }
0x13: {  	s9 =	simm.s32 $0x0  }
0x14: {  	s10 =	sand.u32 $0xFE00, s9  }
0x15: {  	s9 =	sand.u32 $0x70, s9;
	s10 =	sshrl.u32 s10, $0x2  }
0x16: {  	s9 =	sor.u32 s9, s10  }
0x17: {  	v2 =	vld [tilespmem:s9+$0x0];
	_ =	sdelay $0x4  }
0x18: {  	s11 =	simm.s32 $0x40  }
0x19: {  	s11 =	sand.u32 $0xFE00, s11;
	s10 =	simm.s32 $0x80;
	s9 =	simm.s32 $0x10  }
.LBB2_4:
0x1a: {  	p0 =	sne.s32 s10, $0x9FC0;
	s12 =	sand.u32 $0x70, s9;
	s11 =	sshrl.u32 s11, $0x2  }
0x1b: {  	s11 =	sor.u32 s12, s11;
	[tilespmem:v2+s7+$0x0] =	vst.idx.add.f32.msk $0xffff, v1  }
0x1c: {  	v2 =	vld [tilespmem:s11+$0x0];
	_ =	sdelay $0x1  }
.Ltmp1:
0x1d: {  	(pc) =	sbr.rel @p0 .LBB2_4-.Ltmp1, $2  }
0x1e: {  	_ =	sdelay $0x2  }
0x1f: {  	s9 =	sadd.s32 $0x10, s9;
	s11 =	sand.u32 $0xFE00, s10;
	s10 =	sadd.s32 $0x40, s10  }
0x20: {  	_ =	sdelay $0x2  }
0x21: {  	s9 =	sand.u32 $0x70, s9;
	s10 =	sshrl.u32 s11, $0x2  }
0x22: {  	[tilespmem:v2+s7+$0x0] =	vst.idx.add.f32.msk $0xffff, v1;
	s9 =	sor.u32 s9, s10  }
0x23: {  	v2 =	vld [tilespmem:s9+$0x0];
	_ =	sdelay $0x5  }
0x24: {  	s8 =	sadd.s32 $0x1, s8  }
0x25: {  	p0 =	sne.s32 s8, s5  }
.Ltmp2:
0x26: {  	[tilespmem:v2+s7+$0x0] =	vst.idx.add.f32.msk $0xffff, v1;
	(pc) =	sbr.rel @p0 .LBB2_1-.Ltmp2, $4  }
0x27: {  	[hbm4b:s4+s2] =	stream.linear.scatter [tilespmem:s7], [sflag:$0x1], $0x2780, $0x38;
	[tilespmem:$0x4F80] =	vst v63  }
0x28: {  	_ =	swait.ge [sflag:s6], $0x2780  }
0x29: {  	[sflag:s6] =	ssyncset.done $0x0  }
0x2a: {  	[sflag:s6] =	ssyncadd.s32 $0xFFFFD880  }
0x2b: {  	_ =	sfence.sel $0x180000  }
0x2c: {  	[bflag:$0x0] =	sbarrier.arrive $0xFFFF  }
0x2d: {  	p0 =	sne.s32 s0, $0x0;
	_ =	strace $0x90000047  }
0x2e: {  	s0 =	sadd.s32 @!p0 $0x100000, s1;
	[bflag:$0x2] =	sbarrier.arrive $0xFFFF  }
0x2f: {  	[sflag:s0] =	ssyncadd.tile.s32 @!p0 $0x1;
	_ =	shalt  }
.Lfunc_end2:
_tile_overlayer_lowered:
.L_overlay_start_2:
0x30: {  	(tag) =	ssettag $0x2  }
0x31: {  	s0 =	rddreg [dreg:$0x0];
	s2 =	stileid.u32  }
0x32: {  	s1 =	rddreg [dreg:$0x1];
	p0 =	sne.s32 s2, $0x0  }
0x33: {  	s3 =	rddreg [dreg:$0x2];
	[bflag:$0x3] =	sbarrier.arrive $0xFFFF;
	s2 =	simm.s32 @!p0 $0x1C01  }
0x34: {  	[timem:s3], [sflag:s2] =	dma.local @!p0 [hbm:s0], s1  }
0x35: {  	s0 =	simm.s32 @!p0 $0x1  }
0x36: {  	_ =	swait.ge @!p0 [sflag:s0], s1  }
0x37: {  	s1 =	ssub.s32 @!p0 $0x0, s1;
	[sflag:s0] =	ssyncset.done @!p0 $0x0  }
0x38: {  	[sflag:s0] =	ssyncadd.s32 @!p0 s1  }
0x39: {  	[bflag:$0x3] =	sbarrier.arrive $0xFFFF  }
0x3a: {  	_ =	shalt  }

// kernel: kernel.13.cloned.1.call-start
scs
__scs_entry_jumppad:
0x0: {  	(pc) =	sbr.rel $0x88, $3  }
0x1: {  	(tag) =	ssettag $0x0;
	lr =	simm.s32 $0x1  }
0x2: {  	[smem:$0x3F99] =	sst lr;
	_ =	strace $0xD0000000  }
0x3: {  	_ = 	snop  }
0x4: {  	_ = 	snop  }
0x5: {  	_ = 	snop  }
0x6: {  	_ = 	snop  }
0x7: {  	_ = 	snop  }
__scs_overlays_trampoline_lowered:
0x8: {  	[smem:$0x3FA8] =	sst s0  }
0x9: {  	[smem:$0x3FA9] =	sst s1  }
0xa: {  	[smem:$0x3FAA] =	sst s2  }
0xb: {  	[smem:$0x3FAB] =	sst s3  }
0xc: {  	[smem:$0x3FAC] =	sst s4  }
0xd: {  	[smem:$0x3FAD] =	sst s5  }
0xe: {  	[smem:$0x3FAE] =	sst s6  }
0xf: {  	[smem:$0x3FAF] =	sst s7  }
0x10: {  	[smem:$0x3FB0] =	sst s8  }
0x11: {  	[smem:$0x3FB1] =	sst s9;
	s0 =	simm.s32 @!p0 $0x0  }
0x12: {  	s1 =	sld [smem:$0x3F97];
	s0 =	simm.s32 @p0 $0x1  }
0x13: {  	[smem:$0x3FB2] =	sst s0;
	s0 =	simm.s32 @!p1 $0x0  }
0x14: {  	s2 =	sld [smem:$0x3F96];
	s0 =	simm.s32 @p1 $0x1  }
0x15: {  	[smem:$0x3FB3] =	sst s0;
	s0 =	simm.s32 @!p2 $0x0  }
0x16: {  	s3 =	sld [smem:$0x3FDB];
	s0 =	simm.s32 @p2 $0x1  }
0x17: {  	s4 =	simm.s32 $0x1BF5;
	[smem:$0x3FB5] =	sst s0  }
0x18: {  	s0 =	sld [smem:$0x3F98];
	_ =	swait.ge [sflag:s4], $0x0  }
0x19: {  	s7 =	sld [smem:$0x3F99]  }
0x1a: {  	s8 =	sadd.s32 $0xFFFFE003, lr  }
0x1b: {  	s9 =	sadd.s32 $0xFFFFFEF7, lr;
	s5 =	simm.s32 $0xFFFFFFFF;
	p2 =	slt.u32 s8, $0xFFFFF086  }
0x1c: {  	p1 =	slt.u32 s9, $0xF7A;
	s5 =	simm.s32 @!p2 $0x0  }
0x1d: {  	s5 =	simm.s32 @p1 $0x1;
	p0 =	seq.s32 s7, s2  }
0x1e: {  	s7 =	smul.u32 @!p0 $0xF7A, s2;
	p2 =	seq.s32 @!p0 s5, $0x0  }
0x1f: {  	s9 =	smul.u32 $0xF7A, s1;
	s8 =	simm.s32 @!p0 $0x1BF5;
	p2 =	por !p2, p0  }
0x20: {  	[sflag:s8] =	ssyncset.s32 @!p0 $0xFFFFF086;
	s6 =	sadd.s32 @!p0 s3, s7;
	s7 =	simm.s32 @!p0 $0x108  }
0x21: {  	s3 =	sadd.s32 s3, s9;
	s6 =	sadd.s32 @!p0 $0x88, s6;
	s7 =	simm.s32 @p2 $0x1082  }
0x22: {  	[simem:s7], [sflag:s8] =	dma.local @!p0 [hbm:s6], $0xF7A  }
0x23: {  	s9 =	sor.u32 $0xD0000000, s2;
	s6 =	simm.s32 $0x108;
	_ =	swait.ge @!p0 [sflag:s8], $0x0  }
0x24: {  	s3 =	sadd.s32 $0x88, s3;
	s6 =	simm.s32 @!p1 $0x1082;
	[sflag:s4] =	ssyncset.s32 $0xFFFFF086  }
0x25: {  	[simem:s6], [sflag:s4] =	dma.local [hbm:s3], $0xF7A  }
0x26: {  	[smem:$0x3F99] =	sst s1;
	(tag) =	ssettag s2;
	_ =	strace s9  }
0x27: {  	s1 =	sld [smem:$0x3FA9]  }
0x28: {  	s2 =	sld [smem:$0x3FAA]  }
0x29: {  	s4 =	sld [smem:$0x3FAC]  }
0x2a: {  	p0 =	seq.s32 s5, $0x0;
	s5 =	sld [smem:$0x3FAD]  }
0x2b: {  	s6 =	sld [smem:$0x3FAE]  }
0x2c: {  	s7 =	sld [smem:$0x3FAF]  }
0x2d: {  	s3 =	simm.s32 $0x108;
	s8 =	sld [smem:$0x3FB0]  }
0x2e: {  	s3 =	simm.s32 @!p0 $0x1082;
	s9 =	sld [smem:$0x3FB1]  }
0x2f: {  	lr =	sadd.s32 s0, s3;
	s0 =	sld [smem:$0x3FA8]  }
0x30: {  	s3 =	sld [smem:$0x3FAB]  }
0x31: {  	[smem:$0x3FB4] =	sst s10  }
0x32: {  	s10 =	sld [smem:$0x3FB2];
	_ =	sdelay $0x3  }
0x33: {  	p0 =	seq.s32 s10, $0x1;
	s10 =	sld [smem:$0x3FB4];
	_ =	sdelay $0x3  }
0x34: {  	[smem:$0x3FB4] =	sst s10  }
0x35: {  	s10 =	sld [smem:$0x3FB3];
	_ =	sdelay $0x3  }
0x36: {  	p1 =	seq.s32 s10, $0x1;
	s10 =	sld [smem:$0x3FB4];
	_ =	sdelay $0x3  }
0x37: {  	[smem:$0x3FB4] =	sst s10  }
0x38: {  	s10 =	sld [smem:$0x3FB5]  }
0x39: {  	_ = 	snop;
	(pc) =	sbr.ind lr, $3  }
0x3a: {  	_ = 	snop  }
0x3b: {  	_ = 	snop  }
0x3c: {  	p2 =	seq.s32 s10, $0x1;
	s10 =	sld [smem:$0x3FB4]  }
0x3d: {  	_ =	shalt  }
0x3e: {  	_ =	shalt  }
0x3f: {  	_ =	shalt  }
0x40: {  	_ =	shalt  }
0x41: {  	_ =	shalt  }
0x42: {  	_ =	shalt  }
0x43: {  	_ =	shalt  }
0x44: {  	_ =	shalt  }
0x45: {  	_ =	shalt  }
0x46: {  	_ =	shalt  }
0x47: {  	_ =	shalt  }
0x48: {  	_ =	shalt  }
0x49: {  	_ =	shalt  }
0x4a: {  	_ =	shalt  }
0x4b: {  	_ =	shalt  }
0x4c: {  	_ =	shalt  }
0x4d: {  	_ =	shalt  }
0x4e: {  	_ =	shalt  }
0x4f: {  	_ =	shalt  }
0x50: {  	_ =	shalt  }
0x51: {  	_ =	shalt  }
0x52: {  	_ =	shalt  }
0x53: {  	_ =	shalt  }
0x54: {  	_ =	shalt  }
0x55: {  	_ =	shalt  }
0x56: {  	_ =	shalt  }
0x57: {  	_ =	shalt  }
0x58: {  	_ =	shalt  }
0x59: {  	_ =	shalt  }
0x5a: {  	_ =	shalt  }
0x5b: {  	_ =	shalt  }
0x5c: {  	_ =	shalt  }
0x5d: {  	_ =	shalt  }
0x5e: {  	_ =	shalt  }
0x5f: {  	_ =	shalt  }
0x60: {  	_ =	shalt  }
0x61: {  	_ =	shalt  }
0x62: {  	_ =	shalt  }
0x63: {  	_ =	shalt  }
0x64: {  	_ =	shalt  }
0x65: {  	_ =	shalt  }
0x66: {  	_ =	shalt  }
0x67: {  	_ =	shalt  }
0x68: {  	_ =	shalt  }
0x69: {  	_ =	shalt  }
0x6a: {  	_ =	shalt  }
0x6b: {  	_ =	shalt  }
0x6c: {  	_ =	shalt  }
0x6d: {  	_ =	shalt  }
0x6e: {  	_ =	shalt  }
0x6f: {  	_ =	shalt  }
0x70: {  	_ =	shalt  }
0x71: {  	_ =	shalt  }
0x72: {  	_ =	shalt  }
0x73: {  	_ =	shalt  }
0x74: {  	_ =	shalt  }
0x75: {  	_ =	shalt  }
0x76: {  	_ =	shalt  }
0x77: {  	_ =	shalt  }
0x78: {  	_ =	shalt  }
0x79: {  	_ =	shalt  }
0x7a: {  	_ =	shalt  }
0x7b: {  	_ =	shalt  }
0x7c: {  	_ =	shalt  }
0x7d: {  	_ =	shalt  }
0x7e: {  	_ =	shalt  }
0x7f: {  	_ =	shalt  }
0x80: {  	_ =	shalt  }
0x81: {  	_ =	shalt  }
0x82: {  	_ =	shalt  }
0x83: {  	_ =	shalt  }
0x84: {  	_ =	shalt  }
0x85: {  	_ =	shalt  }
0x86: {  	_ =	shalt  }
0x87: {  	_ =	shalt  }
.Lfunc_end0:
.L_simem_size_0:
called_computation.1_lowered:
.L_overlay_start_0:
0x88: {  	s2 =	sld [smem:$0x3FD9]  }
0x89: {  	s3 =	sld [smem:$0x3FFE];
	_ =	sdelay $0x1  }
0x8a: {  	s1 =	srdreg.scid  }
0x8b: {  	s0 =	sand.u32 $0x1, s1  }
0x8c: {  	s17 =	sshll.u32 s0, $0xA;
	s2 =	sadd.s32 s3, s2  }
0x8d: {  	s2 =	sadd.s32 s2, s17  }
0x8e: {  	[smem:$0x3FC0] =	sst s2  }
0x8f: {  	_ = 	snop  }
0x90: {  	s2 =	sld [smem:$0x3FD0];
	(tm) =	ssettm $0x1  }
0x91: {  	s18 =	sld [smem:$0x3FFB];
	_ =	sdelay $0x3  }
0x92: {  	_ =	strace s18  }
0x93: {  	s3 =	sld [smem:$0x3FFC];
	_ =	sdelay $0x3  }
0x94: {  	_ =	strace s3  }
0x95: {  	s3 =	sld [smem:$0x3FFD];
	_ =	sdelay $0x3  }
0x96: {  	_ =	strace s3  }
0x97: {  	_ =	strace $0x8FFFFFFF  }
0x98: {  	s19 =	sld [smem:$0x3FDB];
	_ =	sdelay $0x1  }
0x99: {  	s4 =	simm.s32 $_scs_section_size  }
0x9a: {  	s5 =	simm.s32 $_size__tile_overlayer_lowered;
	s6 =	simm.s32 $_tile_overlayer_lowered  }
0x9b: {  	s22 =	simm.s32 $0x1BFF;
	s21 =	sshll.u32 s6, $0x1;
	s3 =	sadd.s32 s4, s19  }
0x9c: {  	s7 =	simm.s32 $0x0;
	s20 =	sshll.u32 s5, $0x1;
	s5 =	sadd.s32 s21, s3  }
0x9d: {  	[timem:s7], [sflag:s22] =	dma.local [hbm:s5], s20  }
0x9e: {  	_ =	swait.ge [sflag:s22], s20  }
0x9f: {  	s4 =	ssub.s32 $0x0, s20;
	[sflag:s22] =	ssyncset.done $0x0  }
0xa0: {  	[sflag:s22] =	ssyncadd.s32 s4;
	_ =	sdelay $0x1  }
0xa1: {  	s23 =	simm.s32 $0x1B8B  }
0xa2: {  	_ =	swait.ge [sflag:s23], $0x1  }
0xa3: {  	[sflag:s23] =	ssyncset.done $0x0  }
0xa4: {  	s25 =	simm.s32 $0x1B8E;
	s24 =	sld [smem:$0x3FFE];
	[sflag:s23] =	ssyncadd.s32 $0xFFFFFFFF  }
0xa5: {  	s26 =	simm.s32 $execute0_lowered;
	[smem:$0x3FD2] =	sst s25  }
0xa6: {  	s5 =	sshll.u32 s26, $0x1;
	_ =	strace $0x80000049;
	[dreg:$0x1] =	wrdreg $0xFFFFFFFF  }
0xa7: {  	s28 =	simm.s32 $_size_execute0_lowered;
	s3 =	sadd.s32 s3, s5;
	[dreg:$0x0] =	wrdreg $0x0  }
0xa8: {  	s5 =	sshll.u32 s28, $0x1;
	[dreg:$0x2] =	wrdreg s3  }
0xa9: {  	[dreg:$0x3] =	wrdreg s5  }
0xaa: {  	[dreg:$0x4] =	wrdreg $0xC0  }
0xab: {  	_ =	task [dreg:s7], $0x5FFFF  }
0xac: {  	[dreg:$0x1] =	wrdreg $0xFFFFFFFF  }
0xad: {  	[dreg:$0x0] =	wrdreg $0x60  }
0xae: {  	[dreg:$0x2] =	wrdreg s24  }
0xaf: {  	[dreg:$0x3] =	wrdreg s2  }
0xb0: {  	[dreg:$0x4] =	wrdreg $0xA8000  }
0xb1: {  	[dreg:$0x5] =	wrdreg $0x9  }
0xb2: {  	_ =	task.clear_ibuf [dreg:s7], $0x6FFFF;
	_ =	strace $0x90000049  }
0xb3: {  	s29 =	simm.s32 $0x9;
	_ =	strace $0x8000004B  }
0xb4: {  	_ =	swait.ge [sflag:s29], $0x1  }
0xb5: {  	[sflag:s29] =	ssyncadd.s32 $0xFFFFFFFF  }
0xb6: {  	_ =	strace $0x9000004B  }
0xb7: {  	_ =	sfence  }
0xb8: {  	s30 =	sld [smem:$0x0];
	_ =	sdelay $0x2  }
0xb9: {  	s31 =	sshll.u32 s1, $0xD;
	s1 =	sshrl.u32 s1, $0x2  }
0xba: {  	s3 =	sand.u32 $0x4000, s31;
	s1 =	sadd.s32 s1, s30  }
0xbb: {  	s0 =	sor.u32 s3, s0;
	s1 =	sshll.u32 s1, $0x11  }
0xbc: {  	s0 =	sor.u32 s1, s0  }
0xbd: {  	s0 =	sadd.s32 $0x8F2B, s0  }
0xbe: {  	[sflag:s0] =	ssyncadd.remote.s32 $0x1  }
0xbf: {  	_ =	sfence.sel $0xFFFF  }
0xc0: {  	[dreg:$0x0] =	wrdreg $0xFFFFFFFF;
	(pc) =	sbr.abs _section_cstart, $3  }
0xc1: {  	[dreg:$0x1] =	wrdreg $0xFFFFFFFF  }
0xc2: {  	_ =	task.clear_ibuf [dreg:s7], $0x2FFFF;
	_ =	strace $0x9FFFFFFF  }
0xc3: {  	(tm) =	ssettm $0x7FFFFFFF  }
tec
execute0_lowered:
.L_overlay_start_1:
0x0: {  	(tag) =	ssettag $0x1  }
0x1: {  	s5 =	rddreg [dreg:$0x0]  }
0x2: {  	s10 =	rddreg [dreg:$0x1]  }
0x3: {  	s2 =	rddreg [dreg:$0x2]  }
0x4: {  	s0 =	rddreg [dreg:$0x3];
	s4 =	srdreg.scid  }
0x5: {  	s1 =	stileid.u32;
	s3 =	simm.s32 $0x0;
	s15 =	simm.s32 $0x1400  }
0x6: {  	s16 =	simm.s32 $0x80;
	s17 =	simm.s32 $0x2800;
	s18 =	simm.s32 $0x6800  }
0x7: {  	s19 =	simm.s32 $0x1;
	s20 =	simm.s32 $0x2;
	s21 =	simm.s32 $0x1380  }
0x8: {  	s22 =	simm.s32 $0x2700;
	s23 =	simm.s32 $0x2780;
	s24 =	simm.s32 $0x0  }
0x9: {  	s6 =	sand.u32 $0x1, s4;
	s7 =	smul.u32 $0x13C00, s1;
	[smem:$0x7FF] =	sst s3  }
0xa: {  	s4 =	sadd.s32 $0x17200, s5;
	s9 =	sadd.s32 $0xD200, s5;
	s11 =	smul.u32 $0x4F000, s1  }
0xb: {  	s12 =	sshll.u32 s1, $0x1;
	s29 =	sshll.u32 s1, $0x6;
	s8 =	smul.u32 $0x13C000, s6  }
0xc: {  	_ =	strace $0x8000004A;
	s13 =	ssub.s32 $0x2, s6;
	s6 =	sor.u32 s6, s12  }
0xd: {  	s25 =	sshrl.u32 s13, $0x1;
	s11 =	sshrl.u32 s11, $0x2;
	s6 =	smul.u32 $0x2800, s6  }
0xe: {  	s28 =	sshrl.u32 s7, $0x3;
	s8 =	sadd.s32 s7, s8;
	s12 =	ssub.s32 s13, s25  }
0xf: {  	s26 =	sadd.s32 s11, s2;
	s8 =	sshrl.u32 s8, $0x3;
	s30 =	sshrl.u32 s6, $0x3  }
0x10: {  	s6 =	sor.u32 $0x1C03, s29;
	s12 =	smax.u32 s12, $0x1;
	s13 =	sshrl.u32 s26, $0x3  }
0x11: {  	s14 =	sadd.s32 s8, s5;
	s5 =	sadd.s32 s4, s28;
	s31 =	sadd.s32 $0x280, s30  }
0x12: {  	s7 =	sadd.s32 s9, s30;
	s8 =	sadd.s32 s10, s30;
	s9 =	sadd.s32 s9, s31  }
0x13: {  	s10 =	sadd.s32 s10, s31;
	s11 =	sadd.s32 $0x3EA00, s14;
	s14 =	simm.s32 $0x3  }
.LBB2_1:
0x14: {  	[spmem:s13], [sflag:s6] =	dma.local [hbm:s5], $0x2780  }
0x15: {  	_ =	swait.ge [sflag:s14], $0x2780  }
0x16: {  	[sflag:s14] =	ssyncset.done $0x0  }
0x17: {  	[sflag:s14] =	ssyncadd.s32 $0xFFFFD880  }
0x18: {  	[bflag:$0x0] =	sbarrier.arrive $0xFFFF  }
0x19: {  	[tilespmem:s3], [sflag:$0x3] =	stream.linear.gather [hbm4b:s7+s3], $0x1400, $0x38;
	[tilespmem:$0x1E400] =	vst v63  }
0x1a: {  	_ =	swait.ge [sflag:s14], $0x1400  }
0x1b: {  	[sflag:s14] =	ssyncset.done $0x0  }
0x1c: {  	[sflag:s14] =	ssyncadd.s32 $0xFFFFEC00  }
0x1d: {  	[tilespmem:s15], [sflag:$0x3] =	stream.linear.gather [hbm4b:s8+s3], $0x1400, $0x38;
	[tilespmem:$0x1E400] =	vst v63  }
0x1e: {  	_ =	swait.ge [sflag:s14], $0x1400  }
0x1f: {  	[sflag:s14] =	ssyncset.done $0x0  }
0x20: {  	[sflag:s14] =	ssyncadd.s32 $0xFFFFEC00  }
0x21: {  	[tilespmem:s17], [sflag:$0x1] =	stream.indirect.gather [hbm4b:s4+s16], $0x80, s3, s16, $0xb8;
	[tilespmem:$0x1E400] =	vst v63  }
0x22: {  	s25 =	simm.s32 $0x80  }
0x23: {  	[tilespmem:s18], [sflag:$0x2] =	stream.indirect.gather [hbm4b:s4+s16], $0x80, s25, s16, $0xb8;
	[tilespmem:$0x1E400] =	vst v63  }
0x24: {  	_ =	swait.ge [sflag:s19], $0x4000  }
0x25: {  	[sflag:s19] =	ssyncset.done $0x0  }
0x26: {  	s29 =	simm.s32 $0x1400;
	[sflag:s19] =	ssyncadd.s32 $0xFFFFC000  }
0x27: {  	[spmem:s2] =	stream.indirect.scatter.add.f32 [tilespmem:s17], [sflag:$0x3], $0x80, s29, s16, $0xb8;
	[tilespmem:$0x1E400] =	vst v63  }
0x28: {  	_ =	swait.ge [sflag:s14], $0x4000  }
0x29: {  	[sflag:s14] =	ssyncset.done $0x0  }
0x2a: {  	s30 =	simm.s32 $0x100;
	[sflag:s14] =	ssyncadd.s32 $0xFFFFC000  }
0x2b: {  	[tilespmem:s17], [sflag:$0x1] =	stream.indirect.gather [hbm4b:s4+s16], $0x80, s30, s16, $0xb8;
	[tilespmem:$0x1E400] =	vst v63  }
0x2c: {  	_ =	swait.ge [sflag:s20], $0x4000  }
0x2d: {  	[sflag:s20] =	ssyncset.done $0x0  }
0x2e: {  	s31 =	simm.s32 $0x1480;
	[sflag:s20] =	ssyncadd.s32 $0xFFFFC000  }
0x2f: {  	[spmem:s2] =	stream.indirect.scatter.add.f32 [tilespmem:s18], [sflag:$0x3], $0x80, s31, s16, $0xb8;
	[tilespmem:$0x1E400] =	vst v63  }
0x30: {  	_ =	swait.ge [sflag:s14], $0x4000  }
0x31: {  	s26 =	simm.s32 $0x800;
	s25 =	simm.s32 $0x100;
	[sflag:s14] =	ssyncset.done $0x0  }
.LBB2_2:
0x32: {  	s28 =	sadd.s32 $0x80, s25  }
0x33: {  	[sflag:s14] =	ssyncadd.s32 $0xFFFFC000;
	s29 =	smov.u32 s26;
	s30 =	sadd.s32 $0x400, s26  }
0x34: {  	[tilespmem:s18], [sflag:$0x2] =	stream.indirect.gather [hbm4b:s4+s16], $0x80, s28, s16, $0xb8;
	[tilespmem:$0x1E400] =	vst v63  }
0x35: {  	p0 =	sne.s32 s26, $0x4800;
	_ =	swait.ge [sflag:s19], $0x4000  }
0x36: {  	[sflag:s19] =	ssyncset.done $0x0  }
0x37: {  	s26 =	sadd.s32 $0x1400, s25;
	[sflag:s19] =	ssyncadd.s32 $0xFFFFC000  }
0x38: {  	[spmem:s2] =	stream.indirect.scatter.add.f32 [tilespmem:s17], [sflag:$0x3], $0x80, s26, s16, $0xb8;
	[tilespmem:$0x1E400] =	vst v63  }
0x39: {  	_ =	swait.ge [sflag:s14], $0x4000  }
0x3a: {  	[sflag:s14] =	ssyncset.done $0x0  }
0x3b: {  	s26 =	sadd.s32 $0x100, s25;
	[sflag:s14] =	ssyncadd.s32 $0xFFFFC000  }
0x3c: {  	[tilespmem:s17], [sflag:$0x1] =	stream.indirect.gather [hbm4b:s4+s16], $0x80, s26, s16, $0xb8;
	[tilespmem:$0x1E400] =	vst v63  }
0x3d: {  	_ =	swait.ge [sflag:s20], $0x4000  }
.Ltmp0:
0x3e: {  	[sflag:s20] =	ssyncset.done $0x0;
	(pc) =	sbr.rel @p0 .LBB2_2-.Ltmp0, $4  }
0x3f: {  	s25 =	sadd.s32 $0x1480, s25;
	[sflag:s20] =	ssyncadd.s32 $0xFFFFC000  }
0x40: {  	[spmem:s2] =	stream.indirect.scatter.add.f32 [tilespmem:s18], [sflag:$0x3], $0x80, s25, s16, $0xb8;
	[tilespmem:$0x1E400] =	vst v63  }
0x41: {  	_ =	swait.ge [sflag:s14], $0x4000  }
0x42: {  	s26 =	smov.u32 s30;
	s25 =	sshra.s32 s29, $0x2;
	[sflag:s14] =	ssyncset.done $0x0  }
0x43: {  	s26 =	sadd.s32 $0x80, s25;
	[sflag:s14] =	ssyncadd.s32 $0xFFFFC000  }
0x44: {  	[tilespmem:s18], [sflag:$0x2] =	stream.indirect.gather [hbm4b:s4+s16], $0x80, s26, s16, $0xb8;
	[tilespmem:$0x1E400] =	vst v63  }
0x45: {  	_ =	swait.ge [sflag:s19], $0x4000  }
0x46: {  	[sflag:s19] =	ssyncset.done $0x0  }
0x47: {  	s29 =	sadd.s32 $0x1400, s25;
	[sflag:s19] =	ssyncadd.s32 $0xFFFFC000  }
0x48: {  	[spmem:s2] =	stream.indirect.scatter.add.f32 [tilespmem:s17], [sflag:$0x3], $0x80, s29, s16, $0xb8;
	[tilespmem:$0x1E400] =	vst v63  }
0x49: {  	_ =	swait.ge [sflag:s14], $0x4000  }
0x4a: {  	[sflag:s14] =	ssyncset.done $0x0  }
0x4b: {  	s30 =	sadd.s32 $0x100, s25;
	[sflag:s14] =	ssyncadd.s32 $0xFFFFC000  }
0x4c: {  	[tilespmem:s17], [sflag:$0x1] =	stream.indirect.gather [hbm4b:s4+s16], $0x80, s30, s16, $0xb8;
	[tilespmem:$0x1E400] =	vst v63  }
0x4d: {  	_ =	swait.ge [sflag:s20], $0x4000  }
0x4e: {  	[sflag:s20] =	ssyncset.done $0x0  }
0x4f: {  	s31 =	sadd.s32 $0x1480, s25;
	[sflag:s20] =	ssyncadd.s32 $0xFFFFC000  }
0x50: {  	[spmem:s2] =	stream.indirect.scatter.add.f32 [tilespmem:s18], [sflag:$0x3], $0x80, s31, s16, $0xb8;
	[tilespmem:$0x1E400] =	vst v63  }
0x51: {  	_ =	swait.ge [sflag:s14], $0x4000  }
0x52: {  	[sflag:s14] =	ssyncset.done $0x0  }
0x53: {  	[sflag:s14] =	ssyncadd.s32 $0xFFFFC000  }
0x54: {  	[tilespmem:s18], [sflag:$0x2] =	stream.indirect.gather [hbm4b:s4+s16], $0x80, s21, s16, $0xb8;
	[tilespmem:$0x1E400] =	vst v63  }
0x55: {  	_ =	swait.ge [sflag:s19], $0x4000  }
0x56: {  	[sflag:s19] =	ssyncset.done $0x0  }
0x57: {  	[sflag:s19] =	ssyncadd.s32 $0xFFFFC000  }
0x58: {  	[spmem:s2] =	stream.indirect.scatter.add.f32 [tilespmem:s17], [sflag:$0x3], $0x80, s22, s16, $0xb8;
	[tilespmem:$0x1E400] =	vst v63  }
0x59: {  	_ =	swait.ge [sflag:s14], $0x4000  }
0x5a: {  	[sflag:s14] =	ssyncset.done $0x0  }
0x5b: {  	[sflag:s14] =	ssyncadd.s32 $0xFFFFC000  }
0x5c: {  	[tilespmem:s17], [sflag:$0x1] =	stream.indirect.gather [hbm4b:s4+s16], $0x80, s21, s16, $0xb8;
	[tilespmem:$0x1E400] =	vst v63  }
0x5d: {  	_ =	swait.ge [sflag:s20], $0x4000  }
0x5e: {  	[sflag:s20] =	ssyncset.done $0x0  }
0x5f: {  	[sflag:s20] =	ssyncadd.s32 $0xFFFFC000  }
0x60: {  	[spmem:s2] =	stream.indirect.scatter.add.f32 [tilespmem:s18], [sflag:$0x3], $0x80, s23, s16, $0xb8;
	[tilespmem:$0x1E400] =	vst v63  }
0x61: {  	_ =	swait.ge [sflag:s14], $0x4000  }
0x62: {  	[sflag:s14] =	ssyncset.done $0x0  }
0x63: {  	[sflag:s14] =	ssyncadd.s32 $0xFFFFC000  }
0x64: {  	_ =	swait.ge [sflag:s19], $0x4000  }
0x65: {  	[sflag:s19] =	ssyncset.done $0x0  }
0x66: {  	s26 =	simm.s32 $0x0;
	[sflag:s19] =	ssyncadd.s32 $0xFFFFC000  }
0x67: {  	[tilespmem:s26], [sflag:$0x3] =	stream.linear.gather [hbm4b:s9+s26], $0x1400, $0x38;
	[tilespmem:$0x1E400] =	vst v63  }
0x68: {  	_ =	swait.ge [sflag:s14], $0x1400  }
0x69: {  	[sflag:s14] =	ssyncset.done $0x0  }
0x6a: {  	[sflag:s14] =	ssyncadd.s32 $0xFFFFEC00  }
0x6b: {  	[tilespmem:s15], [sflag:$0x3] =	stream.linear.gather [hbm4b:s10+s26], $0x1400, $0x38;
	[tilespmem:$0x1E400] =	vst v63  }
0x6c: {  	_ =	swait.ge [sflag:s14], $0x1400  }
0x6d: {  	[sflag:s14] =	ssyncset.done $0x0  }
0x6e: {  	[sflag:s14] =	ssyncadd.s32 $0xFFFFEC00  }
0x6f: {  	[tilespmem:s17], [sflag:$0x1] =	stream.indirect.gather [hbm4b:s4+s16], $0x80, s26, s16, $0xb8;
	[tilespmem:$0x1E400] =	vst v63  }
0x70: {  	s28 =	simm.s32 $0x80  }
0x71: {  	[tilespmem:s18], [sflag:$0x2] =	stream.indirect.gather [hbm4b:s4+s16], $0x80, s28, s16, $0xb8;
	[tilespmem:$0x1E400] =	vst v63  }
0x72: {  	_ =	swait.ge [sflag:s19], $0x4000  }
0x73: {  	[sflag:s19] =	ssyncset.done $0x0  }
0x74: {  	s29 =	simm.s32 $0x1400;
	[sflag:s19] =	ssyncadd.s32 $0xFFFFC000  }
0x75: {  	[spmem:s2] =	stream.indirect.scatter.add.f32 [tilespmem:s17], [sflag:$0x3], $0x80, s29, s16, $0xb8;
	[tilespmem:$0x1E400] =	vst v63  }
0x76: {  	_ =	swait.ge [sflag:s14], $0x4000  }
0x77: {  	[sflag:s14] =	ssyncset.done $0x0  }
0x78: {  	s30 =	simm.s32 $0x100;
	[sflag:s14] =	ssyncadd.s32 $0xFFFFC000  }
0x79: {  	[tilespmem:s17], [sflag:$0x1] =	stream.indirect.gather [hbm4b:s4+s16], $0x80, s30, s16, $0xb8;
	[tilespmem:$0x1E400] =	vst v63  }
0x7a: {  	_ =	swait.ge [sflag:s20], $0x4000  }
0x7b: {  	[sflag:s20] =	ssyncset.done $0x0  }
0x7c: {  	s31 =	simm.s32 $0x1480;
	[sflag:s20] =	ssyncadd.s32 $0xFFFFC000  }
0x7d: {  	[spmem:s2] =	stream.indirect.scatter.add.f32 [tilespmem:s18], [sflag:$0x3], $0x80, s31, s16, $0xb8;
	[tilespmem:$0x1E400] =	vst v63  }
0x7e: {  	_ =	swait.ge [sflag:s14], $0x4000  }
0x7f: {  	s25 =	simm.s32 $0x100;
	s26 =	simm.s32 $0x800;
	[sflag:s14] =	ssyncset.done $0x0  }
.LBB2_4:
0x80: {  	s28 =	sadd.s32 $0x80, s25  }
0x81: {  	[sflag:s14] =	ssyncadd.s32 $0xFFFFC000;
	s29 =	smov.u32 s26;
	s30 =	sadd.s32 $0x400, s26  }
0x82: {  	[tilespmem:s18], [sflag:$0x2] =	stream.indirect.gather [hbm4b:s4+s16], $0x80, s28, s16, $0xb8;
	[tilespmem:$0x1E400] =	vst v63  }
0x83: {  	p0 =	sne.s32 s26, $0x4800;
	_ =	swait.ge [sflag:s19], $0x4000  }
0x84: {  	[sflag:s19] =	ssyncset.done $0x0  }
0x85: {  	s26 =	sadd.s32 $0x1400, s25;
	[sflag:s19] =	ssyncadd.s32 $0xFFFFC000  }
0x86: {  	[spmem:s2] =	stream.indirect.scatter.add.f32 [tilespmem:s17], [sflag:$0x3], $0x80, s26, s16, $0xb8;
	[tilespmem:$0x1E400] =	vst v63  }
0x87: {  	_ =	swait.ge [sflag:s14], $0x4000  }
0x88: {  	[sflag:s14] =	ssyncset.done $0x0  }
0x89: {  	s26 =	sadd.s32 $0x100, s25;
	[sflag:s14] =	ssyncadd.s32 $0xFFFFC000  }
0x8a: {  	[tilespmem:s17], [sflag:$0x1] =	stream.indirect.gather [hbm4b:s4+s16], $0x80, s26, s16, $0xb8;
	[tilespmem:$0x1E400] =	vst v63  }
0x8b: {  	_ =	swait.ge [sflag:s20], $0x4000  }
.Ltmp1:
0x8c: {  	[sflag:s20] =	ssyncset.done $0x0;
	(pc) =	sbr.rel @p0 .LBB2_4-.Ltmp1, $4  }
0x8d: {  	s25 =	sadd.s32 $0x1480, s25;
	[sflag:s20] =	ssyncadd.s32 $0xFFFFC000  }
0x8e: {  	[spmem:s2] =	stream.indirect.scatter.add.f32 [tilespmem:s18], [sflag:$0x3], $0x80, s25, s16, $0xb8;
	[tilespmem:$0x1E400] =	vst v63  }
0x8f: {  	_ =	swait.ge [sflag:s14], $0x4000  }
0x90: {  	s26 =	smov.u32 s30;
	s25 =	sshra.s32 s29, $0x2;
	[sflag:s14] =	ssyncset.done $0x0  }
0x91: {  	s26 =	sadd.s32 $0x80, s25;
	[sflag:s14] =	ssyncadd.s32 $0xFFFFC000  }
0x92: {  	[tilespmem:s18], [sflag:$0x2] =	stream.indirect.gather [hbm4b:s4+s16], $0x80, s26, s16, $0xb8;
	[tilespmem:$0x1E400] =	vst v63  }
0x93: {  	_ =	swait.ge [sflag:s19], $0x4000  }
0x94: {  	[sflag:s19] =	ssyncset.done $0x0  }
0x95: {  	s29 =	sadd.s32 $0x1400, s25;
	[sflag:s19] =	ssyncadd.s32 $0xFFFFC000  }
0x96: {  	[spmem:s2] =	stream.indirect.scatter.add.f32 [tilespmem:s17], [sflag:$0x3], $0x80, s29, s16, $0xb8;
	[tilespmem:$0x1E400] =	vst v63  }
0x97: {  	_ =	swait.ge [sflag:s14], $0x4000  }
0x98: {  	[sflag:s14] =	ssyncset.done $0x0  }
0x99: {  	s30 =	sadd.s32 $0x100, s25;
	[sflag:s14] =	ssyncadd.s32 $0xFFFFC000  }
0x9a: {  	[tilespmem:s17], [sflag:$0x1] =	stream.indirect.gather [hbm4b:s4+s16], $0x80, s30, s16, $0xb8;
	[tilespmem:$0x1E400] =	vst v63  }
0x9b: {  	_ =	swait.ge [sflag:s20], $0x4000  }
0x9c: {  	[sflag:s20] =	ssyncset.done $0x0  }
0x9d: {  	s31 =	sadd.s32 $0x1480, s25;
	[sflag:s20] =	ssyncadd.s32 $0xFFFFC000  }
0x9e: {  	[spmem:s2] =	stream.indirect.scatter.add.f32 [tilespmem:s18], [sflag:$0x3], $0x80, s31, s16, $0xb8;
	[tilespmem:$0x1E400] =	vst v63  }
0x9f: {  	_ =	swait.ge [sflag:s14], $0x4000  }
0xa0: {  	[sflag:s14] =	ssyncset.done $0x0  }
0xa1: {  	[sflag:s14] =	ssyncadd.s32 $0xFFFFC000  }
0xa2: {  	[tilespmem:s18], [sflag:$0x2] =	stream.indirect.gather [hbm4b:s4+s16], $0x80, s21, s16, $0xb8;
	[tilespmem:$0x1E400] =	vst v63  }
0xa3: {  	_ =	swait.ge [sflag:s19], $0x4000  }
0xa4: {  	[sflag:s19] =	ssyncset.done $0x0  }
0xa5: {  	[sflag:s19] =	ssyncadd.s32 $0xFFFFC000  }
0xa6: {  	[spmem:s2] =	stream.indirect.scatter.add.f32 [tilespmem:s17], [sflag:$0x3], $0x80, s22, s16, $0xb8;
	[tilespmem:$0x1E400] =	vst v63  }
0xa7: {  	_ =	swait.ge [sflag:s14], $0x4000  }
0xa8: {  	[sflag:s14] =	ssyncset.done $0x0  }
0xa9: {  	[sflag:s14] =	ssyncadd.s32 $0xFFFFC000  }
0xaa: {  	[tilespmem:s17], [sflag:$0x1] =	stream.indirect.gather [hbm4b:s4+s16], $0x80, s21, s16, $0xb8;
	[tilespmem:$0x1E400] =	vst v63  }
0xab: {  	_ =	swait.ge [sflag:s20], $0x4000  }
0xac: {  	[sflag:s20] =	ssyncset.done $0x0  }
0xad: {  	[sflag:s20] =	ssyncadd.s32 $0xFFFFC000  }
0xae: {  	[spmem:s2] =	stream.indirect.scatter.add.f32 [tilespmem:s18], [sflag:$0x3], $0x80, s23, s16, $0xb8;
	[tilespmem:$0x1E400] =	vst v63  }
0xaf: {  	_ =	swait.ge [sflag:s14], $0x4000  }
0xb0: {  	[sflag:s14] =	ssyncset.done $0x0  }
0xb1: {  	[sflag:s14] =	ssyncadd.s32 $0xFFFFC000  }
0xb2: {  	_ =	swait.ge [sflag:s19], $0x4000  }
0xb3: {  	s24 =	sadd.s32 $0x1, s24;
	[sflag:s19] =	ssyncset.done $0x0  }
0xb4: {  	p0 =	sne.s32 s24, s12;
	[sflag:s19] =	ssyncadd.s32 $0xFFFFC000  }
.Ltmp2:
0xb5: {  	[bflag:$0x0] =	sbarrier.arrive $0xFFFF;
	(pc) =	sbr.rel @p0 .LBB2_1-.Ltmp2, $4  }
0xb6: {  	[hbm:s11], [sflag:s6] =	dma.local [spmem:s13], $0x2780  }
0xb7: {  	_ =	swait.ge [sflag:s14], $0x2780  }
0xb8: {  	[sflag:s14] =	ssyncset.done $0x0  }
0xb9: {  	[sflag:s14] =	ssyncadd.s32 $0xFFFFD880  }
0xba: {  	_ =	sfence.sel $0x180000  }
0xbb: {  	[bflag:$0x0] =	sbarrier.arrive $0xFFFF  }
0xbc: {  	p0 =	sne.s32 s1, $0x0;
	_ =	strace $0x9000004A  }
0xbd: {  	s0 =	sadd.s32 @!p0 $0x100000, s0;
	[bflag:$0x2] =	sbarrier.arrive $0xFFFF  }
0xbe: {  	[sflag:s0] =	ssyncadd.tile.s32 @!p0 $0x1;
	_ =	shalt  }
.Lfunc_end2:
_tile_overlayer_lowered:
.L_overlay_start_2:
0xbf: {  	(tag) =	ssettag $0x2  }
0xc0: {  	s0 =	rddreg [dreg:$0x0];
	s2 =	stileid.u32  }
0xc1: {  	s1 =	rddreg [dreg:$0x1];
	p0 =	sne.s32 s2, $0x0  }
0xc2: {  	s3 =	rddreg [dreg:$0x2];
	[bflag:$0x3] =	sbarrier.arrive $0xFFFF;
	s2 =	simm.s32 @!p0 $0x1C03  }
0xc3: {  	[timem:s3], [sflag:s2] =	dma.local @!p0 [hbm:s0], s1  }
0xc4: {  	s0 =	simm.s32 @!p0 $0x3  }
0xc5: {  	_ =	swait.ge @!p0 [sflag:s0], s1  }
0xc6: {  	s1 =	ssub.s32 @!p0 $0x0, s1;
	[sflag:s0] =	ssyncset.done @!p0 $0x0  }
0xc7: {  	[sflag:s0] =	ssyncadd.s32 @!p0 s1  }
0xc8: {  	[bflag:$0x3] =	sbarrier.arrive $0xFFFF  }
0xc9: {  	_ =	shalt  }

// kernel: kernel.16.cloned.1.call-start
scs
__scs_entry_jumppad:
0x0: {  	(pc) =	sbr.rel $0x88, $3  }
0x1: {  	(tag) =	ssettag $0x0;
	lr =	simm.s32 $0x1  }
0x2: {  	[smem:$0x3F99] =	sst lr;
	_ =	strace $0xD0000000  }
0x3: {  	_ = 	snop  }
0x4: {  	_ = 	snop  }
0x5: {  	_ = 	snop  }
0x6: {  	_ = 	snop  }
0x7: {  	_ = 	snop  }
__scs_overlays_trampoline_lowered:
0x8: {  	[smem:$0x3FA8] =	sst s0  }
0x9: {  	[smem:$0x3FA9] =	sst s1  }
0xa: {  	[smem:$0x3FAA] =	sst s2  }
0xb: {  	[smem:$0x3FAB] =	sst s3  }
0xc: {  	[smem:$0x3FAC] =	sst s4  }
0xd: {  	[smem:$0x3FAD] =	sst s5  }
0xe: {  	[smem:$0x3FAE] =	sst s6  }
0xf: {  	[smem:$0x3FAF] =	sst s7  }
0x10: {  	[smem:$0x3FB0] =	sst s8  }
0x11: {  	[smem:$0x3FB1] =	sst s9;
	s0 =	simm.s32 @!p0 $0x0  }
0x12: {  	s1 =	sld [smem:$0x3F97];
	s0 =	simm.s32 @p0 $0x1  }
0x13: {  	[smem:$0x3FB2] =	sst s0;
	s0 =	simm.s32 @!p1 $0x0  }
0x14: {  	s2 =	sld [smem:$0x3F96];
	s0 =	simm.s32 @p1 $0x1  }
0x15: {  	[smem:$0x3FB3] =	sst s0;
	s0 =	simm.s32 @!p2 $0x0  }
0x16: {  	s3 =	sld [smem:$0x3FDB];
	s0 =	simm.s32 @p2 $0x1  }
0x17: {  	s4 =	simm.s32 $0x1BF5;
	[smem:$0x3FB5] =	sst s0  }
0x18: {  	s0 =	sld [smem:$0x3F98];
	_ =	swait.ge [sflag:s4], $0x0  }
0x19: {  	s7 =	sld [smem:$0x3F99]  }
0x1a: {  	s8 =	sadd.s32 $0xFFFFE003, lr  }
0x1b: {  	s9 =	sadd.s32 $0xFFFFFEF7, lr;
	s5 =	simm.s32 $0xFFFFFFFF;
	p2 =	slt.u32 s8, $0xFFFFF086  }
0x1c: {  	p1 =	slt.u32 s9, $0xF7A;
	s5 =	simm.s32 @!p2 $0x0  }
0x1d: {  	s5 =	simm.s32 @p1 $0x1;
	p0 =	seq.s32 s7, s2  }
0x1e: {  	s7 =	smul.u32 @!p0 $0xF7A, s2;
	p2 =	seq.s32 @!p0 s5, $0x0  }
0x1f: {  	s9 =	smul.u32 $0xF7A, s1;
	s8 =	simm.s32 @!p0 $0x1BF5;
	p2 =	por !p2, p0  }
0x20: {  	[sflag:s8] =	ssyncset.s32 @!p0 $0xFFFFF086;
	s6 =	sadd.s32 @!p0 s3, s7;
	s7 =	simm.s32 @!p0 $0x108  }
0x21: {  	s3 =	sadd.s32 s3, s9;
	s6 =	sadd.s32 @!p0 $0x88, s6;
	s7 =	simm.s32 @p2 $0x1082  }
0x22: {  	[simem:s7], [sflag:s8] =	dma.local @!p0 [hbm:s6], $0xF7A  }
0x23: {  	s9 =	sor.u32 $0xD0000000, s2;
	s6 =	simm.s32 $0x108;
	_ =	swait.ge @!p0 [sflag:s8], $0x0  }
0x24: {  	s3 =	sadd.s32 $0x88, s3;
	s6 =	simm.s32 @!p1 $0x1082;
	[sflag:s4] =	ssyncset.s32 $0xFFFFF086  }
0x25: {  	[simem:s6], [sflag:s4] =	dma.local [hbm:s3], $0xF7A  }
0x26: {  	[smem:$0x3F99] =	sst s1;
	(tag) =	ssettag s2;
	_ =	strace s9  }
0x27: {  	s1 =	sld [smem:$0x3FA9]  }
0x28: {  	s2 =	sld [smem:$0x3FAA]  }
0x29: {  	s4 =	sld [smem:$0x3FAC]  }
0x2a: {  	p0 =	seq.s32 s5, $0x0;
	s5 =	sld [smem:$0x3FAD]  }
0x2b: {  	s6 =	sld [smem:$0x3FAE]  }
0x2c: {  	s7 =	sld [smem:$0x3FAF]  }
0x2d: {  	s3 =	simm.s32 $0x108;
	s8 =	sld [smem:$0x3FB0]  }
0x2e: {  	s3 =	simm.s32 @!p0 $0x1082;
	s9 =	sld [smem:$0x3FB1]  }
0x2f: {  	lr =	sadd.s32 s0, s3;
	s0 =	sld [smem:$0x3FA8]  }
0x30: {  	s3 =	sld [smem:$0x3FAB]  }
0x31: {  	[smem:$0x3FB4] =	sst s10  }
0x32: {  	s10 =	sld [smem:$0x3FB2];
	_ =	sdelay $0x3  }
0x33: {  	p0 =	seq.s32 s10, $0x1;
	s10 =	sld [smem:$0x3FB4];
	_ =	sdelay $0x3  }
0x34: {  	[smem:$0x3FB4] =	sst s10  }
0x35: {  	s10 =	sld [smem:$0x3FB3];
	_ =	sdelay $0x3  }
0x36: {  	p1 =	seq.s32 s10, $0x1;
	s10 =	sld [smem:$0x3FB4];
	_ =	sdelay $0x3  }
0x37: {  	[smem:$0x3FB4] =	sst s10  }
0x38: {  	s10 =	sld [smem:$0x3FB5]  }
0x39: {  	_ = 	snop;
	(pc) =	sbr.ind lr, $3  }
0x3a: {  	_ = 	snop  }
0x3b: {  	_ = 	snop  }
0x3c: {  	p2 =	seq.s32 s10, $0x1;
	s10 =	sld [smem:$0x3FB4]  }
0x3d: {  	_ =	shalt  }
0x3e: {  	_ =	shalt  }
0x3f: {  	_ =	shalt  }
0x40: {  	_ =	shalt  }
0x41: {  	_ =	shalt  }
0x42: {  	_ =	shalt  }
0x43: {  	_ =	shalt  }
0x44: {  	_ =	shalt  }
0x45: {  	_ =	shalt  }
0x46: {  	_ =	shalt  }
0x47: {  	_ =	shalt  }
0x48: {  	_ =	shalt  }
0x49: {  	_ =	shalt  }
0x4a: {  	_ =	shalt  }
0x4b: {  	_ =	shalt  }
0x4c: {  	_ =	shalt  }
0x4d: {  	_ =	shalt  }
0x4e: {  	_ =	shalt  }
0x4f: {  	_ =	shalt  }
0x50: {  	_ =	shalt  }
0x51: {  	_ =	shalt  }
0x52: {  	_ =	shalt  }
0x53: {  	_ =	shalt  }
0x54: {  	_ =	shalt  }
0x55: {  	_ =	shalt  }
0x56: {  	_ =	shalt  }
0x57: {  	_ =	shalt  }
0x58: {  	_ =	shalt  }
0x59: {  	_ =	shalt  }
0x5a: {  	_ =	shalt  }
0x5b: {  	_ =	shalt  }
0x5c: {  	_ =	shalt  }
0x5d: {  	_ =	shalt  }
0x5e: {  	_ =	shalt  }
0x5f: {  	_ =	shalt  }
0x60: {  	_ =	shalt  }
0x61: {  	_ =	shalt  }
0x62: {  	_ =	shalt  }
0x63: {  	_ =	shalt  }
0x64: {  	_ =	shalt  }
0x65: {  	_ =	shalt  }
0x66: {  	_ =	shalt  }
0x67: {  	_ =	shalt  }
0x68: {  	_ =	shalt  }
0x69: {  	_ =	shalt  }
0x6a: {  	_ =	shalt  }
0x6b: {  	_ =	shalt  }
0x6c: {  	_ =	shalt  }
0x6d: {  	_ =	shalt  }
0x6e: {  	_ =	shalt  }
0x6f: {  	_ =	shalt  }
0x70: {  	_ =	shalt  }
0x71: {  	_ =	shalt  }
0x72: {  	_ =	shalt  }
0x73: {  	_ =	shalt  }
0x74: {  	_ =	shalt  }
0x75: {  	_ =	shalt  }
0x76: {  	_ =	shalt  }
0x77: {  	_ =	shalt  }
0x78: {  	_ =	shalt  }
0x79: {  	_ =	shalt  }
0x7a: {  	_ =	shalt  }
0x7b: {  	_ =	shalt  }
0x7c: {  	_ =	shalt  }
0x7d: {  	_ =	shalt  }
0x7e: {  	_ =	shalt  }
0x7f: {  	_ =	shalt  }
0x80: {  	_ =	shalt  }
0x81: {  	_ =	shalt  }
0x82: {  	_ =	shalt  }
0x83: {  	_ =	shalt  }
0x84: {  	_ =	shalt  }
0x85: {  	_ =	shalt  }
0x86: {  	_ =	shalt  }
0x87: {  	_ =	shalt  }
.Lfunc_end0:
.L_simem_size_0:
called_computation.2_lowered:
.L_overlay_start_0:
0x88: {  	s2 =	sld [smem:$0x3FD9]  }
0x89: {  	s3 =	sld [smem:$0x3FFE];
	_ =	sdelay $0x1  }
0x8a: {  	s1 =	srdreg.scid  }
0x8b: {  	s0 =	sand.u32 $0x1, s1  }
0x8c: {  	s17 =	sshll.u32 s0, $0xA;
	s2 =	sadd.s32 s3, s2  }
0x8d: {  	s2 =	sadd.s32 s2, s17  }
0x8e: {  	[smem:$0x3FC0] =	sst s2  }
0x8f: {  	_ = 	snop  }
0x90: {  	s2 =	sld [smem:$0x3FD0];
	(tm) =	ssettm $0x1  }
0x91: {  	s18 =	sld [smem:$0x3FFB];
	_ =	sdelay $0x3  }
0x92: {  	_ =	strace s18  }
0x93: {  	s3 =	sld [smem:$0x3FFC];
	_ =	sdelay $0x3  }
0x94: {  	_ =	strace s3  }
0x95: {  	s3 =	sld [smem:$0x3FFD];
	_ =	sdelay $0x3  }
0x96: {  	_ =	strace s3  }
0x97: {  	_ =	strace $0x8FFFFFFF  }
0x98: {  	s19 =	sld [smem:$0x3FDB];
	_ =	sdelay $0x1  }
0x99: {  	s4 =	simm.s32 $_scs_section_size  }
0x9a: {  	s5 =	simm.s32 $_size__tile_overlayer_lowered;
	s6 =	simm.s32 $_tile_overlayer_lowered  }
0x9b: {  	s22 =	simm.s32 $0x1BFF;
	s21 =	sshll.u32 s6, $0x1;
	s3 =	sadd.s32 s4, s19  }
0x9c: {  	s7 =	simm.s32 $0x0;
	s20 =	sshll.u32 s5, $0x1;
	s5 =	sadd.s32 s21, s3  }
0x9d: {  	[timem:s7], [sflag:s22] =	dma.local [hbm:s5], s20  }
0x9e: {  	_ =	swait.ge [sflag:s22], s20  }
0x9f: {  	s4 =	ssub.s32 $0x0, s20;
	[sflag:s22] =	ssyncset.done $0x0  }
0xa0: {  	[sflag:s22] =	ssyncadd.s32 s4;
	_ =	sdelay $0x1  }
0xa1: {  	s23 =	simm.s32 $0x1B8B  }
0xa2: {  	_ =	swait.ge [sflag:s23], $0x1  }
0xa3: {  	[sflag:s23] =	ssyncset.done $0x0  }
0xa4: {  	s25 =	simm.s32 $0x1B8E;
	s24 =	sld [smem:$0x3FFE];
	[sflag:s23] =	ssyncadd.s32 $0xFFFFFFFF  }
0xa5: {  	s26 =	simm.s32 $execute0_lowered;
	[smem:$0x3FD2] =	sst s25  }
0xa6: {  	s5 =	sshll.u32 s26, $0x1;
	_ =	strace $0x8000004C;
	[dreg:$0x1] =	wrdreg $0xFFFFFFFF  }
0xa7: {  	s28 =	simm.s32 $_size_execute0_lowered;
	s3 =	sadd.s32 s3, s5;
	[dreg:$0x0] =	wrdreg $0x0  }
0xa8: {  	s5 =	sshll.u32 s28, $0x1;
	[dreg:$0x2] =	wrdreg s3  }
0xa9: {  	[dreg:$0x3] =	wrdreg s5  }
0xaa: {  	[dreg:$0x4] =	wrdreg $0xC0  }
0xab: {  	_ =	task [dreg:s7], $0x5FFFF  }
0xac: {  	[dreg:$0x1] =	wrdreg $0xFFFFFFFF  }
0xad: {  	[dreg:$0x0] =	wrdreg $0x60  }
0xae: {  	[dreg:$0x2] =	wrdreg s24  }
0xaf: {  	[dreg:$0x3] =	wrdreg s2  }
0xb0: {  	[dreg:$0x4] =	wrdreg $0xA8000  }
0xb1: {  	[dreg:$0x5] =	wrdreg $0x9  }
0xb2: {  	_ =	task.clear_ibuf [dreg:s7], $0x6FFFF;
	_ =	strace $0x9000004C  }
0xb3: {  	s29 =	simm.s32 $0x9;
	_ =	strace $0x8000004E  }
0xb4: {  	_ =	swait.ge [sflag:s29], $0x1  }
0xb5: {  	[sflag:s29] =	ssyncadd.s32 $0xFFFFFFFF  }
0xb6: {  	_ =	strace $0x9000004E  }
0xb7: {  	_ =	sfence  }
0xb8: {  	s30 =	sld [smem:$0x0];
	_ =	sdelay $0x2  }
0xb9: {  	s31 =	sshll.u32 s1, $0xD;
	s1 =	sshrl.u32 s1, $0x2  }
0xba: {  	s3 =	sand.u32 $0x4000, s31;
	s1 =	sadd.s32 s1, s30  }
0xbb: {  	s0 =	sor.u32 s3, s0;
	s1 =	sshll.u32 s1, $0x11  }
0xbc: {  	s0 =	sor.u32 s1, s0  }
0xbd: {  	s0 =	sadd.s32 $0x8F2B, s0  }
0xbe: {  	[sflag:s0] =	ssyncadd.remote.s32 $0x1  }
0xbf: {  	_ =	sfence.sel $0xFFFF  }
0xc0: {  	[dreg:$0x0] =	wrdreg $0xFFFFFFFF;
	(pc) =	sbr.abs _section_cstart, $3  }
0xc1: {  	[dreg:$0x1] =	wrdreg $0xFFFFFFFF  }
0xc2: {  	_ =	task.clear_ibuf [dreg:s7], $0x2FFFF;
	_ =	strace $0x9FFFFFFF  }
0xc3: {  	(tm) =	ssettm $0x7FFFFFFF  }
tec
execute0_lowered:
.L_overlay_start_1:
0x0: {  	(tag) =	ssettag $0x1  }
0x1: {  	s5 =	rddreg [dreg:$0x0]  }
0x2: {  	s10 =	rddreg [dreg:$0x1]  }
0x3: {  	s2 =	rddreg [dreg:$0x2]  }
0x4: {  	s0 =	rddreg [dreg:$0x3];
	s4 =	srdreg.scid  }
0x5: {  	s1 =	stileid.u32;
	s3 =	simm.s32 $0x0;
	s15 =	simm.s32 $0x1400  }
0x6: {  	s16 =	simm.s32 $0x80;
	s17 =	simm.s32 $0x2800;
	s18 =	simm.s32 $0x6800  }
0x7: {  	s19 =	simm.s32 $0x1;
	s20 =	simm.s32 $0x2;
	s21 =	simm.s32 $0x1380  }
0x8: {  	s22 =	simm.s32 $0x2700;
	s23 =	simm.s32 $0x2780;
	s24 =	simm.s32 $0x0  }
0x9: {  	s6 =	sand.u32 $0x1, s4;
	s7 =	smul.u32 $0x13C00, s1;
	[smem:$0x7FF] =	sst s3  }
0xa: {  	s4 =	sadd.s32 $0x17200, s5;
	s9 =	sadd.s32 $0xD200, s5;
	s11 =	smul.u32 $0x4F000, s1  }
0xb: {  	s12 =	sshll.u32 s1, $0x1;
	s29 =	sshll.u32 s1, $0x6;
	s8 =	smul.u32 $0x13C000, s6  }
0xc: {  	_ =	strace $0x8000004D;
	s13 =	ssub.s32 $0x2, s6;
	s6 =	sor.u32 s6, s12  }
0xd: {  	s25 =	sshrl.u32 s13, $0x1;
	s11 =	sshrl.u32 s11, $0x2;
	s6 =	smul.u32 $0x2800, s6  }
0xe: {  	s28 =	sshrl.u32 s7, $0x3;
	s8 =	sadd.s32 s7, s8;
	s12 =	ssub.s32 s13, s25  }
0xf: {  	s26 =	sadd.s32 s11, s2;
	s8 =	sshrl.u32 s8, $0x3;
	s30 =	sshrl.u32 s6, $0x3  }
0x10: {  	s6 =	sor.u32 $0x1C03, s29;
	s12 =	smax.u32 s12, $0x1;
	s13 =	sshrl.u32 s26, $0x3  }
0x11: {  	s14 =	sadd.s32 s8, s5;
	s5 =	sadd.s32 s4, s28;
	s31 =	sadd.s32 $0x280, s30  }
0x12: {  	s7 =	sadd.s32 s9, s30;
	s8 =	sadd.s32 s10, s30;
	s9 =	sadd.s32 s9, s31  }
0x13: {  	s10 =	sadd.s32 s10, s31;
	s11 =	sadd.s32 $0x3EA00, s14;
	s14 =	simm.s32 $0x3  }
.LBB2_1:
0x14: {  	[spmem:s13], [sflag:s6] =	dma.local [hbm:s5], $0x2780  }
0x15: {  	_ =	swait.ge [sflag:s14], $0x2780  }
0x16: {  	[sflag:s14] =	ssyncset.done $0x0  }
0x17: {  	[sflag:s14] =	ssyncadd.s32 $0xFFFFD880  }
0x18: {  	[bflag:$0x0] =	sbarrier.arrive $0xFFFF  }
0x19: {  	[tilespmem:s3], [sflag:$0x3] =	stream.linear.gather [hbm4b:s7+s3], $0x1400, $0x38;
	[tilespmem:$0x1E400] =	vst v63  }
0x1a: {  	_ =	swait.ge [sflag:s14], $0x1400  }
0x1b: {  	[sflag:s14] =	ssyncset.done $0x0  }
0x1c: {  	[sflag:s14] =	ssyncadd.s32 $0xFFFFEC00  }
0x1d: {  	[tilespmem:s15], [sflag:$0x3] =	stream.linear.gather [hbm4b:s8+s3], $0x1400, $0x38;
	[tilespmem:$0x1E400] =	vst v63  }
0x1e: {  	_ =	swait.ge [sflag:s14], $0x1400  }
0x1f: {  	[sflag:s14] =	ssyncset.done $0x0  }
0x20: {  	[sflag:s14] =	ssyncadd.s32 $0xFFFFEC00  }
0x21: {  	[tilespmem:s17], [sflag:$0x1] =	stream.indirect.gather [hbm4b:s4+s16], $0x80, s3, s16, $0xb8;
	[tilespmem:$0x1E400] =	vst v63  }
0x22: {  	s25 =	simm.s32 $0x80  }
0x23: {  	[tilespmem:s18], [sflag:$0x2] =	stream.indirect.gather [hbm4b:s4+s16], $0x80, s25, s16, $0xb8;
	[tilespmem:$0x1E400] =	vst v63  }
0x24: {  	_ =	swait.ge [sflag:s19], $0x4000  }
0x25: {  	[sflag:s19] =	ssyncset.done $0x0  }
0x26: {  	s29 =	simm.s32 $0x1400;
	[sflag:s19] =	ssyncadd.s32 $0xFFFFC000  }
0x27: {  	[spmem:s2] =	stream.indirect.scatter.add.f32 [tilespmem:s17], [sflag:$0x3], $0x80, s29, s16, $0xb8;
	[tilespmem:$0x1E400] =	vst v63  }
0x28: {  	_ =	swait.ge [sflag:s14], $0x4000  }
0x29: {  	[sflag:s14] =	ssyncset.done $0x0  }
0x2a: {  	s30 =	simm.s32 $0x100;
	[sflag:s14] =	ssyncadd.s32 $0xFFFFC000  }
0x2b: {  	[tilespmem:s17], [sflag:$0x1] =	stream.indirect.gather [hbm4b:s4+s16], $0x80, s30, s16, $0xb8;
	[tilespmem:$0x1E400] =	vst v63  }
0x2c: {  	_ =	swait.ge [sflag:s20], $0x4000  }
0x2d: {  	[sflag:s20] =	ssyncset.done $0x0  }
0x2e: {  	s31 =	simm.s32 $0x1480;
	[sflag:s20] =	ssyncadd.s32 $0xFFFFC000  }
0x2f: {  	[spmem:s2] =	stream.indirect.scatter.add.f32 [tilespmem:s18], [sflag:$0x3], $0x80, s31, s16, $0xb8;
	[tilespmem:$0x1E400] =	vst v63  }
0x30: {  	_ =	swait.ge [sflag:s14], $0x4000  }
0x31: {  	s26 =	simm.s32 $0x800;
	s25 =	simm.s32 $0x100;
	[sflag:s14] =	ssyncset.done $0x0  }
.LBB2_2:
0x32: {  	s28 =	sadd.s32 $0x80, s25  }
0x33: {  	[sflag:s14] =	ssyncadd.s32 $0xFFFFC000;
	s29 =	smov.u32 s26;
	s30 =	sadd.s32 $0x400, s26  }
0x34: {  	[tilespmem:s18], [sflag:$0x2] =	stream.indirect.gather [hbm4b:s4+s16], $0x80, s28, s16, $0xb8;
	[tilespmem:$0x1E400] =	vst v63  }
0x35: {  	p0 =	sne.s32 s26, $0x4800;
	_ =	swait.ge [sflag:s19], $0x4000  }
0x36: {  	[sflag:s19] =	ssyncset.done $0x0  }
0x37: {  	s26 =	sadd.s32 $0x1400, s25;
	[sflag:s19] =	ssyncadd.s32 $0xFFFFC000  }
0x38: {  	[spmem:s2] =	stream.indirect.scatter.add.f32 [tilespmem:s17], [sflag:$0x3], $0x80, s26, s16, $0xb8;
	[tilespmem:$0x1E400] =	vst v63  }
0x39: {  	_ =	swait.ge [sflag:s14], $0x4000  }
0x3a: {  	[sflag:s14] =	ssyncset.done $0x0  }
0x3b: {  	s26 =	sadd.s32 $0x100, s25;
	[sflag:s14] =	ssyncadd.s32 $0xFFFFC000  }
0x3c: {  	[tilespmem:s17], [sflag:$0x1] =	stream.indirect.gather [hbm4b:s4+s16], $0x80, s26, s16, $0xb8;
	[tilespmem:$0x1E400] =	vst v63  }
0x3d: {  	_ =	swait.ge [sflag:s20], $0x4000  }
.Ltmp0:
0x3e: {  	[sflag:s20] =	ssyncset.done $0x0;
	(pc) =	sbr.rel @p0 .LBB2_2-.Ltmp0, $4  }
0x3f: {  	s25 =	sadd.s32 $0x1480, s25;
	[sflag:s20] =	ssyncadd.s32 $0xFFFFC000  }
0x40: {  	[spmem:s2] =	stream.indirect.scatter.add.f32 [tilespmem:s18], [sflag:$0x3], $0x80, s25, s16, $0xb8;
	[tilespmem:$0x1E400] =	vst v63  }
0x41: {  	_ =	swait.ge [sflag:s14], $0x4000  }
0x42: {  	s26 =	smov.u32 s30;
	s25 =	sshra.s32 s29, $0x2;
	[sflag:s14] =	ssyncset.done $0x0  }
0x43: {  	s26 =	sadd.s32 $0x80, s25;
	[sflag:s14] =	ssyncadd.s32 $0xFFFFC000  }
0x44: {  	[tilespmem:s18], [sflag:$0x2] =	stream.indirect.gather [hbm4b:s4+s16], $0x80, s26, s16, $0xb8;
	[tilespmem:$0x1E400] =	vst v63  }
0x45: {  	_ =	swait.ge [sflag:s19], $0x4000  }
0x46: {  	[sflag:s19] =	ssyncset.done $0x0  }
0x47: {  	s29 =	sadd.s32 $0x1400, s25;
	[sflag:s19] =	ssyncadd.s32 $0xFFFFC000  }
0x48: {  	[spmem:s2] =	stream.indirect.scatter.add.f32 [tilespmem:s17], [sflag:$0x3], $0x80, s29, s16, $0xb8;
	[tilespmem:$0x1E400] =	vst v63  }
0x49: {  	_ =	swait.ge [sflag:s14], $0x4000  }
0x4a: {  	[sflag:s14] =	ssyncset.done $0x0  }
0x4b: {  	s30 =	sadd.s32 $0x100, s25;
	[sflag:s14] =	ssyncadd.s32 $0xFFFFC000  }
0x4c: {  	[tilespmem:s17], [sflag:$0x1] =	stream.indirect.gather [hbm4b:s4+s16], $0x80, s30, s16, $0xb8;
	[tilespmem:$0x1E400] =	vst v63  }
0x4d: {  	_ =	swait.ge [sflag:s20], $0x4000  }
0x4e: {  	[sflag:s20] =	ssyncset.done $0x0  }
0x4f: {  	s31 =	sadd.s32 $0x1480, s25;
	[sflag:s20] =	ssyncadd.s32 $0xFFFFC000  }
0x50: {  	[spmem:s2] =	stream.indirect.scatter.add.f32 [tilespmem:s18], [sflag:$0x3], $0x80, s31, s16, $0xb8;
	[tilespmem:$0x1E400] =	vst v63  }
0x51: {  	_ =	swait.ge [sflag:s14], $0x4000  }
0x52: {  	[sflag:s14] =	ssyncset.done $0x0  }
0x53: {  	[sflag:s14] =	ssyncadd.s32 $0xFFFFC000  }
0x54: {  	[tilespmem:s18], [sflag:$0x2] =	stream.indirect.gather [hbm4b:s4+s16], $0x80, s21, s16, $0xb8;
	[tilespmem:$0x1E400] =	vst v63  }
0x55: {  	_ =	swait.ge [sflag:s19], $0x4000  }
0x56: {  	[sflag:s19] =	ssyncset.done $0x0  }
0x57: {  	[sflag:s19] =	ssyncadd.s32 $0xFFFFC000  }
0x58: {  	[spmem:s2] =	stream.indirect.scatter.add.f32 [tilespmem:s17], [sflag:$0x3], $0x80, s22, s16, $0xb8;
	[tilespmem:$0x1E400] =	vst v63  }
0x59: {  	_ =	swait.ge [sflag:s14], $0x4000  }
0x5a: {  	[sflag:s14] =	ssyncset.done $0x0  }
0x5b: {  	[sflag:s14] =	ssyncadd.s32 $0xFFFFC000  }
0x5c: {  	[tilespmem:s17], [sflag:$0x1] =	stream.indirect.gather [hbm4b:s4+s16], $0x80, s21, s16, $0xb8;
	[tilespmem:$0x1E400] =	vst v63  }
0x5d: {  	_ =	swait.ge [sflag:s20], $0x4000  }
0x5e: {  	[sflag:s20] =	ssyncset.done $0x0  }
0x5f: {  	[sflag:s20] =	ssyncadd.s32 $0xFFFFC000  }
0x60: {  	[spmem:s2] =	stream.indirect.scatter.add.f32 [tilespmem:s18], [sflag:$0x3], $0x80, s23, s16, $0xb8;
	[tilespmem:$0x1E400] =	vst v63  }
0x61: {  	_ =	swait.ge [sflag:s14], $0x4000  }
0x62: {  	[sflag:s14] =	ssyncset.done $0x0  }
0x63: {  	[sflag:s14] =	ssyncadd.s32 $0xFFFFC000  }
0x64: {  	_ =	swait.ge [sflag:s19], $0x4000  }
0x65: {  	[sflag:s19] =	ssyncset.done $0x0  }
0x66: {  	s26 =	simm.s32 $0x0;
	[sflag:s19] =	ssyncadd.s32 $0xFFFFC000  }
0x67: {  	[tilespmem:s26], [sflag:$0x3] =	stream.linear.gather [hbm4b:s9+s26], $0x1400, $0x38;
	[tilespmem:$0x1E400] =	vst v63  }
0x68: {  	_ =	swait.ge [sflag:s14], $0x1400  }
0x69: {  	[sflag:s14] =	ssyncset.done $0x0  }
0x6a: {  	[sflag:s14] =	ssyncadd.s32 $0xFFFFEC00  }
0x6b: {  	[tilespmem:s15], [sflag:$0x3] =	stream.linear.gather [hbm4b:s10+s26], $0x1400, $0x38;
	[tilespmem:$0x1E400] =	vst v63  }
0x6c: {  	_ =	swait.ge [sflag:s14], $0x1400  }
0x6d: {  	[sflag:s14] =	ssyncset.done $0x0  }
0x6e: {  	[sflag:s14] =	ssyncadd.s32 $0xFFFFEC00  }
0x6f: {  	[tilespmem:s17], [sflag:$0x1] =	stream.indirect.gather [hbm4b:s4+s16], $0x80, s26, s16, $0xb8;
	[tilespmem:$0x1E400] =	vst v63  }
0x70: {  	s28 =	simm.s32 $0x80  }
0x71: {  	[tilespmem:s18], [sflag:$0x2] =	stream.indirect.gather [hbm4b:s4+s16], $0x80, s28, s16, $0xb8;
	[tilespmem:$0x1E400] =	vst v63  }
0x72: {  	_ =	swait.ge [sflag:s19], $0x4000  }
0x73: {  	[sflag:s19] =	ssyncset.done $0x0  }
0x74: {  	s29 =	simm.s32 $0x1400;
	[sflag:s19] =	ssyncadd.s32 $0xFFFFC000  }
0x75: {  	[spmem:s2] =	stream.indirect.scatter.add.f32 [tilespmem:s17], [sflag:$0x3], $0x80, s29, s16, $0xb8;
	[tilespmem:$0x1E400] =	vst v63  }
0x76: {  	_ =	swait.ge [sflag:s14], $0x4000  }
0x77: {  	[sflag:s14] =	ssyncset.done $0x0  }
0x78: {  	s30 =	simm.s32 $0x100;
	[sflag:s14] =	ssyncadd.s32 $0xFFFFC000  }
0x79: {  	[tilespmem:s17], [sflag:$0x1] =	stream.indirect.gather [hbm4b:s4+s16], $0x80, s30, s16, $0xb8;
	[tilespmem:$0x1E400] =	vst v63  }
0x7a: {  	_ =	swait.ge [sflag:s20], $0x4000  }
0x7b: {  	[sflag:s20] =	ssyncset.done $0x0  }
0x7c: {  	s31 =	simm.s32 $0x1480;
	[sflag:s20] =	ssyncadd.s32 $0xFFFFC000  }
0x7d: {  	[spmem:s2] =	stream.indirect.scatter.add.f32 [tilespmem:s18], [sflag:$0x3], $0x80, s31, s16, $0xb8;
	[tilespmem:$0x1E400] =	vst v63  }
0x7e: {  	_ =	swait.ge [sflag:s14], $0x4000  }
0x7f: {  	s25 =	simm.s32 $0x100;
	s26 =	simm.s32 $0x800;
	[sflag:s14] =	ssyncset.done $0x0  }
.LBB2_4:
0x80: {  	s28 =	sadd.s32 $0x80, s25  }
0x81: {  	[sflag:s14] =	ssyncadd.s32 $0xFFFFC000;
	s29 =	smov.u32 s26;
	s30 =	sadd.s32 $0x400, s26  }
0x82: {  	[tilespmem:s18], [sflag:$0x2] =	stream.indirect.gather [hbm4b:s4+s16], $0x80, s28, s16, $0xb8;
	[tilespmem:$0x1E400] =	vst v63  }
0x83: {  	p0 =	sne.s32 s26, $0x4800;
	_ =	swait.ge [sflag:s19], $0x4000  }
0x84: {  	[sflag:s19] =	ssyncset.done $0x0  }
0x85: {  	s26 =	sadd.s32 $0x1400, s25;
	[sflag:s19] =	ssyncadd.s32 $0xFFFFC000  }
0x86: {  	[spmem:s2] =	stream.indirect.scatter.add.f32 [tilespmem:s17], [sflag:$0x3], $0x80, s26, s16, $0xb8;
	[tilespmem:$0x1E400] =	vst v63  }
0x87: {  	_ =	swait.ge [sflag:s14], $0x4000  }
0x88: {  	[sflag:s14] =	ssyncset.done $0x0  }
0x89: {  	s26 =	sadd.s32 $0x100, s25;
	[sflag:s14] =	ssyncadd.s32 $0xFFFFC000  }
0x8a: {  	[tilespmem:s17], [sflag:$0x1] =	stream.indirect.gather [hbm4b:s4+s16], $0x80, s26, s16, $0xb8;
	[tilespmem:$0x1E400] =	vst v63  }
0x8b: {  	_ =	swait.ge [sflag:s20], $0x4000  }
.Ltmp1:
0x8c: {  	[sflag:s20] =	ssyncset.done $0x0;
	(pc) =	sbr.rel @p0 .LBB2_4-.Ltmp1, $4  }
0x8d: {  	s25 =	sadd.s32 $0x1480, s25;
	[sflag:s20] =	ssyncadd.s32 $0xFFFFC000  }
0x8e: {  	[spmem:s2] =	stream.indirect.scatter.add.f32 [tilespmem:s18], [sflag:$0x3], $0x80, s25, s16, $0xb8;
	[tilespmem:$0x1E400] =	vst v63  }
0x8f: {  	_ =	swait.ge [sflag:s14], $0x4000  }
0x90: {  	s26 =	smov.u32 s30;
	s25 =	sshra.s32 s29, $0x2;
	[sflag:s14] =	ssyncset.done $0x0  }
0x91: {  	s26 =	sadd.s32 $0x80, s25;
	[sflag:s14] =	ssyncadd.s32 $0xFFFFC000  }
0x92: {  	[tilespmem:s18], [sflag:$0x2] =	stream.indirect.gather [hbm4b:s4+s16], $0x80, s26, s16, $0xb8;
	[tilespmem:$0x1E400] =	vst v63  }
0x93: {  	_ =	swait.ge [sflag:s19], $0x4000  }
0x94: {  	[sflag:s19] =	ssyncset.done $0x0  }
0x95: {  	s29 =	sadd.s32 $0x1400, s25;
	[sflag:s19] =	ssyncadd.s32 $0xFFFFC000  }
0x96: {  	[spmem:s2] =	stream.indirect.scatter.add.f32 [tilespmem:s17], [sflag:$0x3], $0x80, s29, s16, $0xb8;
	[tilespmem:$0x1E400] =	vst v63  }
0x97: {  	_ =	swait.ge [sflag:s14], $0x4000  }
0x98: {  	[sflag:s14] =	ssyncset.done $0x0  }
0x99: {  	s30 =	sadd.s32 $0x100, s25;
	[sflag:s14] =	ssyncadd.s32 $0xFFFFC000  }
0x9a: {  	[tilespmem:s17], [sflag:$0x1] =	stream.indirect.gather [hbm4b:s4+s16], $0x80, s30, s16, $0xb8;
	[tilespmem:$0x1E400] =	vst v63  }
0x9b: {  	_ =	swait.ge [sflag:s20], $0x4000  }
0x9c: {  	[sflag:s20] =	ssyncset.done $0x0  }
0x9d: {  	s31 =	sadd.s32 $0x1480, s25;
	[sflag:s20] =	ssyncadd.s32 $0xFFFFC000  }
0x9e: {  	[spmem:s2] =	stream.indirect.scatter.add.f32 [tilespmem:s18], [sflag:$0x3], $0x80, s31, s16, $0xb8;
	[tilespmem:$0x1E400] =	vst v63  }
0x9f: {  	_ =	swait.ge [sflag:s14], $0x4000  }
0xa0: {  	[sflag:s14] =	ssyncset.done $0x0  }
0xa1: {  	[sflag:s14] =	ssyncadd.s32 $0xFFFFC000  }
0xa2: {  	[tilespmem:s18], [sflag:$0x2] =	stream.indirect.gather [hbm4b:s4+s16], $0x80, s21, s16, $0xb8;
	[tilespmem:$0x1E400] =	vst v63  }
0xa3: {  	_ =	swait.ge [sflag:s19], $0x4000  }
0xa4: {  	[sflag:s19] =	ssyncset.done $0x0  }
0xa5: {  	[sflag:s19] =	ssyncadd.s32 $0xFFFFC000  }
0xa6: {  	[spmem:s2] =	stream.indirect.scatter.add.f32 [tilespmem:s17], [sflag:$0x3], $0x80, s22, s16, $0xb8;
	[tilespmem:$0x1E400] =	vst v63  }
0xa7: {  	_ =	swait.ge [sflag:s14], $0x4000  }
0xa8: {  	[sflag:s14] =	ssyncset.done $0x0  }
0xa9: {  	[sflag:s14] =	ssyncadd.s32 $0xFFFFC000  }
0xaa: {  	[tilespmem:s17], [sflag:$0x1] =	stream.indirect.gather [hbm4b:s4+s16], $0x80, s21, s16, $0xb8;
	[tilespmem:$0x1E400] =	vst v63  }
0xab: {  	_ =	swait.ge [sflag:s20], $0x4000  }
0xac: {  	[sflag:s20] =	ssyncset.done $0x0  }
0xad: {  	[sflag:s20] =	ssyncadd.s32 $0xFFFFC000  }
0xae: {  	[spmem:s2] =	stream.indirect.scatter.add.f32 [tilespmem:s18], [sflag:$0x3], $0x80, s23, s16, $0xb8;
	[tilespmem:$0x1E400] =	vst v63  }
0xaf: {  	_ =	swait.ge [sflag:s14], $0x4000  }
0xb0: {  	[sflag:s14] =	ssyncset.done $0x0  }
0xb1: {  	[sflag:s14] =	ssyncadd.s32 $0xFFFFC000  }
0xb2: {  	_ =	swait.ge [sflag:s19], $0x4000  }
0xb3: {  	s24 =	sadd.s32 $0x1, s24;
	[sflag:s19] =	ssyncset.done $0x0  }
0xb4: {  	p0 =	sne.s32 s24, s12;
	[sflag:s19] =	ssyncadd.s32 $0xFFFFC000  }
.Ltmp2:
0xb5: {  	[bflag:$0x0] =	sbarrier.arrive $0xFFFF;
	(pc) =	sbr.rel @p0 .LBB2_1-.Ltmp2, $4  }
0xb6: {  	[hbm:s11], [sflag:s6] =	dma.local [spmem:s13], $0x2780  }
0xb7: {  	_ =	swait.ge [sflag:s14], $0x2780  }
0xb8: {  	[sflag:s14] =	ssyncset.done $0x0  }
0xb9: {  	[sflag:s14] =	ssyncadd.s32 $0xFFFFD880  }
0xba: {  	_ =	sfence.sel $0x180000  }
0xbb: {  	[bflag:$0x0] =	sbarrier.arrive $0xFFFF  }
0xbc: {  	p0 =	sne.s32 s1, $0x0;
	_ =	strace $0x9000004D  }
0xbd: {  	s0 =	sadd.s32 @!p0 $0x100000, s0;
	[bflag:$0x2] =	sbarrier.arrive $0xFFFF  }
0xbe: {  	[sflag:s0] =	ssyncadd.tile.s32 @!p0 $0x1;
	_ =	shalt  }
.Lfunc_end2:
_tile_overlayer_lowered:
.L_overlay_start_2:
0xbf: {  	(tag) =	ssettag $0x2  }
0xc0: {  	s0 =	rddreg [dreg:$0x0];
	s2 =	stileid.u32  }
0xc1: {  	s1 =	rddreg [dreg:$0x1];
	p0 =	sne.s32 s2, $0x0  }
0xc2: {  	s3 =	rddreg [dreg:$0x2];
	[bflag:$0x3] =	sbarrier.arrive $0xFFFF;
	s2 =	simm.s32 @!p0 $0x1C03  }
0xc3: {  	[timem:s3], [sflag:s2] =	dma.local @!p0 [hbm:s0], s1  }
0xc4: {  	s0 =	simm.s32 @!p0 $0x3  }
0xc5: {  	_ =	swait.ge @!p0 [sflag:s0], s1  }
0xc6: {  	s1 =	ssub.s32 @!p0 $0x0, s1;
	[sflag:s0] =	ssyncset.done @!p0 $0x0  }
0xc7: {  	[sflag:s0] =	ssyncadd.s32 @!p0 s1  }
0xc8: {  	[bflag:$0x3] =	sbarrier.arrive $0xFFFF  }
0xc9: {  	_ =	shalt  }

// kernel: kernel.19.cloned.1.call-start
scs
__scs_entry_jumppad:
0x0: {  	(pc) =	sbr.rel $0x88, $3  }
0x1: {  	(tag) =	ssettag $0x0;
	lr =	simm.s32 $0x1  }
0x2: {  	[smem:$0x3F99] =	sst lr;
	_ =	strace $0xD0000000  }
0x3: {  	_ = 	snop  }
0x4: {  	_ = 	snop  }
0x5: {  	_ = 	snop  }
0x6: {  	_ = 	snop  }
0x7: {  	_ = 	snop  }
__scs_overlays_trampoline_lowered:
0x8: {  	[smem:$0x3FA8] =	sst s0  }
0x9: {  	[smem:$0x3FA9] =	sst s1  }
0xa: {  	[smem:$0x3FAA] =	sst s2  }
0xb: {  	[smem:$0x3FAB] =	sst s3  }
0xc: {  	[smem:$0x3FAC] =	sst s4  }
0xd: {  	[smem:$0x3FAD] =	sst s5  }
0xe: {  	[smem:$0x3FAE] =	sst s6  }
0xf: {  	[smem:$0x3FAF] =	sst s7  }
0x10: {  	[smem:$0x3FB0] =	sst s8  }
0x11: {  	[smem:$0x3FB1] =	sst s9;
	s0 =	simm.s32 @!p0 $0x0  }
0x12: {  	s1 =	sld [smem:$0x3F97];
	s0 =	simm.s32 @p0 $0x1  }
0x13: {  	[smem:$0x3FB2] =	sst s0;
	s0 =	simm.s32 @!p1 $0x0  }
0x14: {  	s2 =	sld [smem:$0x3F96];
	s0 =	simm.s32 @p1 $0x1  }
0x15: {  	[smem:$0x3FB3] =	sst s0;
	s0 =	simm.s32 @!p2 $0x0  }
0x16: {  	s3 =	sld [smem:$0x3FDB];
	s0 =	simm.s32 @p2 $0x1  }
0x17: {  	s4 =	simm.s32 $0x1BF5;
	[smem:$0x3FB5] =	sst s0  }
0x18: {  	s0 =	sld [smem:$0x3F98];
	_ =	swait.ge [sflag:s4], $0x0  }
0x19: {  	s7 =	sld [smem:$0x3F99]  }
0x1a: {  	s8 =	sadd.s32 $0xFFFFE003, lr  }
0x1b: {  	s9 =	sadd.s32 $0xFFFFFEF7, lr;
	s5 =	simm.s32 $0xFFFFFFFF;
	p2 =	slt.u32 s8, $0xFFFFF086  }
0x1c: {  	p1 =	slt.u32 s9, $0xF7A;
	s5 =	simm.s32 @!p2 $0x0  }
0x1d: {  	s5 =	simm.s32 @p1 $0x1;
	p0 =	seq.s32 s7, s2  }
0x1e: {  	s7 =	smul.u32 @!p0 $0xF7A, s2;
	p2 =	seq.s32 @!p0 s5, $0x0  }
0x1f: {  	s9 =	smul.u32 $0xF7A, s1;
	s8 =	simm.s32 @!p0 $0x1BF5;
	p2 =	por !p2, p0  }
0x20: {  	[sflag:s8] =	ssyncset.s32 @!p0 $0xFFFFF086;
	s6 =	sadd.s32 @!p0 s3, s7;
	s7 =	simm.s32 @!p0 $0x108  }
0x21: {  	s3 =	sadd.s32 s3, s9;
	s6 =	sadd.s32 @!p0 $0x88, s6;
	s7 =	simm.s32 @p2 $0x1082  }
0x22: {  	[simem:s7], [sflag:s8] =	dma.local @!p0 [hbm:s6], $0xF7A  }
0x23: {  	s9 =	sor.u32 $0xD0000000, s2;
	s6 =	simm.s32 $0x108;
	_ =	swait.ge @!p0 [sflag:s8], $0x0  }
0x24: {  	s3 =	sadd.s32 $0x88, s3;
	s6 =	simm.s32 @!p1 $0x1082;
	[sflag:s4] =	ssyncset.s32 $0xFFFFF086  }
0x25: {  	[simem:s6], [sflag:s4] =	dma.local [hbm:s3], $0xF7A  }
0x26: {  	[smem:$0x3F99] =	sst s1;
	(tag) =	ssettag s2;
	_ =	strace s9  }
0x27: {  	s1 =	sld [smem:$0x3FA9]  }
0x28: {  	s2 =	sld [smem:$0x3FAA]  }
0x29: {  	s4 =	sld [smem:$0x3FAC]  }
0x2a: {  	p0 =	seq.s32 s5, $0x0;
	s5 =	sld [smem:$0x3FAD]  }
0x2b: {  	s6 =	sld [smem:$0x3FAE]  }
0x2c: {  	s7 =	sld [smem:$0x3FAF]  }
0x2d: {  	s3 =	simm.s32 $0x108;
	s8 =	sld [smem:$0x3FB0]  }
0x2e: {  	s3 =	simm.s32 @!p0 $0x1082;
	s9 =	sld [smem:$0x3FB1]  }
0x2f: {  	lr =	sadd.s32 s0, s3;
	s0 =	sld [smem:$0x3FA8]  }
0x30: {  	s3 =	sld [smem:$0x3FAB]  }
0x31: {  	[smem:$0x3FB4] =	sst s10  }
0x32: {  	s10 =	sld [smem:$0x3FB2];
	_ =	sdelay $0x3  }
0x33: {  	p0 =	seq.s32 s10, $0x1;
	s10 =	sld [smem:$0x3FB4];
	_ =	sdelay $0x3  }
0x34: {  	[smem:$0x3FB4] =	sst s10  }
0x35: {  	s10 =	sld [smem:$0x3FB3];
	_ =	sdelay $0x3  }
0x36: {  	p1 =	seq.s32 s10, $0x1;
	s10 =	sld [smem:$0x3FB4];
	_ =	sdelay $0x3  }
0x37: {  	[smem:$0x3FB4] =	sst s10  }
0x38: {  	s10 =	sld [smem:$0x3FB5]  }
0x39: {  	_ = 	snop;
	(pc) =	sbr.ind lr, $3  }
0x3a: {  	_ = 	snop  }
0x3b: {  	_ = 	snop  }
0x3c: {  	p2 =	seq.s32 s10, $0x1;
	s10 =	sld [smem:$0x3FB4]  }
0x3d: {  	_ =	shalt  }
0x3e: {  	_ =	shalt  }
0x3f: {  	_ =	shalt  }
0x40: {  	_ =	shalt  }
0x41: {  	_ =	shalt  }
0x42: {  	_ =	shalt  }
0x43: {  	_ =	shalt  }
0x44: {  	_ =	shalt  }
0x45: {  	_ =	shalt  }
0x46: {  	_ =	shalt  }
0x47: {  	_ =	shalt  }
0x48: {  	_ =	shalt  }
0x49: {  	_ =	shalt  }
0x4a: {  	_ =	shalt  }
0x4b: {  	_ =	shalt  }
0x4c: {  	_ =	shalt  }
0x4d: {  	_ =	shalt  }
0x4e: {  	_ =	shalt  }
0x4f: {  	_ =	shalt  }
0x50: {  	_ =	shalt  }
0x51: {  	_ =	shalt  }
0x52: {  	_ =	shalt  }
0x53: {  	_ =	shalt  }
0x54: {  	_ =	shalt  }
0x55: {  	_ =	shalt  }
0x56: {  	_ =	shalt  }
0x57: {  	_ =	shalt  }
0x58: {  	_ =	shalt  }
0x59: {  	_ =	shalt  }
0x5a: {  	_ =	shalt  }
0x5b: {  	_ =	shalt  }
0x5c: {  	_ =	shalt  }
0x5d: {  	_ =	shalt  }
0x5e: {  	_ =	shalt  }
0x5f: {  	_ =	shalt  }
0x60: {  	_ =	shalt  }
0x61: {  	_ =	shalt  }
0x62: {  	_ =	shalt  }
0x63: {  	_ =	shalt  }
0x64: {  	_ =	shalt  }
0x65: {  	_ =	shalt  }
0x66: {  	_ =	shalt  }
0x67: {  	_ =	shalt  }
0x68: {  	_ =	shalt  }
0x69: {  	_ =	shalt  }
0x6a: {  	_ =	shalt  }
0x6b: {  	_ =	shalt  }
0x6c: {  	_ =	shalt  }
0x6d: {  	_ =	shalt  }
0x6e: {  	_ =	shalt  }
0x6f: {  	_ =	shalt  }
0x70: {  	_ =	shalt  }
0x71: {  	_ =	shalt  }
0x72: {  	_ =	shalt  }
0x73: {  	_ =	shalt  }
0x74: {  	_ =	shalt  }
0x75: {  	_ =	shalt  }
0x76: {  	_ =	shalt  }
0x77: {  	_ =	shalt  }
0x78: {  	_ =	shalt  }
0x79: {  	_ =	shalt  }
0x7a: {  	_ =	shalt  }
0x7b: {  	_ =	shalt  }
0x7c: {  	_ =	shalt  }
0x7d: {  	_ =	shalt  }
0x7e: {  	_ =	shalt  }
0x7f: {  	_ =	shalt  }
0x80: {  	_ =	shalt  }
0x81: {  	_ =	shalt  }
0x82: {  	_ =	shalt  }
0x83: {  	_ =	shalt  }
0x84: {  	_ =	shalt  }
0x85: {  	_ =	shalt  }
0x86: {  	_ =	shalt  }
0x87: {  	_ =	shalt  }
.Lfunc_end0:
.L_simem_size_0:
called_computation.3_lowered:
.L_overlay_start_0:
0x88: {  	s2 =	sld [smem:$0x3FD9]  }
0x89: {  	s3 =	sld [smem:$0x3FFE];
	_ =	sdelay $0x1  }
0x8a: {  	s1 =	srdreg.scid  }
0x8b: {  	s0 =	sand.u32 $0x1, s1  }
0x8c: {  	s17 =	sshll.u32 s0, $0xA;
	s2 =	sadd.s32 s3, s2  }
0x8d: {  	s2 =	sadd.s32 s2, s17  }
0x8e: {  	[smem:$0x3FC0] =	sst s2  }
0x8f: {  	_ = 	snop  }
0x90: {  	s2 =	sld [smem:$0x3FD0];
	(tm) =	ssettm $0x1  }
0x91: {  	s18 =	sld [smem:$0x3FFB];
	_ =	sdelay $0x3  }
0x92: {  	_ =	strace s18  }
0x93: {  	s3 =	sld [smem:$0x3FFC];
	_ =	sdelay $0x3  }
0x94: {  	_ =	strace s3  }
0x95: {  	s3 =	sld [smem:$0x3FFD];
	_ =	sdelay $0x3  }
0x96: {  	_ =	strace s3  }
0x97: {  	_ =	strace $0x8FFFFFFF  }
0x98: {  	s19 =	sld [smem:$0x3FDB];
	_ =	sdelay $0x1  }
0x99: {  	s4 =	simm.s32 $_scs_section_size  }
0x9a: {  	s5 =	simm.s32 $_size__tile_overlayer_lowered;
	s6 =	simm.s32 $_tile_overlayer_lowered  }
0x9b: {  	s22 =	simm.s32 $0x1BFF;
	s21 =	sshll.u32 s6, $0x1;
	s3 =	sadd.s32 s4, s19  }
0x9c: {  	s7 =	simm.s32 $0x0;
	s20 =	sshll.u32 s5, $0x1;
	s5 =	sadd.s32 s21, s3  }
0x9d: {  	[timem:s7], [sflag:s22] =	dma.local [hbm:s5], s20  }
0x9e: {  	_ =	swait.ge [sflag:s22], s20  }
0x9f: {  	s4 =	ssub.s32 $0x0, s20;
	[sflag:s22] =	ssyncset.done $0x0  }
0xa0: {  	[sflag:s22] =	ssyncadd.s32 s4;
	_ =	sdelay $0x1  }
0xa1: {  	s23 =	simm.s32 $0x1B8B  }
0xa2: {  	_ =	swait.ge [sflag:s23], $0x1  }
0xa3: {  	[sflag:s23] =	ssyncset.done $0x0  }
0xa4: {  	s25 =	simm.s32 $0x1B8E;
	s24 =	sld [smem:$0x3FFE];
	[sflag:s23] =	ssyncadd.s32 $0xFFFFFFFF  }
0xa5: {  	s26 =	simm.s32 $execute0_lowered;
	[smem:$0x3FD2] =	sst s25  }
0xa6: {  	s5 =	sshll.u32 s26, $0x1;
	_ =	strace $0x8000004F;
	[dreg:$0x1] =	wrdreg $0xFFFFFFFF  }
0xa7: {  	s28 =	simm.s32 $_size_execute0_lowered;
	s3 =	sadd.s32 s3, s5;
	[dreg:$0x0] =	wrdreg $0x0  }
0xa8: {  	s5 =	sshll.u32 s28, $0x1;
	[dreg:$0x2] =	wrdreg s3  }
0xa9: {  	[dreg:$0x3] =	wrdreg s5  }
0xaa: {  	[dreg:$0x4] =	wrdreg $0xC0  }
0xab: {  	_ =	task [dreg:s7], $0x5FFFF  }
0xac: {  	[dreg:$0x1] =	wrdreg $0xFFFFFFFF  }
0xad: {  	[dreg:$0x0] =	wrdreg $0x60  }
0xae: {  	[dreg:$0x2] =	wrdreg s24  }
0xaf: {  	[dreg:$0x3] =	wrdreg s2  }
0xb0: {  	[dreg:$0x4] =	wrdreg $0xA8000  }
0xb1: {  	[dreg:$0x5] =	wrdreg $0x9  }
0xb2: {  	_ =	task.clear_ibuf [dreg:s7], $0x6FFFF;
	_ =	strace $0x9000004F  }
0xb3: {  	s29 =	simm.s32 $0x9;
	_ =	strace $0x80000051  }
0xb4: {  	_ =	swait.ge [sflag:s29], $0x1  }
0xb5: {  	[sflag:s29] =	ssyncadd.s32 $0xFFFFFFFF  }
0xb6: {  	_ =	strace $0x90000051  }
0xb7: {  	_ =	sfence  }
0xb8: {  	s30 =	sld [smem:$0x0];
	_ =	sdelay $0x2  }
0xb9: {  	s31 =	sshll.u32 s1, $0xD;
	s1 =	sshrl.u32 s1, $0x2  }
0xba: {  	s3 =	sand.u32 $0x4000, s31;
	s1 =	sadd.s32 s1, s30  }
0xbb: {  	s0 =	sor.u32 s3, s0;
	s1 =	sshll.u32 s1, $0x11  }
0xbc: {  	s0 =	sor.u32 s1, s0  }
0xbd: {  	s0 =	sadd.s32 $0x8F2B, s0  }
0xbe: {  	[sflag:s0] =	ssyncadd.remote.s32 $0x1  }
0xbf: {  	_ =	sfence.sel $0xFFFF  }
0xc0: {  	[dreg:$0x0] =	wrdreg $0xFFFFFFFF;
	(pc) =	sbr.abs _section_cstart, $3  }
0xc1: {  	[dreg:$0x1] =	wrdreg $0xFFFFFFFF  }
0xc2: {  	_ =	task.clear_ibuf [dreg:s7], $0x2FFFF;
	_ =	strace $0x9FFFFFFF  }
0xc3: {  	(tm) =	ssettm $0x7FFFFFFF  }
tec
execute0_lowered:
.L_overlay_start_1:
0x0: {  	(tag) =	ssettag $0x1  }
0x1: {  	s5 =	rddreg [dreg:$0x0]  }
0x2: {  	s10 =	rddreg [dreg:$0x1]  }
0x3: {  	s2 =	rddreg [dreg:$0x2]  }
0x4: {  	s0 =	rddreg [dreg:$0x3];
	s4 =	srdreg.scid  }
0x5: {  	s1 =	stileid.u32;
	s3 =	simm.s32 $0x0;
	s15 =	simm.s32 $0x1400  }
0x6: {  	s16 =	simm.s32 $0x80;
	s17 =	simm.s32 $0x2800;
	s18 =	simm.s32 $0x6800  }
0x7: {  	s19 =	simm.s32 $0x1;
	s20 =	simm.s32 $0x2;
	s21 =	simm.s32 $0x1380  }
0x8: {  	s22 =	simm.s32 $0x2700;
	s23 =	simm.s32 $0x2780;
	s24 =	simm.s32 $0x0  }
0x9: {  	s6 =	sand.u32 $0x1, s4;
	s7 =	smul.u32 $0x13C00, s1;
	[smem:$0x7FF] =	sst s3  }
0xa: {  	s4 =	sadd.s32 $0x17200, s5;
	s9 =	sadd.s32 $0xD200, s5;
	s11 =	smul.u32 $0x4F000, s1  }
0xb: {  	s12 =	sshll.u32 s1, $0x1;
	s29 =	sshll.u32 s1, $0x6;
	s8 =	smul.u32 $0x13C000, s6  }
0xc: {  	_ =	strace $0x80000050;
	s13 =	ssub.s32 $0x2, s6;
	s6 =	sor.u32 s6, s12  }
0xd: {  	s25 =	sshrl.u32 s13, $0x1;
	s11 =	sshrl.u32 s11, $0x2;
	s6 =	smul.u32 $0x2800, s6  }
0xe: {  	s28 =	sshrl.u32 s7, $0x3;
	s8 =	sadd.s32 s7, s8;
	s12 =	ssub.s32 s13, s25  }
0xf: {  	s26 =	sadd.s32 s11, s2;
	s8 =	sshrl.u32 s8, $0x3;
	s30 =	sshrl.u32 s6, $0x3  }
0x10: {  	s6 =	sor.u32 $0x1C03, s29;
	s12 =	smax.u32 s12, $0x1;
	s13 =	sshrl.u32 s26, $0x3  }
0x11: {  	s14 =	sadd.s32 s8, s5;
	s5 =	sadd.s32 s4, s28;
	s31 =	sadd.s32 $0x280, s30  }
0x12: {  	s7 =	sadd.s32 s9, s30;
	s8 =	sadd.s32 s10, s30;
	s9 =	sadd.s32 s9, s31  }
0x13: {  	s10 =	sadd.s32 s10, s31;
	s11 =	sadd.s32 $0x3EA00, s14;
	s14 =	simm.s32 $0x3  }
.LBB2_1:
0x14: {  	[spmem:s13], [sflag:s6] =	dma.local [hbm:s5], $0x2780  }
0x15: {  	_ =	swait.ge [sflag:s14], $0x2780  }
0x16: {  	[sflag:s14] =	ssyncset.done $0x0  }
0x17: {  	[sflag:s14] =	ssyncadd.s32 $0xFFFFD880  }
0x18: {  	[bflag:$0x0] =	sbarrier.arrive $0xFFFF  }
0x19: {  	[tilespmem:s3], [sflag:$0x3] =	stream.linear.gather [hbm4b:s7+s3], $0x1400, $0x38;
	[tilespmem:$0x1E400] =	vst v63  }
0x1a: {  	_ =	swait.ge [sflag:s14], $0x1400  }
0x1b: {  	[sflag:s14] =	ssyncset.done $0x0  }
0x1c: {  	[sflag:s14] =	ssyncadd.s32 $0xFFFFEC00  }
0x1d: {  	[tilespmem:s15], [sflag:$0x3] =	stream.linear.gather [hbm4b:s8+s3], $0x1400, $0x38;
	[tilespmem:$0x1E400] =	vst v63  }
0x1e: {  	_ =	swait.ge [sflag:s14], $0x1400  }
0x1f: {  	[sflag:s14] =	ssyncset.done $0x0  }
0x20: {  	[sflag:s14] =	ssyncadd.s32 $0xFFFFEC00  }
0x21: {  	[tilespmem:s17], [sflag:$0x1] =	stream.indirect.gather [hbm4b:s4+s16], $0x80, s3, s16, $0xb8;
	[tilespmem:$0x1E400] =	vst v63  }
0x22: {  	s25 =	simm.s32 $0x80  }
0x23: {  	[tilespmem:s18], [sflag:$0x2] =	stream.indirect.gather [hbm4b:s4+s16], $0x80, s25, s16, $0xb8;
	[tilespmem:$0x1E400] =	vst v63  }
0x24: {  	_ =	swait.ge [sflag:s19], $0x4000  }
0x25: {  	[sflag:s19] =	ssyncset.done $0x0  }
0x26: {  	s29 =	simm.s32 $0x1400;
	[sflag:s19] =	ssyncadd.s32 $0xFFFFC000  }
0x27: {  	[spmem:s2] =	stream.indirect.scatter.add.f32 [tilespmem:s17], [sflag:$0x3], $0x80, s29, s16, $0xb8;
	[tilespmem:$0x1E400] =	vst v63  }
0x28: {  	_ =	swait.ge [sflag:s14], $0x4000  }
0x29: {  	[sflag:s14] =	ssyncset.done $0x0  }
0x2a: {  	s30 =	simm.s32 $0x100;
	[sflag:s14] =	ssyncadd.s32 $0xFFFFC000  }
0x2b: {  	[tilespmem:s17], [sflag:$0x1] =	stream.indirect.gather [hbm4b:s4+s16], $0x80, s30, s16, $0xb8;
	[tilespmem:$0x1E400] =	vst v63  }
0x2c: {  	_ =	swait.ge [sflag:s20], $0x4000  }
0x2d: {  	[sflag:s20] =	ssyncset.done $0x0  }
0x2e: {  	s31 =	simm.s32 $0x1480;
	[sflag:s20] =	ssyncadd.s32 $0xFFFFC000  }
0x2f: {  	[spmem:s2] =	stream.indirect.scatter.add.f32 [tilespmem:s18], [sflag:$0x3], $0x80, s31, s16, $0xb8;
	[tilespmem:$0x1E400] =	vst v63  }
0x30: {  	_ =	swait.ge [sflag:s14], $0x4000  }
0x31: {  	s26 =	simm.s32 $0x800;
	s25 =	simm.s32 $0x100;
	[sflag:s14] =	ssyncset.done $0x0  }
.LBB2_2:
0x32: {  	s28 =	sadd.s32 $0x80, s25  }
0x33: {  	[sflag:s14] =	ssyncadd.s32 $0xFFFFC000;
	s29 =	smov.u32 s26;
	s30 =	sadd.s32 $0x400, s26  }
0x34: {  	[tilespmem:s18], [sflag:$0x2] =	stream.indirect.gather [hbm4b:s4+s16], $0x80, s28, s16, $0xb8;
	[tilespmem:$0x1E400] =	vst v63  }
0x35: {  	p0 =	sne.s32 s26, $0x4800;
	_ =	swait.ge [sflag:s19], $0x4000  }
0x36: {  	[sflag:s19] =	ssyncset.done $0x0  }
0x37: {  	s26 =	sadd.s32 $0x1400, s25;
	[sflag:s19] =	ssyncadd.s32 $0xFFFFC000  }
0x38: {  	[spmem:s2] =	stream.indirect.scatter.add.f32 [tilespmem:s17], [sflag:$0x3], $0x80, s26, s16, $0xb8;
	[tilespmem:$0x1E400] =	vst v63  }
0x39: {  	_ =	swait.ge [sflag:s14], $0x4000  }
0x3a: {  	[sflag:s14] =	ssyncset.done $0x0  }
0x3b: {  	s26 =	sadd.s32 $0x100, s25;
	[sflag:s14] =	ssyncadd.s32 $0xFFFFC000  }
0x3c: {  	[tilespmem:s17], [sflag:$0x1] =	stream.indirect.gather [hbm4b:s4+s16], $0x80, s26, s16, $0xb8;
	[tilespmem:$0x1E400] =	vst v63  }
0x3d: {  	_ =	swait.ge [sflag:s20], $0x4000  }
.Ltmp0:
0x3e: {  	[sflag:s20] =	ssyncset.done $0x0;
	(pc) =	sbr.rel @p0 .LBB2_2-.Ltmp0, $4  }
0x3f: {  	s25 =	sadd.s32 $0x1480, s25;
	[sflag:s20] =	ssyncadd.s32 $0xFFFFC000  }
0x40: {  	[spmem:s2] =	stream.indirect.scatter.add.f32 [tilespmem:s18], [sflag:$0x3], $0x80, s25, s16, $0xb8;
	[tilespmem:$0x1E400] =	vst v63  }
0x41: {  	_ =	swait.ge [sflag:s14], $0x4000  }
0x42: {  	s26 =	smov.u32 s30;
	s25 =	sshra.s32 s29, $0x2;
	[sflag:s14] =	ssyncset.done $0x0  }
0x43: {  	s26 =	sadd.s32 $0x80, s25;
	[sflag:s14] =	ssyncadd.s32 $0xFFFFC000  }
0x44: {  	[tilespmem:s18], [sflag:$0x2] =	stream.indirect.gather [hbm4b:s4+s16], $0x80, s26, s16, $0xb8;
	[tilespmem:$0x1E400] =	vst v63  }
0x45: {  	_ =	swait.ge [sflag:s19], $0x4000  }
0x46: {  	[sflag:s19] =	ssyncset.done $0x0  }
0x47: {  	s29 =	sadd.s32 $0x1400, s25;
	[sflag:s19] =	ssyncadd.s32 $0xFFFFC000  }
0x48: {  	[spmem:s2] =	stream.indirect.scatter.add.f32 [tilespmem:s17], [sflag:$0x3], $0x80, s29, s16, $0xb8;
	[tilespmem:$0x1E400] =	vst v63  }
0x49: {  	_ =	swait.ge [sflag:s14], $0x4000  }
0x4a: {  	[sflag:s14] =	ssyncset.done $0x0  }
0x4b: {  	s30 =	sadd.s32 $0x100, s25;
	[sflag:s14] =	ssyncadd.s32 $0xFFFFC000  }
0x4c: {  	[tilespmem:s17], [sflag:$0x1] =	stream.indirect.gather [hbm4b:s4+s16], $0x80, s30, s16, $0xb8;
	[tilespmem:$0x1E400] =	vst v63  }
0x4d: {  	_ =	swait.ge [sflag:s20], $0x4000  }
0x4e: {  	[sflag:s20] =	ssyncset.done $0x0  }
0x4f: {  	s31 =	sadd.s32 $0x1480, s25;
	[sflag:s20] =	ssyncadd.s32 $0xFFFFC000  }
0x50: {  	[spmem:s2] =	stream.indirect.scatter.add.f32 [tilespmem:s18], [sflag:$0x3], $0x80, s31, s16, $0xb8;
	[tilespmem:$0x1E400] =	vst v63  }
0x51: {  	_ =	swait.ge [sflag:s14], $0x4000  }
0x52: {  	[sflag:s14] =	ssyncset.done $0x0  }
0x53: {  	[sflag:s14] =	ssyncadd.s32 $0xFFFFC000  }
0x54: {  	[tilespmem:s18], [sflag:$0x2] =	stream.indirect.gather [hbm4b:s4+s16], $0x80, s21, s16, $0xb8;
	[tilespmem:$0x1E400] =	vst v63  }
0x55: {  	_ =	swait.ge [sflag:s19], $0x4000  }
0x56: {  	[sflag:s19] =	ssyncset.done $0x0  }
0x57: {  	[sflag:s19] =	ssyncadd.s32 $0xFFFFC000  }
0x58: {  	[spmem:s2] =	stream.indirect.scatter.add.f32 [tilespmem:s17], [sflag:$0x3], $0x80, s22, s16, $0xb8;
	[tilespmem:$0x1E400] =	vst v63  }
0x59: {  	_ =	swait.ge [sflag:s14], $0x4000  }
0x5a: {  	[sflag:s14] =	ssyncset.done $0x0  }
0x5b: {  	[sflag:s14] =	ssyncadd.s32 $0xFFFFC000  }
0x5c: {  	[tilespmem:s17], [sflag:$0x1] =	stream.indirect.gather [hbm4b:s4+s16], $0x80, s21, s16, $0xb8;
	[tilespmem:$0x1E400] =	vst v63  }
0x5d: {  	_ =	swait.ge [sflag:s20], $0x4000  }
0x5e: {  	[sflag:s20] =	ssyncset.done $0x0  }
0x5f: {  	[sflag:s20] =	ssyncadd.s32 $0xFFFFC000  }
0x60: {  	[spmem:s2] =	stream.indirect.scatter.add.f32 [tilespmem:s18], [sflag:$0x3], $0x80, s23, s16, $0xb8;
	[tilespmem:$0x1E400] =	vst v63  }
0x61: {  	_ =	swait.ge [sflag:s14], $0x4000  }
0x62: {  	[sflag:s14] =	ssyncset.done $0x0  }
0x63: {  	[sflag:s14] =	ssyncadd.s32 $0xFFFFC000  }
0x64: {  	_ =	swait.ge [sflag:s19], $0x4000  }
0x65: {  	[sflag:s19] =	ssyncset.done $0x0  }
0x66: {  	s26 =	simm.s32 $0x0;
	[sflag:s19] =	ssyncadd.s32 $0xFFFFC000  }
0x67: {  	[tilespmem:s26], [sflag:$0x3] =	stream.linear.gather [hbm4b:s9+s26], $0x1400, $0x38;
	[tilespmem:$0x1E400] =	vst v63  }
0x68: {  	_ =	swait.ge [sflag:s14], $0x1400  }
0x69: {  	[sflag:s14] =	ssyncset.done $0x0  }
0x6a: {  	[sflag:s14] =	ssyncadd.s32 $0xFFFFEC00  }
0x6b: {  	[tilespmem:s15], [sflag:$0x3] =	stream.linear.gather [hbm4b:s10+s26], $0x1400, $0x38;
	[tilespmem:$0x1E400] =	vst v63  }
0x6c: {  	_ =	swait.ge [sflag:s14], $0x1400  }
0x6d: {  	[sflag:s14] =	ssyncset.done $0x0  }
0x6e: {  	[sflag:s14] =	ssyncadd.s32 $0xFFFFEC00  }
0x6f: {  	[tilespmem:s17], [sflag:$0x1] =	stream.indirect.gather [hbm4b:s4+s16], $0x80, s26, s16, $0xb8;
	[tilespmem:$0x1E400] =	vst v63  }
0x70: {  	s28 =	simm.s32 $0x80  }
0x71: {  	[tilespmem:s18], [sflag:$0x2] =	stream.indirect.gather [hbm4b:s4+s16], $0x80, s28, s16, $0xb8;
	[tilespmem:$0x1E400] =	vst v63  }
0x72: {  	_ =	swait.ge [sflag:s19], $0x4000  }
0x73: {  	[sflag:s19] =	ssyncset.done $0x0  }
0x74: {  	s29 =	simm.s32 $0x1400;
	[sflag:s19] =	ssyncadd.s32 $0xFFFFC000  }
0x75: {  	[spmem:s2] =	stream.indirect.scatter.add.f32 [tilespmem:s17], [sflag:$0x3], $0x80, s29, s16, $0xb8;
	[tilespmem:$0x1E400] =	vst v63  }
0x76: {  	_ =	swait.ge [sflag:s14], $0x4000  }
0x77: {  	[sflag:s14] =	ssyncset.done $0x0  }
0x78: {  	s30 =	simm.s32 $0x100;
	[sflag:s14] =	ssyncadd.s32 $0xFFFFC000  }
0x79: {  	[tilespmem:s17], [sflag:$0x1] =	stream.indirect.gather [hbm4b:s4+s16], $0x80, s30, s16, $0xb8;
	[tilespmem:$0x1E400] =	vst v63  }
0x7a: {  	_ =	swait.ge [sflag:s20], $0x4000  }
0x7b: {  	[sflag:s20] =	ssyncset.done $0x0  }
0x7c: {  	s31 =	simm.s32 $0x1480;
	[sflag:s20] =	ssyncadd.s32 $0xFFFFC000  }
0x7d: {  	[spmem:s2] =	stream.indirect.scatter.add.f32 [tilespmem:s18], [sflag:$0x3], $0x80, s31, s16, $0xb8;
	[tilespmem:$0x1E400] =	vst v63  }
0x7e: {  	_ =	swait.ge [sflag:s14], $0x4000  }
0x7f: {  	s25 =	simm.s32 $0x100;
	s26 =	simm.s32 $0x800;
	[sflag:s14] =	ssyncset.done $0x0  }
.LBB2_4:
0x80: {  	s28 =	sadd.s32 $0x80, s25  }
0x81: {  	[sflag:s14] =	ssyncadd.s32 $0xFFFFC000;
	s29 =	smov.u32 s26;
	s30 =	sadd.s32 $0x400, s26  }
0x82: {  	[tilespmem:s18], [sflag:$0x2] =	stream.indirect.gather [hbm4b:s4+s16], $0x80, s28, s16, $0xb8;
	[tilespmem:$0x1E400] =	vst v63  }
0x83: {  	p0 =	sne.s32 s26, $0x4800;
	_ =	swait.ge [sflag:s19], $0x4000  }
0x84: {  	[sflag:s19] =	ssyncset.done $0x0  }
0x85: {  	s26 =	sadd.s32 $0x1400, s25;
	[sflag:s19] =	ssyncadd.s32 $0xFFFFC000  }
0x86: {  	[spmem:s2] =	stream.indirect.scatter.add.f32 [tilespmem:s17], [sflag:$0x3], $0x80, s26, s16, $0xb8;
	[tilespmem:$0x1E400] =	vst v63  }
0x87: {  	_ =	swait.ge [sflag:s14], $0x4000  }
0x88: {  	[sflag:s14] =	ssyncset.done $0x0  }
0x89: {  	s26 =	sadd.s32 $0x100, s25;
	[sflag:s14] =	ssyncadd.s32 $0xFFFFC000  }
0x8a: {  	[tilespmem:s17], [sflag:$0x1] =	stream.indirect.gather [hbm4b:s4+s16], $0x80, s26, s16, $0xb8;
	[tilespmem:$0x1E400] =	vst v63  }
0x8b: {  	_ =	swait.ge [sflag:s20], $0x4000  }
.Ltmp1:
0x8c: {  	[sflag:s20] =	ssyncset.done $0x0;
	(pc) =	sbr.rel @p0 .LBB2_4-.Ltmp1, $4  }
0x8d: {  	s25 =	sadd.s32 $0x1480, s25;
	[sflag:s20] =	ssyncadd.s32 $0xFFFFC000  }
0x8e: {  	[spmem:s2] =	stream.indirect.scatter.add.f32 [tilespmem:s18], [sflag:$0x3], $0x80, s25, s16, $0xb8;
	[tilespmem:$0x1E400] =	vst v63  }
0x8f: {  	_ =	swait.ge [sflag:s14], $0x4000  }
0x90: {  	s26 =	smov.u32 s30;
	s25 =	sshra.s32 s29, $0x2;
	[sflag:s14] =	ssyncset.done $0x0  }
0x91: {  	s26 =	sadd.s32 $0x80, s25;
	[sflag:s14] =	ssyncadd.s32 $0xFFFFC000  }
0x92: {  	[tilespmem:s18], [sflag:$0x2] =	stream.indirect.gather [hbm4b:s4+s16], $0x80, s26, s16, $0xb8;
	[tilespmem:$0x1E400] =	vst v63  }
0x93: {  	_ =	swait.ge [sflag:s19], $0x4000  }
0x94: {  	[sflag:s19] =	ssyncset.done $0x0  }
0x95: {  	s29 =	sadd.s32 $0x1400, s25;
	[sflag:s19] =	ssyncadd.s32 $0xFFFFC000  }
0x96: {  	[spmem:s2] =	stream.indirect.scatter.add.f32 [tilespmem:s17], [sflag:$0x3], $0x80, s29, s16, $0xb8;
	[tilespmem:$0x1E400] =	vst v63  }
0x97: {  	_ =	swait.ge [sflag:s14], $0x4000  }
0x98: {  	[sflag:s14] =	ssyncset.done $0x0  }
0x99: {  	s30 =	sadd.s32 $0x100, s25;
	[sflag:s14] =	ssyncadd.s32 $0xFFFFC000  }
0x9a: {  	[tilespmem:s17], [sflag:$0x1] =	stream.indirect.gather [hbm4b:s4+s16], $0x80, s30, s16, $0xb8;
	[tilespmem:$0x1E400] =	vst v63  }
0x9b: {  	_ =	swait.ge [sflag:s20], $0x4000  }
0x9c: {  	[sflag:s20] =	ssyncset.done $0x0  }
0x9d: {  	s31 =	sadd.s32 $0x1480, s25;
	[sflag:s20] =	ssyncadd.s32 $0xFFFFC000  }
0x9e: {  	[spmem:s2] =	stream.indirect.scatter.add.f32 [tilespmem:s18], [sflag:$0x3], $0x80, s31, s16, $0xb8;
	[tilespmem:$0x1E400] =	vst v63  }
0x9f: {  	_ =	swait.ge [sflag:s14], $0x4000  }
0xa0: {  	[sflag:s14] =	ssyncset.done $0x0  }
0xa1: {  	[sflag:s14] =	ssyncadd.s32 $0xFFFFC000  }
0xa2: {  	[tilespmem:s18], [sflag:$0x2] =	stream.indirect.gather [hbm4b:s4+s16], $0x80, s21, s16, $0xb8;
	[tilespmem:$0x1E400] =	vst v63  }
0xa3: {  	_ =	swait.ge [sflag:s19], $0x4000  }
0xa4: {  	[sflag:s19] =	ssyncset.done $0x0  }
0xa5: {  	[sflag:s19] =	ssyncadd.s32 $0xFFFFC000  }
0xa6: {  	[spmem:s2] =	stream.indirect.scatter.add.f32 [tilespmem:s17], [sflag:$0x3], $0x80, s22, s16, $0xb8;
	[tilespmem:$0x1E400] =	vst v63  }
0xa7: {  	_ =	swait.ge [sflag:s14], $0x4000  }
0xa8: {  	[sflag:s14] =	ssyncset.done $0x0  }
0xa9: {  	[sflag:s14] =	ssyncadd.s32 $0xFFFFC000  }
0xaa: {  	[tilespmem:s17], [sflag:$0x1] =	stream.indirect.gather [hbm4b:s4+s16], $0x80, s21, s16, $0xb8;
	[tilespmem:$0x1E400] =	vst v63  }
0xab: {  	_ =	swait.ge [sflag:s20], $0x4000  }
0xac: {  	[sflag:s20] =	ssyncset.done $0x0  }
0xad: {  	[sflag:s20] =	ssyncadd.s32 $0xFFFFC000  }
0xae: {  	[spmem:s2] =	stream.indirect.scatter.add.f32 [tilespmem:s18], [sflag:$0x3], $0x80, s23, s16, $0xb8;
	[tilespmem:$0x1E400] =	vst v63  }
0xaf: {  	_ =	swait.ge [sflag:s14], $0x4000  }
0xb0: {  	[sflag:s14] =	ssyncset.done $0x0  }
0xb1: {  	[sflag:s14] =	ssyncadd.s32 $0xFFFFC000  }
0xb2: {  	_ =	swait.ge [sflag:s19], $0x4000  }
0xb3: {  	s24 =	sadd.s32 $0x1, s24;
	[sflag:s19] =	ssyncset.done $0x0  }
0xb4: {  	p0 =	sne.s32 s24, s12;
	[sflag:s19] =	ssyncadd.s32 $0xFFFFC000  }
.Ltmp2:
0xb5: {  	[bflag:$0x0] =	sbarrier.arrive $0xFFFF;
	(pc) =	sbr.rel @p0 .LBB2_1-.Ltmp2, $4  }
0xb6: {  	[hbm:s11], [sflag:s6] =	dma.local [spmem:s13], $0x2780  }
0xb7: {  	_ =	swait.ge [sflag:s14], $0x2780  }
0xb8: {  	[sflag:s14] =	ssyncset.done $0x0  }
0xb9: {  	[sflag:s14] =	ssyncadd.s32 $0xFFFFD880  }
0xba: {  	_ =	sfence.sel $0x180000  }
0xbb: {  	[bflag:$0x0] =	sbarrier.arrive $0xFFFF  }
0xbc: {  	p0 =	sne.s32 s1, $0x0;
	_ =	strace $0x90000050  }
0xbd: {  	s0 =	sadd.s32 @!p0 $0x100000, s0;
	[bflag:$0x2] =	sbarrier.arrive $0xFFFF  }
0xbe: {  	[sflag:s0] =	ssyncadd.tile.s32 @!p0 $0x1;
	_ =	shalt  }
.Lfunc_end2:
_tile_overlayer_lowered:
.L_overlay_start_2:
0xbf: {  	(tag) =	ssettag $0x2  }
0xc0: {  	s0 =	rddreg [dreg:$0x0];
	s2 =	stileid.u32  }
0xc1: {  	s1 =	rddreg [dreg:$0x1];
	p0 =	sne.s32 s2, $0x0  }
0xc2: {  	s3 =	rddreg [dreg:$0x2];
	[bflag:$0x3] =	sbarrier.arrive $0xFFFF;
	s2 =	simm.s32 @!p0 $0x1C03  }
0xc3: {  	[timem:s3], [sflag:s2] =	dma.local @!p0 [hbm:s0], s1  }
0xc4: {  	s0 =	simm.s32 @!p0 $0x3  }
0xc5: {  	_ =	swait.ge @!p0 [sflag:s0], s1  }
0xc6: {  	s1 =	ssub.s32 @!p0 $0x0, s1;
	[sflag:s0] =	ssyncset.done @!p0 $0x0  }
0xc7: {  	[sflag:s0] =	ssyncadd.s32 @!p0 s1  }
0xc8: {  	[bflag:$0x3] =	sbarrier.arrive $0xFFFF  }
0xc9: {  	_ =	shalt  }

</sc_bundles>
